<compile_context>
chip_gen: v7x
topology: tpu7x:2x2x1
jax: 0.10.2.dev20260603
libtpu: 0.0.44.dev20260713+nightly
codegen_flags: <defaults>
</compile_context>

<pallas_src>
import functools

import jax
import jax.numpy as jnp
from jax import lax
from jax.experimental import pallas as pl
from jax.experimental.pallas import tpu as pltpu
from jax.experimental.pallas import tpu_sc as plsc

_ALPHA = 1000
_SEQ = 16384
_NC, _NS = 2, 16
_NW = _NC * _NS
_COLS = _SEQ // _NW
_R = 40
_NCH = _ALPHA // _R
_NBUF = 4
_LANE = 16
_NV = _COLS // _LANE


def _body(seq_hbm, out_hbm, seqv, bufs, sem):
    cid = lax.axis_index("c")
    sid = lax.axis_index("s")
    wid = sid * _NC + cid
    cbase = pl.multiple_of(wid * _COLS, _COLS)
    iota = lax.iota(jnp.int32, _LANE)

    zero16 = jnp.zeros((_LANE,), jnp.float32)

    def zb(i, carry):
        row = i // _NV
        col = pl.multiple_of((i % _NV) * _LANE, _LANE)
        for b in range(_NBUF):
            bufs[b, row, pl.ds(col, _LANE)] = zero16
        return carry

    lax.fori_loop(0, _R * _NV, zb, 0)

    pltpu.sync_copy(seq_hbm.at[pl.ds(cbase, _COLS)], seqv)

    def scan_chunk(r0, value):
        def sj(j, carry):
            c_local = j * _LANE + iota
            s = seqv[pl.ds(pl.multiple_of(j * _LANE, _LANE), _LANE)]
            mask = (s >= r0) & (s < r0 + _R)
            plsc.store_scatter(
                bufs.at[value[0]], [s - r0, c_local],
                jnp.full((_LANE,), value[1], jnp.float32), mask=mask
            )
            return carry
        lax.fori_loop(0, _NV, sj, 0)

    descs = [None] * _NCH
    for t in range(_NCH):
        b = t % _NBUF
        if t >= _NBUF:
            descs[t - _NBUF].wait()
            scan_chunk((t - _NBUF) * _R, (b, 0.0))
        scan_chunk(t * _R, (b, 1.0))
        descs[t] = pltpu.async_copy(
            bufs.at[b],
            out_hbm.at[pl.ds(t * _R, _R), pl.ds(cbase, _COLS)],
            sem,
        )
    for t in range(_NCH - _NBUF, _NCH):
        descs[t].wait()


@functools.partial(jax.jit, static_argnums=())
def _one_hot_sc(sequence):
    mesh = plsc.VectorSubcoreMesh(
        core_axis_name="c", subcore_axis_name="s", num_cores=_NC,
        num_subcores=_NS,
    )
    fn = pl.kernel(
        _body,
        out_type=jax.ShapeDtypeStruct((_ALPHA, _SEQ), jnp.float32),
        mesh=mesh,
        scratch_types=[
            pltpu.VMEM((_COLS,), jnp.int32),
            pltpu.VMEM((_NBUF, _R, _COLS), jnp.float32),
            pltpu.SemaphoreType.DMA,
        ],
        compiler_params=pltpu.CompilerParams(
            use_tc_tiling_on_sc=False, needs_layout_passes=False
        ),
    )
    return fn(sequence)


def kernel(sequence):
    return _one_hot_sc(sequence.astype(jnp.int32))

# --- scband reference (transcript-rebuilt; emitter-appended) ---
"""Pipeline reference for scband-one-hot-encoder-29703993819267 (READ-ONLY COPY).

The authoritative reference and input builder live on the scoring server;
editing this copy changes nothing except your own understanding.
"""

import jax, jax.numpy as jnp
import numpy as np

ALPHA_LEN = 1000
SEQ_LEN = 16384


def setup_inputs(seed: int = 0) -> dict:
    key = jax.random.key(seed)
    sequence = jax.random.randint(key, (SEQ_LEN,), 0, ALPHA_LEN, dtype=jnp.int64 if jax.config.jax_enable_x64 else jnp.int32)
    return {"sequence": sequence}


def reference(sequence) -> jnp.ndarray:
    # Faithful translation of OneHotEncoder.forward with code=int alphabet length,
    # numeric=False:
    #   result = zeros(alpha_len, data_len); result[coded, arange(data_len)] = 1
    data_len = sequence.shape[0]
    coded = sequence.astype(jnp.int32)
    cols = jnp.arange(data_len, dtype=jnp.int32)
    result = jnp.zeros((ALPHA_LEN, data_len), dtype=jnp.float32)
    result = result.at[coded, cols].set(1.0)
    return result

if __name__ == "__main__":
    import jax
    _d = setup_inputs()
    print(jax.jit(kernel)(*tuple(_d.values())))

</pallas_src>

<mosaic_0001>
#map = affine_map<(d0, d1) -> (0)>
#map1 = affine_map<(d0, d1) -> (0, 0)>
module attributes {stable_mosaic.version = 14 : i64} {
  func.func @_body(%arg0: i32, %arg1: i32, %arg2: memref<16384xi32, #tpu.memory_space<hbm>>, %arg3: memref<1000x16384xf32, #tpu.memory_space<hbm>>, %arg4: memref<512xi32, #tpu.memory_space<vmem>>, %arg5: memref<4x40x512xf32, #tpu.memory_space<vmem>>, %arg6: memref<!tpu.dma_semaphore, #tpu.memory_space<semaphore_mem>>) attributes {dimension_semantics = [#tpu.dimension_semantics<core_parallel>, #tpu.dimension_semantics<subcore_parallel>], iteration_bounds = array<i64: 2, 16>, scalar_prefetch = 0 : i64, scratch_operands = 3 : i64, tpu.core_type = #tpu.core_type<sc_vector_subcore>, window_params = [{transform_indices = #map}, {transform_indices = #map1}]} {
    %mul3A = arith.constant 2 : i32
    %mul3A_0 = arith.muli %arg1, %mul3A : i32
    %add3A = arith.addi %mul3A_0, %arg0 : i32
    %mul3A_1 = arith.constant 512 : i32
    %mul3A_2 = arith.muli %add3A, %mul3A_1 : i32
    %multiple_of3A = tpu.assume_multiple %mul3A_2, 512 : i32
    %iota3A = tpu.iota {dimensions = array<i32: 0>} : vector<16xi32>
    %broadcast_in_dim3A = arith.constant 0.000000e+00 : f32
    %broadcast_in_dim3A_3 = vector.broadcast %broadcast_in_dim3A : f32 to vector<16xf32>
    %scan3A = arith.constant 0 : i32
    %scan3A_4 = arith.constant 0 : i32
    %scan3A_5 = arith.constant 1280 : i32
    %scan3A_6 = arith.addi %scan3A_4, %scan3A_5 : i32
    %scan3A_7 = arith.constant 1 : i32
    scf.for %scan3A_933 = %scan3A_4 to %scan3A_6 step %scan3A_7  : i32 {
      %jit3A = arith.constant 32 : i32
      %div3A = arith.divsi %scan3A_933, %jit3A : i32
      %sign3A = arith.constant 0 : i32
      %sign3A_934 = arith.cmpi sgt, %scan3A_933, %sign3A : i32
      %sign3A_935 = arith.extui %sign3A_934 : i1 to i32
      %sign3A_936 = arith.constant 0 : i32
      %sign3A_937 = arith.cmpi slt, %scan3A_933, %sign3A_936 : i32
      %sign3A_938 = arith.extui %sign3A_937 : i1 to i32
      %sign3A_939 = arith.subi %sign3A_935, %sign3A_938 : i32
      %sign3A_940 = arith.constant 0 : i32
      %sign3A_941 = arith.cmpi sgt, %jit3A, %sign3A_940 : i32
      %sign3A_942 = arith.extui %sign3A_941 : i1 to i32
      %sign3A_943 = arith.constant 0 : i32
      %sign3A_944 = arith.cmpi slt, %jit3A, %sign3A_943 : i32
      %sign3A_945 = arith.extui %sign3A_944 : i1 to i32
      %sign3A_946 = arith.subi %sign3A_942, %sign3A_945 : i32
      %ne3A = arith.cmpi ne, %sign3A_939, %sign3A_946 : i32
      %rem3A = arith.remsi %scan3A_933, %jit3A : i32
      %ne3A_947 = arith.constant 0 : i32
      %ne3A_948 = arith.cmpi ne, %rem3A, %ne3A_947 : i32
      %and3A = arith.andi %ne3A, %ne3A_948 : i1
      %sub3A = arith.constant 1 : i32
      %sub3A_949 = arith.subi %div3A, %sub3A : i32
      %select_n3A = arith.select %and3A, %sub3A_949, %div3A : i32
      %jit3A_950 = arith.constant 32 : i32
      %eq3A = arith.constant 0 : i32
      %eq3A_951 = arith.cmpi eq, %jit3A_950, %eq3A : i32
      %jit3A_952 = arith.constant 1 : i32
      %select_n3A_953 = arith.select %eq3A_951, %jit3A_952, %jit3A_950 : i32
      %rem3A_954 = arith.remsi %scan3A_933, %select_n3A_953 : i32
      %ne3A_955 = arith.constant 0 : i32
      %ne3A_956 = arith.cmpi ne, %rem3A_954, %ne3A_955 : i32
      %lt3A = arith.constant 0 : i32
      %lt3A_957 = arith.cmpi slt, %rem3A_954, %lt3A : i32
      %lt3A_958 = arith.constant 0 : i32
      %lt3A_959 = arith.cmpi slt, %select_n3A_953, %lt3A_958 : i32
      %ne3A_960 = arith.xori %lt3A_957, %lt3A_959 : i1
      %and3A_961 = arith.andi %ne3A_960, %ne3A_956 : i1
      %add3A_962 = arith.addi %rem3A_954, %select_n3A_953 : i32
      %select_n3A_963 = arith.select %and3A_961, %add3A_962, %rem3A_954 : i32
      %mul3A_964 = arith.constant 16 : i32
      %mul3A_965 = arith.muli %select_n3A_963, %mul3A_964 : i32
      %multiple_of3A_966 = tpu.assume_multiple %mul3A_965, 16 : i32
      %swap3A = arith.constant 0 : i32
      %swap3A_967 = arith.index_cast %swap3A : i32 to index
      %swap3A_968 = arith.index_cast %select_n3A : i32 to index
      %swap3A_969 = arith.index_cast %multiple_of3A_966 : i32 to index
      %swap3A_970 = tpu.vector_load %arg5[%swap3A_967, %swap3A_968, %swap3A_969] {strides = array<i32>} : memref<4x40x512xf32, #tpu.memory_space<vmem>>, vector<16xf32>,
      tpu.vector_store %arg5[%swap3A_967, %swap3A_968, %swap3A_969], %broadcast_in_dim3A_3 {strides = array<i32>} : memref<4x40x512xf32, #tpu.memory_space<vmem>>, vector<16xf32>,
      %swap3A_971 = arith.constant 1 : i32
      %swap3A_972 = arith.index_cast %swap3A_971 : i32 to index
      %swap3A_973 = arith.index_cast %select_n3A : i32 to index
      %swap3A_974 = arith.index_cast %multiple_of3A_966 : i32 to index
      %swap3A_975 = tpu.vector_load %arg5[%swap3A_972, %swap3A_973, %swap3A_974] {strides = array<i32>} : memref<4x40x512xf32, #tpu.memory_space<vmem>>, vector<16xf32>,
      tpu.vector_store %arg5[%swap3A_972, %swap3A_973, %swap3A_974], %broadcast_in_dim3A_3 {strides = array<i32>} : memref<4x40x512xf32, #tpu.memory_space<vmem>>, vector<16xf32>,
      %swap3A_976 = arith.constant 2 : i32
      %swap3A_977 = arith.index_cast %swap3A_976 : i32 to index
      %swap3A_978 = arith.index_cast %select_n3A : i32 to index
      %swap3A_979 = arith.index_cast %multiple_of3A_966 : i32 to index
      %swap3A_980 = tpu.vector_load %arg5[%swap3A_977, %swap3A_978, %swap3A_979] {strides = array<i32>} : memref<4x40x512xf32, #tpu.memory_space<vmem>>, vector<16xf32>,
      tpu.vector_store %arg5[%swap3A_977, %swap3A_978, %swap3A_979], %broadcast_in_dim3A_3 {strides = array<i32>} : memref<4x40x512xf32, #tpu.memory_space<vmem>>, vector<16xf32>,
      %swap3A_981 = arith.constant 3 : i32
      %swap3A_982 = arith.index_cast %swap3A_981 : i32 to index
      %swap3A_983 = arith.index_cast %select_n3A : i32 to index
      %swap3A_984 = arith.index_cast %multiple_of3A_966 : i32 to index
      %swap3A_985 = tpu.vector_load %arg5[%swap3A_982, %swap3A_983, %swap3A_984] {strides = array<i32>} : memref<4x40x512xf32, #tpu.memory_space<vmem>>, vector<16xf32>,
      tpu.vector_store %arg5[%swap3A_982, %swap3A_983, %swap3A_984], %broadcast_in_dim3A_3 {strides = array<i32>} : memref<4x40x512xf32, #tpu.memory_space<vmem>>, vector<16xf32>,
    }
    %scan3A_8 = arith.constant 1280 : i32
    "tpu.region"() ({
      %run_scoped3A = tpu.sem_alloc : memref<!tpu.dma_semaphore, #tpu.memory_space<semaphore_mem>>
      %dma_start3A_933 = tpu.memref_slice %arg2[%multiple_of3A] : memref<16384xi32, #tpu.memory_space<hbm>> -> memref<512xi32, #tpu.memory_space<hbm>>
      %dma_start3A_934 = tpu.memref_slice %arg2[%multiple_of3A] : memref<16384xi32, #tpu.memory_space<hbm>> -> memref<512xi32, #tpu.memory_space<hbm>>
      tpu.enqueue_dma source(%dma_start3A_934 : memref<512xi32, #tpu.memory_space<hbm>>) target(%arg4 : memref<512xi32, #tpu.memory_space<vmem>>) target_semaphore(%run_scoped3A : memref<!tpu.dma_semaphore, #tpu.memory_space<semaphore_mem>>)
      %dma_wait3A_935 = tpu.memref_slice %arg2[%multiple_of3A] : memref<16384xi32, #tpu.memory_space<hbm>> -> memref<512xi32, #tpu.memory_space<hbm>>
      %dma_wait3A_936 = tpu.memref_slice %arg2[%multiple_of3A] : memref<16384xi32, #tpu.memory_space<hbm>> -> memref<512xi32, #tpu.memory_space<hbm>>
      tpu.wait_dma2 semaphore(%run_scoped3A : memref<!tpu.dma_semaphore, #tpu.memory_space<semaphore_mem>>) src(%dma_wait3A_936 : memref<512xi32, #tpu.memory_space<hbm>>) dst(%arg4 : memref<512xi32, #tpu.memory_space<vmem>>)
      tpu.yield
    }) : () -> ()
    %scan3A_9 = arith.constant 0 : i32
    %scan3A_10 = arith.constant 0 : i32
    %scan3A_11 = arith.constant 32 : i32
    %scan3A_12 = arith.addi %scan3A_10, %scan3A_11 : i32
    %scan3A_13 = arith.constant 1 : i32
    scf.for %scan3A_933 = %scan3A_10 to %scan3A_12 step %scan3A_13  : i32 {
      %mul3A_934 = arith.constant 16 : i32
      %mul3A_935 = arith.muli %scan3A_933, %mul3A_934 : i32
      %add3A_936 = vector.broadcast %mul3A_935 : i32 to vector<16xi32>
      %add3A_937 = arith.addi %add3A_936, %iota3A : vector<16xi32>
      %mul3A_938 = arith.constant 16 : i32
      %mul3A_939 = arith.muli %scan3A_933, %mul3A_938 : i32
      %multiple_of3A_940 = tpu.assume_multiple %mul3A_939, 16 : i32
      %get3A = arith.index_cast %multiple_of3A_940 : i32 to index
      %get3A_941 = tpu.vector_load %arg4[%get3A] {strides = array<i32>} : memref<512xi32, #tpu.memory_space<vmem>>, vector<16xi32>,
      %ge3A = arith.constant 0 : i32
      %ge3A_942 = vector.broadcast %ge3A : i32 to vector<16xi32>
      %ge3A_943 = arith.cmpi sge, %get3A_941, %ge3A_942 : vector<16xi32>
      %lt3A = arith.constant 40 : i32
      %lt3A_944 = vector.broadcast %lt3A : i32 to vector<16xi32>
      %lt3A_945 = arith.cmpi slt, %get3A_941, %lt3A_944 : vector<16xi32>
      %and3A = arith.andi %ge3A_943, %lt3A_945 : vector<16xi1>
      %sub3A = arith.constant 0 : i32
      %sub3A_946 = vector.broadcast %sub3A : i32 to vector<16xi32>
      %sub3A_947 = arith.subi %get3A_941, %sub3A_946 : vector<16xi32>
      %broadcast_in_dim3A_948 = arith.constant 1.000000e+00 : f32
      %broadcast_in_dim3A_949 = vector.broadcast %broadcast_in_dim3A_948 : f32 to vector<16xf32>
      %scatter3A = arith.constant 0 : i32
      %scatter3A_950 = arith.constant 0 : i32
      %scatter3A_951 = arith.constant 0 : i32
      %scatter3A_952 = tpu.memref_slice %arg5[%scatter3A, %scatter3A_950, %scatter3A_951] : memref<4x40x512xf32, #tpu.memory_space<vmem>> -> memref<1x40x512xf32, #tpu.memory_space<vmem>>
      %scatter3A_953 = tpu.memref_squeeze %scatter3A_952 : memref<1x40x512xf32, #tpu.memory_space<vmem>> -> memref<40x512xf32, #tpu.memory_space<vmem>>
      tpu.vector_store_idx %scatter3A_953[%sub3A_947, %add3A_937], %broadcast_in_dim3A_949 masked %and3A : memref<40x512xf32, #tpu.memory_space<vmem>>[vector<16xi32>, vector<16xi32>], vector<16xf32>, vector<16xi1>
    }
    %scan3A_14 = arith.constant 32 : i32
    %dma_start3A = arith.constant 0 : i32
    %dma_start3A_15 = arith.constant 0 : i32
    %dma_start3A_16 = arith.constant 0 : i32
    %dma_start3A_17 = tpu.memref_slice %arg5[%dma_start3A, %dma_start3A_15, %dma_start3A_16] : memref<4x40x512xf32, #tpu.memory_space<vmem>> -> memref<1x40x512xf32, #tpu.memory_space<vmem>>
    %dma_start3A_18 = tpu.memref_squeeze %dma_start3A_17 : memref<1x40x512xf32, #tpu.memory_space<vmem>> -> memref<40x512xf32, #tpu.memory_space<vmem>>
    %dma_start3A_19 = arith.constant 0 : i32
    %dma_start3A_20 = tpu.memref_slice %arg3[%dma_start3A_19, %multiple_of3A] : memref<1000x16384xf32, #tpu.memory_space<hbm>> -> memref<40x512xf32, #tpu.memory_space<hbm>>
    %dma_start3A_21 = arith.constant 0 : i32
    %dma_start3A_22 = tpu.memref_slice %arg3[%dma_start3A_21, %multiple_of3A] : memref<1000x16384xf32, #tpu.memory_space<hbm>> -> memref<40x512xf32, #tpu.memory_space<hbm>>
    %dma_start3A_23 = arith.constant 0 : i32
    %dma_start3A_24 = arith.constant 0 : i32
    %dma_start3A_25 = tpu.memref_slice %arg5[%dma_start3A, %dma_start3A_23, %dma_start3A_24] : memref<4x40x512xf32, #tpu.memory_space<vmem>> -> memref<1x40x512xf32, #tpu.memory_space<vmem>>
    %dma_start3A_26 = tpu.memref_squeeze %dma_start3A_25 : memref<1x40x512xf32, #tpu.memory_space<vmem>> -> memref<40x512xf32, #tpu.memory_space<vmem>>
    tpu.enqueue_dma source(%dma_start3A_26 : memref<40x512xf32, #tpu.memory_space<vmem>>) target(%dma_start3A_22 : memref<40x512xf32, #tpu.memory_space<hbm>>) target_semaphore(%arg6 : memref<!tpu.dma_semaphore, #tpu.memory_space<semaphore_mem>>)
    %scan3A_27 = arith.constant 0 : i32
    %scan3A_28 = arith.constant 0 : i32
    %scan3A_29 = arith.constant 32 : i32
    %scan3A_30 = arith.addi %scan3A_28, %scan3A_29 : i32
    %scan3A_31 = arith.constant 1 : i32
    scf.for %scan3A_933 = %scan3A_28 to %scan3A_30 step %scan3A_31  : i32 {
      %mul3A_934 = arith.constant 16 : i32
      %mul3A_935 = arith.muli %scan3A_933, %mul3A_934 : i32
      %add3A_936 = vector.broadcast %mul3A_935 : i32 to vector<16xi32>
      %add3A_937 = arith.addi %add3A_936, %iota3A : vector<16xi32>
      %mul3A_938 = arith.constant 16 : i32
      %mul3A_939 = arith.muli %scan3A_933, %mul3A_938 : i32
      %multiple_of3A_940 = tpu.assume_multiple %mul3A_939, 16 : i32
      %get3A = arith.index_cast %multiple_of3A_940 : i32 to index
      %get3A_941 = tpu.vector_load %arg4[%get3A] {strides = array<i32>} : memref<512xi32, #tpu.memory_space<vmem>>, vector<16xi32>,
      %ge3A = arith.constant 40 : i32
      %ge3A_942 = vector.broadcast %ge3A : i32 to vector<16xi32>
      %ge3A_943 = arith.cmpi sge, %get3A_941, %ge3A_942 : vector<16xi32>
      %lt3A = arith.constant 80 : i32
      %lt3A_944 = vector.broadcast %lt3A : i32 to vector<16xi32>
      %lt3A_945 = arith.cmpi slt, %get3A_941, %lt3A_944 : vector<16xi32>
      %and3A = arith.andi %ge3A_943, %lt3A_945 : vector<16xi1>
      %sub3A = arith.constant 40 : i32
      %sub3A_946 = vector.broadcast %sub3A : i32 to vector<16xi32>
      %sub3A_947 = arith.subi %get3A_941, %sub3A_946 : vector<16xi32>
      %broadcast_in_dim3A_948 = arith.constant 1.000000e+00 : f32
      %broadcast_in_dim3A_949 = vector.broadcast %broadcast_in_dim3A_948 : f32 to vector<16xf32>
      %scatter3A = arith.constant 1 : i32
      %scatter3A_950 = arith.constant 0 : i32
      %scatter3A_951 = arith.constant 0 : i32
      %scatter3A_952 = tpu.memref_slice %arg5[%scatter3A, %scatter3A_950, %scatter3A_951] : memref<4x40x512xf32, #tpu.memory_space<vmem>> -> memref<1x40x512xf32, #tpu.memory_space<vmem>>
      %scatter3A_953 = tpu.memref_squeeze %scatter3A_952 : memref<1x40x512xf32, #tpu.memory_space<vmem>> -> memref<40x512xf32, #tpu.memory_space<vmem>>
      tpu.vector_store_idx %scatter3A_953[%sub3A_947, %add3A_937], %broadcast_in_dim3A_949 masked %and3A : memref<40x512xf32, #tpu.memory_space<vmem>>[vector<16xi32>, vector<16xi32>], vector<16xf32>, vector<16xi1>
    }
    %scan3A_32 = arith.constant 32 : i32
    %dma_start3A_33 = arith.constant 1 : i32
    %dma_start3A_34 = arith.constant 0 : i32
    %dma_start3A_35 = arith.constant 0 : i32
    %dma_start3A_36 = tpu.memref_slice %arg5[%dma_start3A_33, %dma_start3A_34, %dma_start3A_35] : memref<4x40x512xf32, #tpu.memory_space<vmem>> -> memref<1x40x512xf32, #tpu.memory_space<vmem>>
    %dma_start3A_37 = tpu.memref_squeeze %dma_start3A_36 : memref<1x40x512xf32, #tpu.memory_space<vmem>> -> memref<40x512xf32, #tpu.memory_space<vmem>>
    %dma_start3A_38 = arith.constant 40 : i32
    %dma_start3A_39 = tpu.memref_slice %arg3[%dma_start3A_38, %multiple_of3A] : memref<1000x16384xf32, #tpu.memory_space<hbm>> -> memref<40x512xf32, #tpu.memory_space<hbm>>
    %dma_start3A_40 = arith.constant 40 : i32
    %dma_start3A_41 = tpu.memref_slice %arg3[%dma_start3A_40, %multiple_of3A] : memref<1000x16384xf32, #tpu.memory_space<hbm>> -> memref<40x512xf32, #tpu.memory_space<hbm>>
    %dma_start3A_42 = arith.constant 0 : i32
    %dma_start3A_43 = arith.constant 0 : i32
    %dma_start3A_44 = tpu.memref_slice %arg5[%dma_start3A_33, %dma_start3A_42, %dma_start3A_43] : memref<4x40x512xf32, #tpu.memory_space<vmem>> -> memref<1x40x512xf32, #tpu.memory_space<vmem>>
    %dma_start3A_45 = tpu.memref_squeeze %dma_start3A_44 : memref<1x40x512xf32, #tpu.memory_space<vmem>> -> memref<40x512xf32, #tpu.memory_space<vmem>>
    tpu.enqueue_dma source(%dma_start3A_45 : memref<40x512xf32, #tpu.memory_space<vmem>>) target(%dma_start3A_41 : memref<40x512xf32, #tpu.memory_space<hbm>>) target_semaphore(%arg6 : memref<!tpu.dma_semaphore, #tpu.memory_space<semaphore_mem>>)
    %scan3A_46 = arith.constant 0 : i32
    %scan3A_47 = arith.constant 0 : i32
    %scan3A_48 = arith.constant 32 : i32
    %scan3A_49 = arith.addi %scan3A_47, %scan3A_48 : i32
    %scan3A_50 = arith.constant 1 : i32
    scf.for %scan3A_933 = %scan3A_47 to %scan3A_49 step %scan3A_50  : i32 {
      %mul3A_934 = arith.constant 16 : i32
      %mul3A_935 = arith.muli %scan3A_933, %mul3A_934 : i32
      %add3A_936 = vector.broadcast %mul3A_935 : i32 to vector<16xi32>
      %add3A_937 = arith.addi %add3A_936, %iota3A : vector<16xi32>
      %mul3A_938 = arith.constant 16 : i32
      %mul3A_939 = arith.muli %scan3A_933, %mul3A_938 : i32
      %multiple_of3A_940 = tpu.assume_multiple %mul3A_939, 16 : i32
      %get3A = arith.index_cast %multiple_of3A_940 : i32 to index
      %get3A_941 = tpu.vector_load %arg4[%get3A] {strides = array<i32>} : memref<512xi32, #tpu.memory_space<vmem>>, vector<16xi32>,
      %ge3A = arith.constant 80 : i32
      %ge3A_942 = vector.broadcast %ge3A : i32 to vector<16xi32>
      %ge3A_943 = arith.cmpi sge, %get3A_941, %ge3A_942 : vector<16xi32>
      %lt3A = arith.constant 120 : i32
      %lt3A_944 = vector.broadcast %lt3A : i32 to vector<16xi32>
      %lt3A_945 = arith.cmpi slt, %get3A_941, %lt3A_944 : vector<16xi32>
      %and3A = arith.andi %ge3A_943, %lt3A_945 : vector<16xi1>
      %sub3A = arith.constant 80 : i32
      %sub3A_946 = vector.broadcast %sub3A : i32 to vector<16xi32>
      %sub3A_947 = arith.subi %get3A_941, %sub3A_946 : vector<16xi32>
      %broadcast_in_dim3A_948 = arith.constant 1.000000e+00 : f32
      %broadcast_in_dim3A_949 = vector.broadcast %broadcast_in_dim3A_948 : f32 to vector<16xf32>
      %scatter3A = arith.constant 2 : i32
      %scatter3A_950 = arith.constant 0 : i32
      %scatter3A_951 = arith.constant 0 : i32
      %scatter3A_952 = tpu.memref_slice %arg5[%scatter3A, %scatter3A_950, %scatter3A_951] : memref<4x40x512xf32, #tpu.memory_space<vmem>> -> memref<1x40x512xf32, #tpu.memory_space<vmem>>
      %scatter3A_953 = tpu.memref_squeeze %scatter3A_952 : memref<1x40x512xf32, #tpu.memory_space<vmem>> -> memref<40x512xf32, #tpu.memory_space<vmem>>
      tpu.vector_store_idx %scatter3A_953[%sub3A_947, %add3A_937], %broadcast_in_dim3A_949 masked %and3A : memref<40x512xf32, #tpu.memory_space<vmem>>[vector<16xi32>, vector<16xi32>], vector<16xf32>, vector<16xi1>
    }
    %scan3A_51 = arith.constant 32 : i32
    %dma_start3A_52 = arith.constant 2 : i32
    %dma_start3A_53 = arith.constant 0 : i32
    %dma_start3A_54 = arith.constant 0 : i32
    %dma_start3A_55 = tpu.memref_slice %arg5[%dma_start3A_52, %dma_start3A_53, %dma_start3A_54] : memref<4x40x512xf32, #tpu.memory_space<vmem>> -> memref<1x40x512xf32, #tpu.memory_space<vmem>>
    %dma_start3A_56 = tpu.memref_squeeze %dma_start3A_55 : memref<1x40x512xf32, #tpu.memory_space<vmem>> -> memref<40x512xf32, #tpu.memory_space<vmem>>
    %dma_start3A_57 = arith.constant 80 : i32
    %dma_start3A_58 = tpu.memref_slice %arg3[%dma_start3A_57, %multiple_of3A] : memref<1000x16384xf32, #tpu.memory_space<hbm>> -> memref<40x512xf32, #tpu.memory_space<hbm>>
    %dma_start3A_59 = arith.constant 80 : i32
    %dma_start3A_60 = tpu.memref_slice %arg3[%dma_start3A_59, %multiple_of3A] : memref<1000x16384xf32, #tpu.memory_space<hbm>> -> memref<40x512xf32, #tpu.memory_space<hbm>>
    %dma_start3A_61 = arith.constant 0 : i32
    %dma_start3A_62 = arith.constant 0 : i32
    %dma_start3A_63 = tpu.memref_slice %arg5[%dma_start3A_52, %dma_start3A_61, %dma_start3A_62] : memref<4x40x512xf32, #tpu.memory_space<vmem>> -> memref<1x40x512xf32, #tpu.memory_space<vmem>>
    %dma_start3A_64 = tpu.memref_squeeze %dma_start3A_63 : memref<1x40x512xf32, #tpu.memory_space<vmem>> -> memref<40x512xf32, #tpu.memory_space<vmem>>
    tpu.enqueue_dma source(%dma_start3A_64 : memref<40x512xf32, #tpu.memory_space<vmem>>) target(%dma_start3A_60 : memref<40x512xf32, #tpu.memory_space<hbm>>) target_semaphore(%arg6 : memref<!tpu.dma_semaphore, #tpu.memory_space<semaphore_mem>>)
    %scan3A_65 = arith.constant 0 : i32
    %scan3A_66 = arith.constant 0 : i32
    %scan3A_67 = arith.constant 32 : i32
    %scan3A_68 = arith.addi %scan3A_66, %scan3A_67 : i32
    %scan3A_69 = arith.constant 1 : i32
    scf.for %scan3A_933 = %scan3A_66 to %scan3A_68 step %scan3A_69  : i32 {
      %mul3A_934 = arith.constant 16 : i32
      %mul3A_935 = arith.muli %scan3A_933, %mul3A_934 : i32
      %add3A_936 = vector.broadcast %mul3A_935 : i32 to vector<16xi32>
      %add3A_937 = arith.addi %add3A_936, %iota3A : vector<16xi32>
      %mul3A_938 = arith.constant 16 : i32
      %mul3A_939 = arith.muli %scan3A_933, %mul3A_938 : i32
      %multiple_of3A_940 = tpu.assume_multiple %mul3A_939, 16 : i32
      %get3A = arith.index_cast %multiple_of3A_940 : i32 to index
      %get3A_941 = tpu.vector_load %arg4[%get3A] {strides = array<i32>} : memref<512xi32, #tpu.memory_space<vmem>>, vector<16xi32>,
      %ge3A = arith.constant 120 : i32
      %ge3A_942 = vector.broadcast %ge3A : i32 to vector<16xi32>
      %ge3A_943 = arith.cmpi sge, %get3A_941, %ge3A_942 : vector<16xi32>
      %lt3A = arith.constant 160 : i32
      %lt3A_944 = vector.broadcast %lt3A : i32 to vector<16xi32>
      %lt3A_945 = arith.cmpi slt, %get3A_941, %lt3A_944 : vector<16xi32>
      %and3A = arith.andi %ge3A_943, %lt3A_945 : vector<16xi1>
      %sub3A = arith.constant 120 : i32
      %sub3A_946 = vector.broadcast %sub3A : i32 to vector<16xi32>
      %sub3A_947 = arith.subi %get3A_941, %sub3A_946 : vector<16xi32>
      %broadcast_in_dim3A_948 = arith.constant 1.000000e+00 : f32
      %broadcast_in_dim3A_949 = vector.broadcast %broadcast_in_dim3A_948 : f32 to vector<16xf32>
      %scatter3A = arith.constant 3 : i32
      %scatter3A_950 = arith.constant 0 : i32
      %scatter3A_951 = arith.constant 0 : i32
      %scatter3A_952 = tpu.memref_slice %arg5[%scatter3A, %scatter3A_950, %scatter3A_951] : memref<4x40x512xf32, #tpu.memory_space<vmem>> -> memref<1x40x512xf32, #tpu.memory_space<vmem>>
      %scatter3A_953 = tpu.memref_squeeze %scatter3A_952 : memref<1x40x512xf32, #tpu.memory_space<vmem>> -> memref<40x512xf32, #tpu.memory_space<vmem>>
      tpu.vector_store_idx %scatter3A_953[%sub3A_947, %add3A_937], %broadcast_in_dim3A_949 masked %and3A : memref<40x512xf32, #tpu.memory_space<vmem>>[vector<16xi32>, vector<16xi32>], vector<16xf32>, vector<16xi1>
    }
    %scan3A_70 = arith.constant 32 : i32
    %dma_start3A_71 = arith.constant 3 : i32
    %dma_start3A_72 = arith.constant 0 : i32
    %dma_start3A_73 = arith.constant 0 : i32
    %dma_start3A_74 = tpu.memref_slice %arg5[%dma_start3A_71, %dma_start3A_72, %dma_start3A_73] : memref<4x40x512xf32, #tpu.memory_space<vmem>> -> memref<1x40x512xf32, #tpu.memory_space<vmem>>
    %dma_start3A_75 = tpu.memref_squeeze %dma_start3A_74 : memref<1x40x512xf32, #tpu.memory_space<vmem>> -> memref<40x512xf32, #tpu.memory_space<vmem>>
    %dma_start3A_76 = arith.constant 120 : i32
    %dma_start3A_77 = tpu.memref_slice %arg3[%dma_start3A_76, %multiple_of3A] : memref<1000x16384xf32, #tpu.memory_space<hbm>> -> memref<40x512xf32, #tpu.memory_space<hbm>>
    %dma_start3A_78 = arith.constant 120 : i32
    %dma_start3A_79 = tpu.memref_slice %arg3[%dma_start3A_78, %multiple_of3A] : memref<1000x16384xf32, #tpu.memory_space<hbm>> -> memref<40x512xf32, #tpu.memory_space<hbm>>
    %dma_start3A_80 = arith.constant 0 : i32
    %dma_start3A_81 = arith.constant 0 : i32
    %dma_start3A_82 = tpu.memref_slice %arg5[%dma_start3A_71, %dma_start3A_80, %dma_start3A_81] : memref<4x40x512xf32, #tpu.memory_space<vmem>> -> memref<1x40x512xf32, #tpu.memory_space<vmem>>
    %dma_start3A_83 = tpu.memref_squeeze %dma_start3A_82 : memref<1x40x512xf32, #tpu.memory_space<vmem>> -> memref<40x512xf32, #tpu.memory_space<vmem>>
    tpu.enqueue_dma source(%dma_start3A_83 : memref<40x512xf32, #tpu.memory_space<vmem>>) target(%dma_start3A_79 : memref<40x512xf32, #tpu.memory_space<hbm>>) target_semaphore(%arg6 : memref<!tpu.dma_semaphore, #tpu.memory_space<semaphore_mem>>)
    %dma_wait3A = arith.constant 0 : i32
    %dma_wait3A_84 = arith.constant 0 : i32
    %dma_wait3A_85 = arith.constant 0 : i32
    %dma_wait3A_86 = tpu.memref_slice %arg5[%dma_wait3A, %dma_wait3A_84, %dma_wait3A_85] : memref<4x40x512xf32, #tpu.memory_space<vmem>> -> memref<1x40x512xf32, #tpu.memory_space<vmem>>
    %dma_wait3A_87 = tpu.memref_squeeze %dma_wait3A_86 : memref<1x40x512xf32, #tpu.memory_space<vmem>> -> memref<40x512xf32, #tpu.memory_space<vmem>>
    %dma_wait3A_88 = arith.constant 0 : i32
    %dma_wait3A_89 = tpu.memref_slice %arg3[%dma_wait3A_88, %multiple_of3A] : memref<1000x16384xf32, #tpu.memory_space<hbm>> -> memref<40x512xf32, #tpu.memory_space<hbm>>
    %dma_wait3A_90 = arith.constant 0 : i32
    %dma_wait3A_91 = tpu.memref_slice %arg3[%dma_wait3A_90, %multiple_of3A] : memref<1000x16384xf32, #tpu.memory_space<hbm>> -> memref<40x512xf32, #tpu.memory_space<hbm>>
    %dma_wait3A_92 = arith.constant 0 : i32
    %dma_wait3A_93 = arith.constant 0 : i32
    %dma_wait3A_94 = tpu.memref_slice %arg5[%dma_wait3A, %dma_wait3A_92, %dma_wait3A_93] : memref<4x40x512xf32, #tpu.memory_space<vmem>> -> memref<1x40x512xf32, #tpu.memory_space<vmem>>
    %dma_wait3A_95 = tpu.memref_squeeze %dma_wait3A_94 : memref<1x40x512xf32, #tpu.memory_space<vmem>> -> memref<40x512xf32, #tpu.memory_space<vmem>>
    tpu.wait_dma2 semaphore(%arg6 : memref<!tpu.dma_semaphore, #tpu.memory_space<semaphore_mem>>) src(%dma_wait3A_95 : memref<40x512xf32, #tpu.memory_space<vmem>>) dst(%dma_wait3A_91 : memref<40x512xf32, #tpu.memory_space<hbm>>)
    %scan3A_96 = arith.constant 0 : i32
    %scan3A_97 = arith.constant 0 : i32
    %scan3A_98 = arith.constant 32 : i32
    %scan3A_99 = arith.addi %scan3A_97, %scan3A_98 : i32
    %scan3A_100 = arith.constant 1 : i32
    scf.for %scan3A_933 = %scan3A_97 to %scan3A_99 step %scan3A_100  : i32 {
      %mul3A_934 = arith.constant 16 : i32
      %mul3A_935 = arith.muli %scan3A_933, %mul3A_934 : i32
      %add3A_936 = vector.broadcast %mul3A_935 : i32 to vector<16xi32>
      %add3A_937 = arith.addi %add3A_936, %iota3A : vector<16xi32>
      %mul3A_938 = arith.constant 16 : i32
      %mul3A_939 = arith.muli %scan3A_933, %mul3A_938 : i32
      %multiple_of3A_940 = tpu.assume_multiple %mul3A_939, 16 : i32
      %get3A = arith.index_cast %multiple_of3A_940 : i32 to index
      %get3A_941 = tpu.vector_load %arg4[%get3A] {strides = array<i32>} : memref<512xi32, #tpu.memory_space<vmem>>, vector<16xi32>,
      %ge3A = arith.constant 0 : i32
      %ge3A_942 = vector.broadcast %ge3A : i32 to vector<16xi32>
      %ge3A_943 = arith.cmpi sge, %get3A_941, %ge3A_942 : vector<16xi32>
      %lt3A = arith.constant 40 : i32
      %lt3A_944 = vector.broadcast %lt3A : i32 to vector<16xi32>
      %lt3A_945 = arith.cmpi slt, %get3A_941, %lt3A_944 : vector<16xi32>
      %and3A = arith.andi %ge3A_943, %lt3A_945 : vector<16xi1>
      %sub3A = arith.constant 0 : i32
      %sub3A_946 = vector.broadcast %sub3A : i32 to vector<16xi32>
      %sub3A_947 = arith.subi %get3A_941, %sub3A_946 : vector<16xi32>
      %broadcast_in_dim3A_948 = arith.constant 0.000000e+00 : f32
      %broadcast_in_dim3A_949 = vector.broadcast %broadcast_in_dim3A_948 : f32 to vector<16xf32>
      %scatter3A = arith.constant 0 : i32
      %scatter3A_950 = arith.constant 0 : i32
      %scatter3A_951 = arith.constant 0 : i32
      %scatter3A_952 = tpu.memref_slice %arg5[%scatter3A, %scatter3A_950, %scatter3A_951] : memref<4x40x512xf32, #tpu.memory_space<vmem>> -> memref<1x40x512xf32, #tpu.memory_space<vmem>>
      %scatter3A_953 = tpu.memref_squeeze %scatter3A_952 : memref<1x40x512xf32, #tpu.memory_space<vmem>> -> memref<40x512xf32, #tpu.memory_space<vmem>>
      tpu.vector_store_idx %scatter3A_953[%sub3A_947, %add3A_937], %broadcast_in_dim3A_949 masked %and3A : memref<40x512xf32, #tpu.memory_space<vmem>>[vector<16xi32>, vector<16xi32>], vector<16xf32>, vector<16xi1>
    }
    %scan3A_101 = arith.constant 32 : i32
    %scan3A_102 = arith.constant 0 : i32
    %scan3A_103 = arith.constant 0 : i32
    %scan3A_104 = arith.constant 32 : i32
    %scan3A_105 = arith.addi %scan3A_103, %scan3A_104 : i32
    %scan3A_106 = arith.constant 1 : i32
    scf.for %scan3A_933 = %scan3A_103 to %scan3A_105 step %scan3A_106  : i32 {
      %mul3A_934 = arith.constant 16 : i32
      %mul3A_935 = arith.muli %scan3A_933, %mul3A_934 : i32
      %add3A_936 = vector.broadcast %mul3A_935 : i32 to vector<16xi32>
      %add3A_937 = arith.addi %add3A_936, %iota3A : vector<16xi32>
      %mul3A_938 = arith.constant 16 : i32
      %mul3A_939 = arith.muli %scan3A_933, %mul3A_938 : i32
      %multiple_of3A_940 = tpu.assume_multiple %mul3A_939, 16 : i32
      %get3A = arith.index_cast %multiple_of3A_940 : i32 to index
      %get3A_941 = tpu.vector_load %arg4[%get3A] {strides = array<i32>} : memref<512xi32, #tpu.memory_space<vmem>>, vector<16xi32>,
      %ge3A = arith.constant 160 : i32
      %ge3A_942 = vector.broadcast %ge3A : i32 to vector<16xi32>
      %ge3A_943 = arith.cmpi sge, %get3A_941, %ge3A_942 : vector<16xi32>
      %lt3A = arith.constant 200 : i32
      %lt3A_944 = vector.broadcast %lt3A : i32 to vector<16xi32>
      %lt3A_945 = arith.cmpi slt, %get3A_941, %lt3A_944 : vector<16xi32>
      %and3A = arith.andi %ge3A_943, %lt3A_945 : vector<16xi1>
      %sub3A = arith.constant 160 : i32
      %sub3A_946 = vector.broadcast %sub3A : i32 to vector<16xi32>
      %sub3A_947 = arith.subi %get3A_941, %sub3A_946 : vector<16xi32>
      %broadcast_in_dim3A_948 = arith.constant 1.000000e+00 : f32
      %broadcast_in_dim3A_949 = vector.broadcast %broadcast_in_dim3A_948 : f32 to vector<16xf32>
      %scatter3A = arith.constant 0 : i32
      %scatter3A_950 = arith.constant 0 : i32
      %scatter3A_951 = arith.constant 0 : i32
      %scatter3A_952 = tpu.memref_slice %arg5[%scatter3A, %scatter3A_950, %scatter3A_951] : memref<4x40x512xf32, #tpu.memory_space<vmem>> -> memref<1x40x512xf32, #tpu.memory_space<vmem>>
      %scatter3A_953 = tpu.memref_squeeze %scatter3A_952 : memref<1x40x512xf32, #tpu.memory_space<vmem>> -> memref<40x512xf32, #tpu.memory_space<vmem>>
      tpu.vector_store_idx %scatter3A_953[%sub3A_947, %add3A_937], %broadcast_in_dim3A_949 masked %and3A : memref<40x512xf32, #tpu.memory_space<vmem>>[vector<16xi32>, vector<16xi32>], vector<16xf32>, vector<16xi1>
    }
    %scan3A_107 = arith.constant 32 : i32
    %dma_start3A_108 = arith.constant 0 : i32
    %dma_start3A_109 = arith.constant 0 : i32
    %dma_start3A_110 = arith.constant 0 : i32
    %dma_start3A_111 = tpu.memref_slice %arg5[%dma_start3A_108, %dma_start3A_109, %dma_start3A_110] : memref<4x40x512xf32, #tpu.memory_space<vmem>> -> memref<1x40x512xf32, #tpu.memory_space<vmem>>
    %dma_start3A_112 = tpu.memref_squeeze %dma_start3A_111 : memref<1x40x512xf32, #tpu.memory_space<vmem>> -> memref<40x512xf32, #tpu.memory_space<vmem>>
    %dma_start3A_113 = arith.constant 160 : i32
    %dma_start3A_114 = tpu.memref_slice %arg3[%dma_start3A_113, %multiple_of3A] : memref<1000x16384xf32, #tpu.memory_space<hbm>> -> memref<40x512xf32, #tpu.memory_space<hbm>>
    %dma_start3A_115 = arith.constant 160 : i32
    %dma_start3A_116 = tpu.memref_slice %arg3[%dma_start3A_115, %multiple_of3A] : memref<1000x16384xf32, #tpu.memory_space<hbm>> -> memref<40x512xf32, #tpu.memory_space<hbm>>
    %dma_start3A_117 = arith.constant 0 : i32
    %dma_start3A_118 = arith.constant 0 : i32
    %dma_start3A_119 = tpu.memref_slice %arg5[%dma_start3A_108, %dma_start3A_117, %dma_start3A_118] : memref<4x40x512xf32, #tpu.memory_space<vmem>> -> memref<1x40x512xf32, #tpu.memory_space<vmem>>
    %dma_start3A_120 = tpu.memref_squeeze %dma_start3A_119 : memref<1x40x512xf32, #tpu.memory_space<vmem>> -> memref<40x512xf32, #tpu.memory_space<vmem>>
    tpu.enqueue_dma source(%dma_start3A_120 : memref<40x512xf32, #tpu.memory_space<vmem>>) target(%dma_start3A_116 : memref<40x512xf32, #tpu.memory_space<hbm>>) target_semaphore(%arg6 : memref<!tpu.dma_semaphore, #tpu.memory_space<semaphore_mem>>)
    %dma_wait3A_121 = arith.constant 1 : i32
    %dma_wait3A_122 = arith.constant 0 : i32
    %dma_wait3A_123 = arith.constant 0 : i32
    %dma_wait3A_124 = tpu.memref_slice %arg5[%dma_wait3A_121, %dma_wait3A_122, %dma_wait3A_123] : memref<4x40x512xf32, #tpu.memory_space<vmem>> -> memref<1x40x512xf32, #tpu.memory_space<vmem>>
    %dma_wait3A_125 = tpu.memref_squeeze %dma_wait3A_124 : memref<1x40x512xf32, #tpu.memory_space<vmem>> -> memref<40x512xf32, #tpu.memory_space<vmem>>
    %dma_wait3A_126 = arith.constant 40 : i32
    %dma_wait3A_127 = tpu.memref_slice %arg3[%dma_wait3A_126, %multiple_of3A] : memref<1000x16384xf32, #tpu.memory_space<hbm>> -> memref<40x512xf32, #tpu.memory_space<hbm>>
    %dma_wait3A_128 = arith.constant 40 : i32
    %dma_wait3A_129 = tpu.memref_slice %arg3[%dma_wait3A_128, %multiple_of3A] : memref<1000x16384xf32, #tpu.memory_space<hbm>> -> memref<40x512xf32, #tpu.memory_space<hbm>>
    %dma_wait3A_130 = arith.constant 0 : i32
    %dma_wait3A_131 = arith.constant 0 : i32
    %dma_wait3A_132 = tpu.memref_slice %arg5[%dma_wait3A_121, %dma_wait3A_130, %dma_wait3A_131] : memref<4x40x512xf32, #tpu.memory_space<vmem>> -> memref<1x40x512xf32, #tpu.memory_space<vmem>>
    %dma_wait3A_133 = tpu.memref_squeeze %dma_wait3A_132 : memref<1x40x512xf32, #tpu.memory_space<vmem>> -> memref<40x512xf32, #tpu.memory_space<vmem>>
    tpu.wait_dma2 semaphore(%arg6 : memref<!tpu.dma_semaphore, #tpu.memory_space<semaphore_mem>>) src(%dma_wait3A_133 : memref<40x512xf32, #tpu.memory_space<vmem>>) dst(%dma_wait3A_129 : memref<40x512xf32, #tpu.memory_space<hbm>>)
    %scan3A_134 = arith.constant 0 : i32
    %scan3A_135 = arith.constant 0 : i32
    %scan3A_136 = arith.constant 32 : i32
    %scan3A_137 = arith.addi %scan3A_135, %scan3A_136 : i32
    %scan3A_138 = arith.constant 1 : i32
    scf.for %scan3A_933 = %scan3A_135 to %scan3A_137 step %scan3A_138  : i32 {
      %mul3A_934 = arith.constant 16 : i32
      %mul3A_935 = arith.muli %scan3A_933, %mul3A_934 : i32
      %add3A_936 = vector.broadcast %mul3A_935 : i32 to vector<16xi32>
      %add3A_937 = arith.addi %add3A_936, %iota3A : vector<16xi32>
      %mul3A_938 = arith.constant 16 : i32
      %mul3A_939 = arith.muli %scan3A_933, %mul3A_938 : i32
      %multiple_of3A_940 = tpu.assume_multiple %mul3A_939, 16 : i32
      %get3A = arith.index_cast %multiple_of3A_940 : i32 to index
      %get3A_941 = tpu.vector_load %arg4[%get3A] {strides = array<i32>} : memref<512xi32, #tpu.memory_space<vmem>>, vector<16xi32>,
      %ge3A = arith.constant 40 : i32
      %ge3A_942 = vector.broadcast %ge3A : i32 to vector<16xi32>
      %ge3A_943 = arith.cmpi sge, %get3A_941, %ge3A_942 : vector<16xi32>
      %lt3A = arith.constant 80 : i32
      %lt3A_944 = vector.broadcast %lt3A : i32 to vector<16xi32>
      %lt3A_945 = arith.cmpi slt, %get3A_941, %lt3A_944 : vector<16xi32>
      %and3A = arith.andi %ge3A_943, %lt3A_945 : vector<16xi1>
      %sub3A = arith.constant 40 : i32
      %sub3A_946 = vector.broadcast %sub3A : i32 to vector<16xi32>
      %sub3A_947 = arith.subi %get3A_941, %sub3A_946 : vector<16xi32>
      %broadcast_in_dim3A_948 = arith.constant 0.000000e+00 : f32
      %broadcast_in_dim3A_949 = vector.broadcast %broadcast_in_dim3A_948 : f32 to vector<16xf32>
      %scatter3A = arith.constant 1 : i32
      %scatter3A_950 = arith.constant 0 : i32
      %scatter3A_951 = arith.constant 0 : i32
      %scatter3A_952 = tpu.memref_slice %arg5[%scatter3A, %scatter3A_950, %scatter3A_951] : memref<4x40x512xf32, #tpu.memory_space<vmem>> -> memref<1x40x512xf32, #tpu.memory_space<vmem>>
      %scatter3A_953 = tpu.memref_squeeze %scatter3A_952 : memref<1x40x512xf32, #tpu.memory_space<vmem>> -> memref<40x512xf32, #tpu.memory_space<vmem>>
      tpu.vector_store_idx %scatter3A_953[%sub3A_947, %add3A_937], %broadcast_in_dim3A_949 masked %and3A : memref<40x512xf32, #tpu.memory_space<vmem>>[vector<16xi32>, vector<16xi32>], vector<16xf32>, vector<16xi1>
    }
    %scan3A_139 = arith.constant 32 : i32
    %scan3A_140 = arith.constant 0 : i32
    %scan3A_141 = arith.constant 0 : i32
    %scan3A_142 = arith.constant 32 : i32
    %scan3A_143 = arith.addi %scan3A_141, %scan3A_142 : i32
    %scan3A_144 = arith.constant 1 : i32
    scf.for %scan3A_933 = %scan3A_141 to %scan3A_143 step %scan3A_144  : i32 {
      %mul3A_934 = arith.constant 16 : i32
      %mul3A_935 = arith.muli %scan3A_933, %mul3A_934 : i32
      %add3A_936 = vector.broadcast %mul3A_935 : i32 to vector<16xi32>
      %add3A_937 = arith.addi %add3A_936, %iota3A : vector<16xi32>
      %mul3A_938 = arith.constant 16 : i32
      %mul3A_939 = arith.muli %scan3A_933, %mul3A_938 : i32
      %multiple_of3A_940 = tpu.assume_multiple %mul3A_939, 16 : i32
      %get3A = arith.index_cast %multiple_of3A_940 : i32 to index
      %get3A_941 = tpu.vector_load %arg4[%get3A] {strides = array<i32>} : memref<512xi32, #tpu.memory_space<vmem>>, vector<16xi32>,
      %ge3A = arith.constant 200 : i32
      %ge3A_942 = vector.broadcast %ge3A : i32 to vector<16xi32>
      %ge3A_943 = arith.cmpi sge, %get3A_941, %ge3A_942 : vector<16xi32>
      %lt3A = arith.constant 240 : i32
      %lt3A_944 = vector.broadcast %lt3A : i32 to vector<16xi32>
      %lt3A_945 = arith.cmpi slt, %get3A_941, %lt3A_944 : vector<16xi32>
      %and3A = arith.andi %ge3A_943, %lt3A_945 : vector<16xi1>
      %sub3A = arith.constant 200 : i32
      %sub3A_946 = vector.broadcast %sub3A : i32 to vector<16xi32>
      %sub3A_947 = arith.subi %get3A_941, %sub3A_946 : vector<16xi32>
      %broadcast_in_dim3A_948 = arith.constant 1.000000e+00 : f32
      %broadcast_in_dim3A_949 = vector.broadcast %broadcast_in_dim3A_948 : f32 to vector<16xf32>
      %scatter3A = arith.constant 1 : i32
      %scatter3A_950 = arith.constant 0 : i32
      %scatter3A_951 = arith.constant 0 : i32
      %scatter3A_952 = tpu.memref_slice %arg5[%scatter3A, %scatter3A_950, %scatter3A_951] : memref<4x40x512xf32, #tpu.memory_space<vmem>> -> memref<1x40x512xf32, #tpu.memory_space<vmem>>
      %scatter3A_953 = tpu.memref_squeeze %scatter3A_952 : memref<1x40x512xf32, #tpu.memory_space<vmem>> -> memref<40x512xf32, #tpu.memory_space<vmem>>
      tpu.vector_store_idx %scatter3A_953[%sub3A_947, %add3A_937], %broadcast_in_dim3A_949 masked %and3A : memref<40x512xf32, #tpu.memory_space<vmem>>[vector<16xi32>, vector<16xi32>], vector<16xf32>, vector<16xi1>
    }
    %scan3A_145 = arith.constant 32 : i32
    %dma_start3A_146 = arith.constant 1 : i32
    %dma_start3A_147 = arith.constant 0 : i32
    %dma_start3A_148 = arith.constant 0 : i32
    %dma_start3A_149 = tpu.memref_slice %arg5[%dma_start3A_146, %dma_start3A_147, %dma_start3A_148] : memref<4x40x512xf32, #tpu.memory_space<vmem>> -> memref<1x40x512xf32, #tpu.memory_space<vmem>>
    %dma_start3A_150 = tpu.memref_squeeze %dma_start3A_149 : memref<1x40x512xf32, #tpu.memory_space<vmem>> -> memref<40x512xf32, #tpu.memory_space<vmem>>
    %dma_start3A_151 = arith.constant 200 : i32
    %dma_start3A_152 = tpu.memref_slice %arg3[%dma_start3A_151, %multiple_of3A] : memref<1000x16384xf32, #tpu.memory_space<hbm>> -> memref<40x512xf32, #tpu.memory_space<hbm>>
    %dma_start3A_153 = arith.constant 200 : i32
    %dma_start3A_154 = tpu.memref_slice %arg3[%dma_start3A_153, %multiple_of3A] : memref<1000x16384xf32, #tpu.memory_space<hbm>> -> memref<40x512xf32, #tpu.memory_space<hbm>>
    %dma_start3A_155 = arith.constant 0 : i32
    %dma_start3A_156 = arith.constant 0 : i32
    %dma_start3A_157 = tpu.memref_slice %arg5[%dma_start3A_146, %dma_start3A_155, %dma_start3A_156] : memref<4x40x512xf32, #tpu.memory_space<vmem>> -> memref<1x40x512xf32, #tpu.memory_space<vmem>>
    %dma_start3A_158 = tpu.memref_squeeze %dma_start3A_157 : memref<1x40x512xf32, #tpu.memory_space<vmem>> -> memref<40x512xf32, #tpu.memory_space<vmem>>
    tpu.enqueue_dma source(%dma_start3A_158 : memref<40x512xf32, #tpu.memory_space<vmem>>) target(%dma_start3A_154 : memref<40x512xf32, #tpu.memory_space<hbm>>) target_semaphore(%arg6 : memref<!tpu.dma_semaphore, #tpu.memory_space<semaphore_mem>>)
    %dma_wait3A_159 = arith.constant 2 : i32
    %dma_wait3A_160 = arith.constant 0 : i32
    %dma_wait3A_161 = arith.constant 0 : i32
    %dma_wait3A_162 = tpu.memref_slice %arg5[%dma_wait3A_159, %dma_wait3A_160, %dma_wait3A_161] : memref<4x40x512xf32, #tpu.memory_space<vmem>> -> memref<1x40x512xf32, #tpu.memory_space<vmem>>
    %dma_wait3A_163 = tpu.memref_squeeze %dma_wait3A_162 : memref<1x40x512xf32, #tpu.memory_space<vmem>> -> memref<40x512xf32, #tpu.memory_space<vmem>>
    %dma_wait3A_164 = arith.constant 80 : i32
    %dma_wait3A_165 = tpu.memref_slice %arg3[%dma_wait3A_164, %multiple_of3A] : memref<1000x16384xf32, #tpu.memory_space<hbm>> -> memref<40x512xf32, #tpu.memory_space<hbm>>
    %dma_wait3A_166 = arith.constant 80 : i32
    %dma_wait3A_167 = tpu.memref_slice %arg3[%dma_wait3A_166, %multiple_of3A] : memref<1000x16384xf32, #tpu.memory_space<hbm>> -> memref<40x512xf32, #tpu.memory_space<hbm>>
    %dma_wait3A_168 = arith.constant 0 : i32
    %dma_wait3A_169 = arith.constant 0 : i32
    %dma_wait3A_170 = tpu.memref_slice %arg5[%dma_wait3A_159, %dma_wait3A_168, %dma_wait3A_169] : memref<4x40x512xf32, #tpu.memory_space<vmem>> -> memref<1x40x512xf32, #tpu.memory_space<vmem>>
    %dma_wait3A_171 = tpu.memref_squeeze %dma_wait3A_170 : memref<1x40x512xf32, #tpu.memory_space<vmem>> -> memref<40x512xf32, #tpu.memory_space<vmem>>
    tpu.wait_dma2 semaphore(%arg6 : memref<!tpu.dma_semaphore, #tpu.memory_space<semaphore_mem>>) src(%dma_wait3A_171 : memref<40x512xf32, #tpu.memory_space<vmem>>) dst(%dma_wait3A_167 : memref<40x512xf32, #tpu.memory_space<hbm>>)
    %scan3A_172 = arith.constant 0 : i32
    %scan3A_173 = arith.constant 0 : i32
    %scan3A_174 = arith.constant 32 : i32
    %scan3A_175 = arith.addi %scan3A_173, %scan3A_174 : i32
    %scan3A_176 = arith.constant 1 : i32
    scf.for %scan3A_933 = %scan3A_173 to %scan3A_175 step %scan3A_176  : i32 {
      %mul3A_934 = arith.constant 16 : i32
      %mul3A_935 = arith.muli %scan3A_933, %mul3A_934 : i32
      %add3A_936 = vector.broadcast %mul3A_935 : i32 to vector<16xi32>
      %add3A_937 = arith.addi %add3A_936, %iota3A : vector<16xi32>
      %mul3A_938 = arith.constant 16 : i32
      %mul3A_939 = arith.muli %scan3A_933, %mul3A_938 : i32
      %multiple_of3A_940 = tpu.assume_multiple %mul3A_939, 16 : i32
      %get3A = arith.index_cast %multiple_of3A_940 : i32 to index
      %get3A_941 = tpu.vector_load %arg4[%get3A] {strides = array<i32>} : memref<512xi32, #tpu.memory_space<vmem>>, vector<16xi32>,
      %ge3A = arith.constant 80 : i32
      %ge3A_942 = vector.broadcast %ge3A : i32 to vector<16xi32>
      %ge3A_943 = arith.cmpi sge, %get3A_941, %ge3A_942 : vector<16xi32>
      %lt3A = arith.constant 120 : i32
      %lt3A_944 = vector.broadcast %lt3A : i32 to vector<16xi32>
      %lt3A_945 = arith.cmpi slt, %get3A_941, %lt3A_944 : vector<16xi32>
      %and3A = arith.andi %ge3A_943, %lt3A_945 : vector<16xi1>
      %sub3A = arith.constant 80 : i32
      %sub3A_946 = vector.broadcast %sub3A : i32 to vector<16xi32>
      %sub3A_947 = arith.subi %get3A_941, %sub3A_946 : vector<16xi32>
      %broadcast_in_dim3A_948 = arith.constant 0.000000e+00 : f32
      %broadcast_in_dim3A_949 = vector.broadcast %broadcast_in_dim3A_948 : f32 to vector<16xf32>
      %scatter3A = arith.constant 2 : i32
      %scatter3A_950 = arith.constant 0 : i32
      %scatter3A_951 = arith.constant 0 : i32
      %scatter3A_952 = tpu.memref_slice %arg5[%scatter3A, %scatter3A_950, %scatter3A_951] : memref<4x40x512xf32, #tpu.memory_space<vmem>> -> memref<1x40x512xf32, #tpu.memory_space<vmem>>
      %scatter3A_953 = tpu.memref_squeeze %scatter3A_952 : memref<1x40x512xf32, #tpu.memory_space<vmem>> -> memref<40x512xf32, #tpu.memory_space<vmem>>
      tpu.vector_store_idx %scatter3A_953[%sub3A_947, %add3A_937], %broadcast_in_dim3A_949 masked %and3A : memref<40x512xf32, #tpu.memory_space<vmem>>[vector<16xi32>, vector<16xi32>], vector<16xf32>, vector<16xi1>
    }
    %scan3A_177 = arith.constant 32 : i32
    %scan3A_178 = arith.constant 0 : i32
    %scan3A_179 = arith.constant 0 : i32
    %scan3A_180 = arith.constant 32 : i32
    %scan3A_181 = arith.addi %scan3A_179, %scan3A_180 : i32
    %scan3A_182 = arith.constant 1 : i32
    scf.for %scan3A_933 = %scan3A_179 to %scan3A_181 step %scan3A_182  : i32 {
      %mul3A_934 = arith.constant 16 : i32
      %mul3A_935 = arith.muli %scan3A_933, %mul3A_934 : i32
      %add3A_936 = vector.broadcast %mul3A_935 : i32 to vector<16xi32>
      %add3A_937 = arith.addi %add3A_936, %iota3A : vector<16xi32>
      %mul3A_938 = arith.constant 16 : i32
      %mul3A_939 = arith.muli %scan3A_933, %mul3A_938 : i32
      %multiple_of3A_940 = tpu.assume_multiple %mul3A_939, 16 : i32
      %get3A = arith.index_cast %multiple_of3A_940 : i32 to index
      %get3A_941 = tpu.vector_load %arg4[%get3A] {strides = array<i32>} : memref<512xi32, #tpu.memory_space<vmem>>, vector<16xi32>,
      %ge3A = arith.constant 240 : i32
      %ge3A_942 = vector.broadcast %ge3A : i32 to vector<16xi32>
      %ge3A_943 = arith.cmpi sge, %get3A_941, %ge3A_942 : vector<16xi32>
      %lt3A = arith.constant 280 : i32
      %lt3A_944 = vector.broadcast %lt3A : i32 to vector<16xi32>
      %lt3A_945 = arith.cmpi slt, %get3A_941, %lt3A_944 : vector<16xi32>
      %and3A = arith.andi %ge3A_943, %lt3A_945 : vector<16xi1>
      %sub3A = arith.constant 240 : i32
      %sub3A_946 = vector.broadcast %sub3A : i32 to vector<16xi32>
      %sub3A_947 = arith.subi %get3A_941, %sub3A_946 : vector<16xi32>
      %broadcast_in_dim3A_948 = arith.constant 1.000000e+00 : f32
      %broadcast_in_dim3A_949 = vector.broadcast %broadcast_in_dim3A_948 : f32 to vector<16xf32>
      %scatter3A = arith.constant 2 : i32
      %scatter3A_950 = arith.constant 0 : i32
      %scatter3A_951 = arith.constant 0 : i32
      %scatter3A_952 = tpu.memref_slice %arg5[%scatter3A, %scatter3A_950, %scatter3A_951] : memref<4x40x512xf32, #tpu.memory_space<vmem>> -> memref<1x40x512xf32, #tpu.memory_space<vmem>>
      %scatter3A_953 = tpu.memref_squeeze %scatter3A_952 : memref<1x40x512xf32, #tpu.memory_space<vmem>> -> memref<40x512xf32, #tpu.memory_space<vmem>>
      tpu.vector_store_idx %scatter3A_953[%sub3A_947, %add3A_937], %broadcast_in_dim3A_949 masked %and3A : memref<40x512xf32, #tpu.memory_space<vmem>>[vector<16xi32>, vector<16xi32>], vector<16xf32>, vector<16xi1>
    }
    %scan3A_183 = arith.constant 32 : i32
    %dma_start3A_184 = arith.constant 2 : i32
    %dma_start3A_185 = arith.constant 0 : i32
    %dma_start3A_186 = arith.constant 0 : i32
    %dma_start3A_187 = tpu.memref_slice %arg5[%dma_start3A_184, %dma_start3A_185, %dma_start3A_186] : memref<4x40x512xf32, #tpu.memory_space<vmem>> -> memref<1x40x512xf32, #tpu.memory_space<vmem>>
    %dma_start3A_188 = tpu.memref_squeeze %dma_start3A_187 : memref<1x40x512xf32, #tpu.memory_space<vmem>> -> memref<40x512xf32, #tpu.memory_space<vmem>>
    %dma_start3A_189 = arith.constant 240 : i32
    %dma_start3A_190 = tpu.memref_slice %arg3[%dma_start3A_189, %multiple_of3A] : memref<1000x16384xf32, #tpu.memory_space<hbm>> -> memref<40x512xf32, #tpu.memory_space<hbm>>
    %dma_start3A_191 = arith.constant 240 : i32
    %dma_start3A_192 = tpu.memref_slice %arg3[%dma_start3A_191, %multiple_of3A] : memref<1000x16384xf32, #tpu.memory_space<hbm>> -> memref<40x512xf32, #tpu.memory_space<hbm>>
    %dma_start3A_193 = arith.constant 0 : i32
    %dma_start3A_194 = arith.constant 0 : i32
    %dma_start3A_195 = tpu.memref_slice %arg5[%dma_start3A_184, %dma_start3A_193, %dma_start3A_194] : memref<4x40x512xf32, #tpu.memory_space<vmem>> -> memref<1x40x512xf32, #tpu.memory_space<vmem>>
    %dma_start3A_196 = tpu.memref_squeeze %dma_start3A_195 : memref<1x40x512xf32, #tpu.memory_space<vmem>> -> memref<40x512xf32, #tpu.memory_space<vmem>>
    tpu.enqueue_dma source(%dma_start3A_196 : memref<40x512xf32, #tpu.memory_space<vmem>>) target(%dma_start3A_192 : memref<40x512xf32, #tpu.memory_space<hbm>>) target_semaphore(%arg6 : memref<!tpu.dma_semaphore, #tpu.memory_space<semaphore_mem>>)
    %dma_wait3A_197 = arith.constant 3 : i32
    %dma_wait3A_198 = arith.constant 0 : i32
    %dma_wait3A_199 = arith.constant 0 : i32
    %dma_wait3A_200 = tpu.memref_slice %arg5[%dma_wait3A_197, %dma_wait3A_198, %dma_wait3A_199] : memref<4x40x512xf32, #tpu.memory_space<vmem>> -> memref<1x40x512xf32, #tpu.memory_space<vmem>>
    %dma_wait3A_201 = tpu.memref_squeeze %dma_wait3A_200 : memref<1x40x512xf32, #tpu.memory_space<vmem>> -> memref<40x512xf32, #tpu.memory_space<vmem>>
    %dma_wait3A_202 = arith.constant 120 : i32
    %dma_wait3A_203 = tpu.memref_slice %arg3[%dma_wait3A_202, %multiple_of3A] : memref<1000x16384xf32, #tpu.memory_space<hbm>> -> memref<40x512xf32, #tpu.memory_space<hbm>>
    %dma_wait3A_204 = arith.constant 120 : i32
    %dma_wait3A_205 = tpu.memref_slice %arg3[%dma_wait3A_204, %multiple_of3A] : memref<1000x16384xf32, #tpu.memory_space<hbm>> -> memref<40x512xf32, #tpu.memory_space<hbm>>
    %dma_wait3A_206 = arith.constant 0 : i32
    %dma_wait3A_207 = arith.constant 0 : i32
    %dma_wait3A_208 = tpu.memref_slice %arg5[%dma_wait3A_197, %dma_wait3A_206, %dma_wait3A_207] : memref<4x40x512xf32, #tpu.memory_space<vmem>> -> memref<1x40x512xf32, #tpu.memory_space<vmem>>
    %dma_wait3A_209 = tpu.memref_squeeze %dma_wait3A_208 : memref<1x40x512xf32, #tpu.memory_space<vmem>> -> memref<40x512xf32, #tpu.memory_space<vmem>>
    tpu.wait_dma2 semaphore(%arg6 : memref<!tpu.dma_semaphore, #tpu.memory_space<semaphore_mem>>) src(%dma_wait3A_209 : memref<40x512xf32, #tpu.memory_space<vmem>>) dst(%dma_wait3A_205 : memref<40x512xf32, #tpu.memory_space<hbm>>)
    %scan3A_210 = arith.constant 0 : i32
    %scan3A_211 = arith.constant 0 : i32
    %scan3A_212 = arith.constant 32 : i32
    %scan3A_213 = arith.addi %scan3A_211, %scan3A_212 : i32
    %scan3A_214 = arith.constant 1 : i32
    scf.for %scan3A_933 = %scan3A_211 to %scan3A_213 step %scan3A_214  : i32 {
      %mul3A_934 = arith.constant 16 : i32
      %mul3A_935 = arith.muli %scan3A_933, %mul3A_934 : i32
      %add3A_936 = vector.broadcast %mul3A_935 : i32 to vector<16xi32>
      %add3A_937 = arith.addi %add3A_936, %iota3A : vector<16xi32>
      %mul3A_938 = arith.constant 16 : i32
      %mul3A_939 = arith.muli %scan3A_933, %mul3A_938 : i32
      %multiple_of3A_940 = tpu.assume_multiple %mul3A_939, 16 : i32
      %get3A = arith.index_cast %multiple_of3A_940 : i32 to index
      %get3A_941 = tpu.vector_load %arg4[%get3A] {strides = array<i32>} : memref<512xi32, #tpu.memory_space<vmem>>, vector<16xi32>,
      %ge3A = arith.constant 120 : i32
      %ge3A_942 = vector.broadcast %ge3A : i32 to vector<16xi32>
      %ge3A_943 = arith.cmpi sge, %get3A_941, %ge3A_942 : vector<16xi32>
      %lt3A = arith.constant 160 : i32
      %lt3A_944 = vector.broadcast %lt3A : i32 to vector<16xi32>
      %lt3A_945 = arith.cmpi slt, %get3A_941, %lt3A_944 : vector<16xi32>
      %and3A = arith.andi %ge3A_943, %lt3A_945 : vector<16xi1>
      %sub3A = arith.constant 120 : i32
      %sub3A_946 = vector.broadcast %sub3A : i32 to vector<16xi32>
      %sub3A_947 = arith.subi %get3A_941, %sub3A_946 : vector<16xi32>
      %broadcast_in_dim3A_948 = arith.constant 0.000000e+00 : f32
      %broadcast_in_dim3A_949 = vector.broadcast %broadcast_in_dim3A_948 : f32 to vector<16xf32>
      %scatter3A = arith.constant 3 : i32
      %scatter3A_950 = arith.constant 0 : i32
      %scatter3A_951 = arith.constant 0 : i32
      %scatter3A_952 = tpu.memref_slice %arg5[%scatter3A, %scatter3A_950, %scatter3A_951] : memref<4x40x512xf32, #tpu.memory_space<vmem>> -> memref<1x40x512xf32, #tpu.memory_space<vmem>>
      %scatter3A_953 = tpu.memref_squeeze %scatter3A_952 : memref<1x40x512xf32, #tpu.memory_space<vmem>> -> memref<40x512xf32, #tpu.memory_space<vmem>>
      tpu.vector_store_idx %scatter3A_953[%sub3A_947, %add3A_937], %broadcast_in_dim3A_949 masked %and3A : memref<40x512xf32, #tpu.memory_space<vmem>>[vector<16xi32>, vector<16xi32>], vector<16xf32>, vector<16xi1>
    }
    %scan3A_215 = arith.constant 32 : i32
    %scan3A_216 = arith.constant 0 : i32
    %scan3A_217 = arith.constant 0 : i32
    %scan3A_218 = arith.constant 32 : i32
    %scan3A_219 = arith.addi %scan3A_217, %scan3A_218 : i32
    %scan3A_220 = arith.constant 1 : i32
    scf.for %scan3A_933 = %scan3A_217 to %scan3A_219 step %scan3A_220  : i32 {
      %mul3A_934 = arith.constant 16 : i32
      %mul3A_935 = arith.muli %scan3A_933, %mul3A_934 : i32
      %add3A_936 = vector.broadcast %mul3A_935 : i32 to vector<16xi32>
      %add3A_937 = arith.addi %add3A_936, %iota3A : vector<16xi32>
      %mul3A_938 = arith.constant 16 : i32
      %mul3A_939 = arith.muli %scan3A_933, %mul3A_938 : i32
      %multiple_of3A_940 = tpu.assume_multiple %mul3A_939, 16 : i32
      %get3A = arith.index_cast %multiple_of3A_940 : i32 to index
      %get3A_941 = tpu.vector_load %arg4[%get3A] {strides = array<i32>} : memref<512xi32, #tpu.memory_space<vmem>>, vector<16xi32>,
      %ge3A = arith.constant 280 : i32
      %ge3A_942 = vector.broadcast %ge3A : i32 to vector<16xi32>
      %ge3A_943 = arith.cmpi sge, %get3A_941, %ge3A_942 : vector<16xi32>
      %lt3A = arith.constant 320 : i32
      %lt3A_944 = vector.broadcast %lt3A : i32 to vector<16xi32>
      %lt3A_945 = arith.cmpi slt, %get3A_941, %lt3A_944 : vector<16xi32>
      %and3A = arith.andi %ge3A_943, %lt3A_945 : vector<16xi1>
      %sub3A = arith.constant 280 : i32
      %sub3A_946 = vector.broadcast %sub3A : i32 to vector<16xi32>
      %sub3A_947 = arith.subi %get3A_941, %sub3A_946 : vector<16xi32>
      %broadcast_in_dim3A_948 = arith.constant 1.000000e+00 : f32
      %broadcast_in_dim3A_949 = vector.broadcast %broadcast_in_dim3A_948 : f32 to vector<16xf32>
      %scatter3A = arith.constant 3 : i32
      %scatter3A_950 = arith.constant 0 : i32
      %scatter3A_951 = arith.constant 0 : i32
      %scatter3A_952 = tpu.memref_slice %arg5[%scatter3A, %scatter3A_950, %scatter3A_951] : memref<4x40x512xf32, #tpu.memory_space<vmem>> -> memref<1x40x512xf32, #tpu.memory_space<vmem>>
      %scatter3A_953 = tpu.memref_squeeze %scatter3A_952 : memref<1x40x512xf32, #tpu.memory_space<vmem>> -> memref<40x512xf32, #tpu.memory_space<vmem>>
      tpu.vector_store_idx %scatter3A_953[%sub3A_947, %add3A_937], %broadcast_in_dim3A_949 masked %and3A : memref<40x512xf32, #tpu.memory_space<vmem>>[vector<16xi32>, vector<16xi32>], vector<16xf32>, vector<16xi1>
    }
    %scan3A_221 = arith.constant 32 : i32
    %dma_start3A_222 = arith.constant 3 : i32
    %dma_start3A_223 = arith.constant 0 : i32
    %dma_start3A_224 = arith.constant 0 : i32
    %dma_start3A_225 = tpu.memref_slice %arg5[%dma_start3A_222, %dma_start3A_223, %dma_start3A_224] : memref<4x40x512xf32, #tpu.memory_space<vmem>> -> memref<1x40x512xf32, #tpu.memory_space<vmem>>
    %dma_start3A_226 = tpu.memref_squeeze %dma_start3A_225 : memref<1x40x512xf32, #tpu.memory_space<vmem>> -> memref<40x512xf32, #tpu.memory_space<vmem>>
    %dma_start3A_227 = arith.constant 280 : i32
    %dma_start3A_228 = tpu.memref_slice %arg3[%dma_start3A_227, %multiple_of3A] : memref<1000x16384xf32, #tpu.memory_space<hbm>> -> memref<40x512xf32, #tpu.memory_space<hbm>>
    %dma_start3A_229 = arith.constant 280 : i32
    %dma_start3A_230 = tpu.memref_slice %arg3[%dma_start3A_229, %multiple_of3A] : memref<1000x16384xf32, #tpu.memory_space<hbm>> -> memref<40x512xf32, #tpu.memory_space<hbm>>
    %dma_start3A_231 = arith.constant 0 : i32
    %dma_start3A_232 = arith.constant 0 : i32
    %dma_start3A_233 = tpu.memref_slice %arg5[%dma_start3A_222, %dma_start3A_231, %dma_start3A_232] : memref<4x40x512xf32, #tpu.memory_space<vmem>> -> memref<1x40x512xf32, #tpu.memory_space<vmem>>
    %dma_start3A_234 = tpu.memref_squeeze %dma_start3A_233 : memref<1x40x512xf32, #tpu.memory_space<vmem>> -> memref<40x512xf32, #tpu.memory_space<vmem>>
    tpu.enqueue_dma source(%dma_start3A_234 : memref<40x512xf32, #tpu.memory_space<vmem>>) target(%dma_start3A_230 : memref<40x512xf32, #tpu.memory_space<hbm>>) target_semaphore(%arg6 : memref<!tpu.dma_semaphore, #tpu.memory_space<semaphore_mem>>)
    %dma_wait3A_235 = arith.constant 0 : i32
    %dma_wait3A_236 = arith.constant 0 : i32
    %dma_wait3A_237 = arith.constant 0 : i32
    %dma_wait3A_238 = tpu.memref_slice %arg5[%dma_wait3A_235, %dma_wait3A_236, %dma_wait3A_237] : memref<4x40x512xf32, #tpu.memory_space<vmem>> -> memref<1x40x512xf32, #tpu.memory_space<vmem>>
    %dma_wait3A_239 = tpu.memref_squeeze %dma_wait3A_238 : memref<1x40x512xf32, #tpu.memory_space<vmem>> -> memref<40x512xf32, #tpu.memory_space<vmem>>
    %dma_wait3A_240 = arith.constant 160 : i32
    %dma_wait3A_241 = tpu.memref_slice %arg3[%dma_wait3A_240, %multiple_of3A] : memref<1000x16384xf32, #tpu.memory_space<hbm>> -> memref<40x512xf32, #tpu.memory_space<hbm>>
    %dma_wait3A_242 = arith.constant 160 : i32
    %dma_wait3A_243 = tpu.memref_slice %arg3[%dma_wait3A_242, %multiple_of3A] : memref<1000x16384xf32, #tpu.memory_space<hbm>> -> memref<40x512xf32, #tpu.memory_space<hbm>>
    %dma_wait3A_244 = arith.constant 0 : i32
    %dma_wait3A_245 = arith.constant 0 : i32
    %dma_wait3A_246 = tpu.memref_slice %arg5[%dma_wait3A_235, %dma_wait3A_244, %dma_wait3A_245] : memref<4x40x512xf32, #tpu.memory_space<vmem>> -> memref<1x40x512xf32, #tpu.memory_space<vmem>>
    %dma_wait3A_247 = tpu.memref_squeeze %dma_wait3A_246 : memref<1x40x512xf32, #tpu.memory_space<vmem>> -> memref<40x512xf32, #tpu.memory_space<vmem>>
    tpu.wait_dma2 semaphore(%arg6 : memref<!tpu.dma_semaphore, #tpu.memory_space<semaphore_mem>>) src(%dma_wait3A_247 : memref<40x512xf32, #tpu.memory_space<vmem>>) dst(%dma_wait3A_243 : memref<40x512xf32, #tpu.memory_space<hbm>>)
    %scan3A_248 = arith.constant 0 : i32
    %scan3A_249 = arith.constant 0 : i32
    %scan3A_250 = arith.constant 32 : i32
    %scan3A_251 = arith.addi %scan3A_249, %scan3A_250 : i32
    %scan3A_252 = arith.constant 1 : i32
    scf.for %scan3A_933 = %scan3A_249 to %scan3A_251 step %scan3A_252  : i32 {
      %mul3A_934 = arith.constant 16 : i32
      %mul3A_935 = arith.muli %scan3A_933, %mul3A_934 : i32
      %add3A_936 = vector.broadcast %mul3A_935 : i32 to vector<16xi32>
      %add3A_937 = arith.addi %add3A_936, %iota3A : vector<16xi32>
      %mul3A_938 = arith.constant 16 : i32
      %mul3A_939 = arith.muli %scan3A_933, %mul3A_938 : i32
      %multiple_of3A_940 = tpu.assume_multiple %mul3A_939, 16 : i32
      %get3A = arith.index_cast %multiple_of3A_940 : i32 to index
      %get3A_941 = tpu.vector_load %arg4[%get3A] {strides = array<i32>} : memref<512xi32, #tpu.memory_space<vmem>>, vector<16xi32>,
      %ge3A = arith.constant 160 : i32
      %ge3A_942 = vector.broadcast %ge3A : i32 to vector<16xi32>
      %ge3A_943 = arith.cmpi sge, %get3A_941, %ge3A_942 : vector<16xi32>
      %lt3A = arith.constant 200 : i32
      %lt3A_944 = vector.broadcast %lt3A : i32 to vector<16xi32>
      %lt3A_945 = arith.cmpi slt, %get3A_941, %lt3A_944 : vector<16xi32>
      %and3A = arith.andi %ge3A_943, %lt3A_945 : vector<16xi1>
      %sub3A = arith.constant 160 : i32
      %sub3A_946 = vector.broadcast %sub3A : i32 to vector<16xi32>
      %sub3A_947 = arith.subi %get3A_941, %sub3A_946 : vector<16xi32>
      %broadcast_in_dim3A_948 = arith.constant 0.000000e+00 : f32
      %broadcast_in_dim3A_949 = vector.broadcast %broadcast_in_dim3A_948 : f32 to vector<16xf32>
      %scatter3A = arith.constant 0 : i32
      %scatter3A_950 = arith.constant 0 : i32
      %scatter3A_951 = arith.constant 0 : i32
      %scatter3A_952 = tpu.memref_slice %arg5[%scatter3A, %scatter3A_950, %scatter3A_951] : memref<4x40x512xf32, #tpu.memory_space<vmem>> -> memref<1x40x512xf32, #tpu.memory_space<vmem>>
      %scatter3A_953 = tpu.memref_squeeze %scatter3A_952 : memref<1x40x512xf32, #tpu.memory_space<vmem>> -> memref<40x512xf32, #tpu.memory_space<vmem>>
      tpu.vector_store_idx %scatter3A_953[%sub3A_947, %add3A_937], %broadcast_in_dim3A_949 masked %and3A : memref<40x512xf32, #tpu.memory_space<vmem>>[vector<16xi32>, vector<16xi32>], vector<16xf32>, vector<16xi1>
    }
    %scan3A_253 = arith.constant 32 : i32
    %scan3A_254 = arith.constant 0 : i32
    %scan3A_255 = arith.constant 0 : i32
    %scan3A_256 = arith.constant 32 : i32
    %scan3A_257 = arith.addi %scan3A_255, %scan3A_256 : i32
    %scan3A_258 = arith.constant 1 : i32
    scf.for %scan3A_933 = %scan3A_255 to %scan3A_257 step %scan3A_258  : i32 {
      %mul3A_934 = arith.constant 16 : i32
      %mul3A_935 = arith.muli %scan3A_933, %mul3A_934 : i32
      %add3A_936 = vector.broadcast %mul3A_935 : i32 to vector<16xi32>
      %add3A_937 = arith.addi %add3A_936, %iota3A : vector<16xi32>
      %mul3A_938 = arith.constant 16 : i32
      %mul3A_939 = arith.muli %scan3A_933, %mul3A_938 : i32
      %multiple_of3A_940 = tpu.assume_multiple %mul3A_939, 16 : i32
      %get3A = arith.index_cast %multiple_of3A_940 : i32 to index
      %get3A_941 = tpu.vector_load %arg4[%get3A] {strides = array<i32>} : memref<512xi32, #tpu.memory_space<vmem>>, vector<16xi32>,
      %ge3A = arith.constant 320 : i32
      %ge3A_942 = vector.broadcast %ge3A : i32 to vector<16xi32>
      %ge3A_943 = arith.cmpi sge, %get3A_941, %ge3A_942 : vector<16xi32>
      %lt3A = arith.constant 360 : i32
      %lt3A_944 = vector.broadcast %lt3A : i32 to vector<16xi32>
      %lt3A_945 = arith.cmpi slt, %get3A_941, %lt3A_944 : vector<16xi32>
      %and3A = arith.andi %ge3A_943, %lt3A_945 : vector<16xi1>
      %sub3A = arith.constant 320 : i32
      %sub3A_946 = vector.broadcast %sub3A : i32 to vector<16xi32>
      %sub3A_947 = arith.subi %get3A_941, %sub3A_946 : vector<16xi32>
      %broadcast_in_dim3A_948 = arith.constant 1.000000e+00 : f32
      %broadcast_in_dim3A_949 = vector.broadcast %broadcast_in_dim3A_948 : f32 to vector<16xf32>
      %scatter3A = arith.constant 0 : i32
      %scatter3A_950 = arith.constant 0 : i32
      %scatter3A_951 = arith.constant 0 : i32
      %scatter3A_952 = tpu.memref_slice %arg5[%scatter3A, %scatter3A_950, %scatter3A_951] : memref<4x40x512xf32, #tpu.memory_space<vmem>> -> memref<1x40x512xf32, #tpu.memory_space<vmem>>
      %scatter3A_953 = tpu.memref_squeeze %scatter3A_952 : memref<1x40x512xf32, #tpu.memory_space<vmem>> -> memref<40x512xf32, #tpu.memory_space<vmem>>
      tpu.vector_store_idx %scatter3A_953[%sub3A_947, %add3A_937], %broadcast_in_dim3A_949 masked %and3A : memref<40x512xf32, #tpu.memory_space<vmem>>[vector<16xi32>, vector<16xi32>], vector<16xf32>, vector<16xi1>
    }
    %scan3A_259 = arith.constant 32 : i32
    %dma_start3A_260 = arith.constant 0 : i32
    %dma_start3A_261 = arith.constant 0 : i32
    %dma_start3A_262 = arith.constant 0 : i32
    %dma_start3A_263 = tpu.memref_slice %arg5[%dma_start3A_260, %dma_start3A_261, %dma_start3A_262] : memref<4x40x512xf32, #tpu.memory_space<vmem>> -> memref<1x40x512xf32, #tpu.memory_space<vmem>>
    %dma_start3A_264 = tpu.memref_squeeze %dma_start3A_263 : memref<1x40x512xf32, #tpu.memory_space<vmem>> -> memref<40x512xf32, #tpu.memory_space<vmem>>
    %dma_start3A_265 = arith.constant 320 : i32
    %dma_start3A_266 = tpu.memref_slice %arg3[%dma_start3A_265, %multiple_of3A] : memref<1000x16384xf32, #tpu.memory_space<hbm>> -> memref<40x512xf32, #tpu.memory_space<hbm>>
    %dma_start3A_267 = arith.constant 320 : i32
    %dma_start3A_268 = tpu.memref_slice %arg3[%dma_start3A_267, %multiple_of3A] : memref<1000x16384xf32, #tpu.memory_space<hbm>> -> memref<40x512xf32, #tpu.memory_space<hbm>>
    %dma_start3A_269 = arith.constant 0 : i32
    %dma_start3A_270 = arith.constant 0 : i32
    %dma_start3A_271 = tpu.memref_slice %arg5[%dma_start3A_260, %dma_start3A_269, %dma_start3A_270] : memref<4x40x512xf32, #tpu.memory_space<vmem>> -> memref<1x40x512xf32, #tpu.memory_space<vmem>>
    %dma_start3A_272 = tpu.memref_squeeze %dma_start3A_271 : memref<1x40x512xf32, #tpu.memory_space<vmem>> -> memref<40x512xf32, #tpu.memory_space<vmem>>
    tpu.enqueue_dma source(%dma_start3A_272 : memref<40x512xf32, #tpu.memory_space<vmem>>) target(%dma_start3A_268 : memref<40x512xf32, #tpu.memory_space<hbm>>) target_semaphore(%arg6 : memref<!tpu.dma_semaphore, #tpu.memory_space<semaphore_mem>>)
    %dma_wait3A_273 = arith.constant 1 : i32
    %dma_wait3A_274 = arith.constant 0 : i32
    %dma_wait3A_275 = arith.constant 0 : i32
    %dma_wait3A_276 = tpu.memref_slice %arg5[%dma_wait3A_273, %dma_wait3A_274, %dma_wait3A_275] : memref<4x40x512xf32, #tpu.memory_space<vmem>> -> memref<1x40x512xf32, #tpu.memory_space<vmem>>
    %dma_wait3A_277 = tpu.memref_squeeze %dma_wait3A_276 : memref<1x40x512xf32, #tpu.memory_space<vmem>> -> memref<40x512xf32, #tpu.memory_space<vmem>>
    %dma_wait3A_278 = arith.constant 200 : i32
    %dma_wait3A_279 = tpu.memref_slice %arg3[%dma_wait3A_278, %multiple_of3A] : memref<1000x16384xf32, #tpu.memory_space<hbm>> -> memref<40x512xf32, #tpu.memory_space<hbm>>
    %dma_wait3A_280 = arith.constant 200 : i32
    %dma_wait3A_281 = tpu.memref_slice %arg3[%dma_wait3A_280, %multiple_of3A] : memref<1000x16384xf32, #tpu.memory_space<hbm>> -> memref<40x512xf32, #tpu.memory_space<hbm>>
    %dma_wait3A_282 = arith.constant 0 : i32
    %dma_wait3A_283 = arith.constant 0 : i32
    %dma_wait3A_284 = tpu.memref_slice %arg5[%dma_wait3A_273, %dma_wait3A_282, %dma_wait3A_283] : memref<4x40x512xf32, #tpu.memory_space<vmem>> -> memref<1x40x512xf32, #tpu.memory_space<vmem>>
    %dma_wait3A_285 = tpu.memref_squeeze %dma_wait3A_284 : memref<1x40x512xf32, #tpu.memory_space<vmem>> -> memref<40x512xf32, #tpu.memory_space<vmem>>
    tpu.wait_dma2 semaphore(%arg6 : memref<!tpu.dma_semaphore, #tpu.memory_space<semaphore_mem>>) src(%dma_wait3A_285 : memref<40x512xf32, #tpu.memory_space<vmem>>) dst(%dma_wait3A_281 : memref<40x512xf32, #tpu.memory_space<hbm>>)
    %scan3A_286 = arith.constant 0 : i32
    %scan3A_287 = arith.constant 0 : i32
    %scan3A_288 = arith.constant 32 : i32
    %scan3A_289 = arith.addi %scan3A_287, %scan3A_288 : i32
    %scan3A_290 = arith.constant 1 : i32
    scf.for %scan3A_933 = %scan3A_287 to %scan3A_289 step %scan3A_290  : i32 {
      %mul3A_934 = arith.constant 16 : i32
      %mul3A_935 = arith.muli %scan3A_933, %mul3A_934 : i32
      %add3A_936 = vector.broadcast %mul3A_935 : i32 to vector<16xi32>
      %add3A_937 = arith.addi %add3A_936, %iota3A : vector<16xi32>
      %mul3A_938 = arith.constant 16 : i32
      %mul3A_939 = arith.muli %scan3A_933, %mul3A_938 : i32
      %multiple_of3A_940 = tpu.assume_multiple %mul3A_939, 16 : i32
      %get3A = arith.index_cast %multiple_of3A_940 : i32 to index
      %get3A_941 = tpu.vector_load %arg4[%get3A] {strides = array<i32>} : memref<512xi32, #tpu.memory_space<vmem>>, vector<16xi32>,
      %ge3A = arith.constant 200 : i32
      %ge3A_942 = vector.broadcast %ge3A : i32 to vector<16xi32>
      %ge3A_943 = arith.cmpi sge, %get3A_941, %ge3A_942 : vector<16xi32>
      %lt3A = arith.constant 240 : i32
      %lt3A_944 = vector.broadcast %lt3A : i32 to vector<16xi32>
      %lt3A_945 = arith.cmpi slt, %get3A_941, %lt3A_944 : vector<16xi32>
      %and3A = arith.andi %ge3A_943, %lt3A_945 : vector<16xi1>
      %sub3A = arith.constant 200 : i32
      %sub3A_946 = vector.broadcast %sub3A : i32 to vector<16xi32>
      %sub3A_947 = arith.subi %get3A_941, %sub3A_946 : vector<16xi32>
      %broadcast_in_dim3A_948 = arith.constant 0.000000e+00 : f32
      %broadcast_in_dim3A_949 = vector.broadcast %broadcast_in_dim3A_948 : f32 to vector<16xf32>
      %scatter3A = arith.constant 1 : i32
      %scatter3A_950 = arith.constant 0 : i32
      %scatter3A_951 = arith.constant 0 : i32
      %scatter3A_952 = tpu.memref_slice %arg5[%scatter3A, %scatter3A_950, %scatter3A_951] : memref<4x40x512xf32, #tpu.memory_space<vmem>> -> memref<1x40x512xf32, #tpu.memory_space<vmem>>
      %scatter3A_953 = tpu.memref_squeeze %scatter3A_952 : memref<1x40x512xf32, #tpu.memory_space<vmem>> -> memref<40x512xf32, #tpu.memory_space<vmem>>
      tpu.vector_store_idx %scatter3A_953[%sub3A_947, %add3A_937], %broadcast_in_dim3A_949 masked %and3A : memref<40x512xf32, #tpu.memory_space<vmem>>[vector<16xi32>, vector<16xi32>], vector<16xf32>, vector<16xi1>
    }
    %scan3A_291 = arith.constant 32 : i32
    %scan3A_292 = arith.constant 0 : i32
    %scan3A_293 = arith.constant 0 : i32
    %scan3A_294 = arith.constant 32 : i32
    %scan3A_295 = arith.addi %scan3A_293, %scan3A_294 : i32
    %scan3A_296 = arith.constant 1 : i32
    scf.for %scan3A_933 = %scan3A_293 to %scan3A_295 step %scan3A_296  : i32 {
      %mul3A_934 = arith.constant 16 : i32
      %mul3A_935 = arith.muli %scan3A_933, %mul3A_934 : i32
      %add3A_936 = vector.broadcast %mul3A_935 : i32 to vector<16xi32>
      %add3A_937 = arith.addi %add3A_936, %iota3A : vector<16xi32>
      %mul3A_938 = arith.constant 16 : i32
      %mul3A_939 = arith.muli %scan3A_933, %mul3A_938 : i32
      %multiple_of3A_940 = tpu.assume_multiple %mul3A_939, 16 : i32
      %get3A = arith.index_cast %multiple_of3A_940 : i32 to index
      %get3A_941 = tpu.vector_load %arg4[%get3A] {strides = array<i32>} : memref<512xi32, #tpu.memory_space<vmem>>, vector<16xi32>,
      %ge3A = arith.constant 360 : i32
      %ge3A_942 = vector.broadcast %ge3A : i32 to vector<16xi32>
      %ge3A_943 = arith.cmpi sge, %get3A_941, %ge3A_942 : vector<16xi32>
      %lt3A = arith.constant 400 : i32
      %lt3A_944 = vector.broadcast %lt3A : i32 to vector<16xi32>
      %lt3A_945 = arith.cmpi slt, %get3A_941, %lt3A_944 : vector<16xi32>
      %and3A = arith.andi %ge3A_943, %lt3A_945 : vector<16xi1>
      %sub3A = arith.constant 360 : i32
      %sub3A_946 = vector.broadcast %sub3A : i32 to vector<16xi32>
      %sub3A_947 = arith.subi %get3A_941, %sub3A_946 : vector<16xi32>
      %broadcast_in_dim3A_948 = arith.constant 1.000000e+00 : f32
      %broadcast_in_dim3A_949 = vector.broadcast %broadcast_in_dim3A_948 : f32 to vector<16xf32>
      %scatter3A = arith.constant 1 : i32
      %scatter3A_950 = arith.constant 0 : i32
      %scatter3A_951 = arith.constant 0 : i32
      %scatter3A_952 = tpu.memref_slice %arg5[%scatter3A, %scatter3A_950, %scatter3A_951] : memref<4x40x512xf32, #tpu.memory_space<vmem>> -> memref<1x40x512xf32, #tpu.memory_space<vmem>>
      %scatter3A_953 = tpu.memref_squeeze %scatter3A_952 : memref<1x40x512xf32, #tpu.memory_space<vmem>> -> memref<40x512xf32, #tpu.memory_space<vmem>>
      tpu.vector_store_idx %scatter3A_953[%sub3A_947, %add3A_937], %broadcast_in_dim3A_949 masked %and3A : memref<40x512xf32, #tpu.memory_space<vmem>>[vector<16xi32>, vector<16xi32>], vector<16xf32>, vector<16xi1>
    }
    %scan3A_297 = arith.constant 32 : i32
    %dma_start3A_298 = arith.constant 1 : i32
    %dma_start3A_299 = arith.constant 0 : i32
    %dma_start3A_300 = arith.constant 0 : i32
    %dma_start3A_301 = tpu.memref_slice %arg5[%dma_start3A_298, %dma_start3A_299, %dma_start3A_300] : memref<4x40x512xf32, #tpu.memory_space<vmem>> -> memref<1x40x512xf32, #tpu.memory_space<vmem>>
    %dma_start3A_302 = tpu.memref_squeeze %dma_start3A_301 : memref<1x40x512xf32, #tpu.memory_space<vmem>> -> memref<40x512xf32, #tpu.memory_space<vmem>>
    %dma_start3A_303 = arith.constant 360 : i32
    %dma_start3A_304 = tpu.memref_slice %arg3[%dma_start3A_303, %multiple_of3A] : memref<1000x16384xf32, #tpu.memory_space<hbm>> -> memref<40x512xf32, #tpu.memory_space<hbm>>
    %dma_start3A_305 = arith.constant 360 : i32
    %dma_start3A_306 = tpu.memref_slice %arg3[%dma_start3A_305, %multiple_of3A] : memref<1000x16384xf32, #tpu.memory_space<hbm>> -> memref<40x512xf32, #tpu.memory_space<hbm>>
    %dma_start3A_307 = arith.constant 0 : i32
    %dma_start3A_308 = arith.constant 0 : i32
    %dma_start3A_309 = tpu.memref_slice %arg5[%dma_start3A_298, %dma_start3A_307, %dma_start3A_308] : memref<4x40x512xf32, #tpu.memory_space<vmem>> -> memref<1x40x512xf32, #tpu.memory_space<vmem>>
    %dma_start3A_310 = tpu.memref_squeeze %dma_start3A_309 : memref<1x40x512xf32, #tpu.memory_space<vmem>> -> memref<40x512xf32, #tpu.memory_space<vmem>>
    tpu.enqueue_dma source(%dma_start3A_310 : memref<40x512xf32, #tpu.memory_space<vmem>>) target(%dma_start3A_306 : memref<40x512xf32, #tpu.memory_space<hbm>>) target_semaphore(%arg6 : memref<!tpu.dma_semaphore, #tpu.memory_space<semaphore_mem>>)
    %dma_wait3A_311 = arith.constant 2 : i32
    %dma_wait3A_312 = arith.constant 0 : i32
    %dma_wait3A_313 = arith.constant 0 : i32
    %dma_wait3A_314 = tpu.memref_slice %arg5[%dma_wait3A_311, %dma_wait3A_312, %dma_wait3A_313] : memref<4x40x512xf32, #tpu.memory_space<vmem>> -> memref<1x40x512xf32, #tpu.memory_space<vmem>>
    %dma_wait3A_315 = tpu.memref_squeeze %dma_wait3A_314 : memref<1x40x512xf32, #tpu.memory_space<vmem>> -> memref<40x512xf32, #tpu.memory_space<vmem>>
    %dma_wait3A_316 = arith.constant 240 : i32
    %dma_wait3A_317 = tpu.memref_slice %arg3[%dma_wait3A_316, %multiple_of3A] : memref<1000x16384xf32, #tpu.memory_space<hbm>> -> memref<40x512xf32, #tpu.memory_space<hbm>>
    %dma_wait3A_318 = arith.constant 240 : i32
    %dma_wait3A_319 = tpu.memref_slice %arg3[%dma_wait3A_318, %multiple_of3A] : memref<1000x16384xf32, #tpu.memory_space<hbm>> -> memref<40x512xf32, #tpu.memory_space<hbm>>
    %dma_wait3A_320 = arith.constant 0 : i32
    %dma_wait3A_321 = arith.constant 0 : i32
    %dma_wait3A_322 = tpu.memref_slice %arg5[%dma_wait3A_311, %dma_wait3A_320, %dma_wait3A_321] : memref<4x40x512xf32, #tpu.memory_space<vmem>> -> memref<1x40x512xf32, #tpu.memory_space<vmem>>
    %dma_wait3A_323 = tpu.memref_squeeze %dma_wait3A_322 : memref<1x40x512xf32, #tpu.memory_space<vmem>> -> memref<40x512xf32, #tpu.memory_space<vmem>>
    tpu.wait_dma2 semaphore(%arg6 : memref<!tpu.dma_semaphore, #tpu.memory_space<semaphore_mem>>) src(%dma_wait3A_323 : memref<40x512xf32, #tpu.memory_space<vmem>>) dst(%dma_wait3A_319 : memref<40x512xf32, #tpu.memory_space<hbm>>)
    %scan3A_324 = arith.constant 0 : i32
    %scan3A_325 = arith.constant 0 : i32
    %scan3A_326 = arith.constant 32 : i32
    %scan3A_327 = arith.addi %scan3A_325, %scan3A_326 : i32
    %scan3A_328 = arith.constant 1 : i32
    scf.for %scan3A_933 = %scan3A_325 to %scan3A_327 step %scan3A_328  : i32 {
      %mul3A_934 = arith.constant 16 : i32
      %mul3A_935 = arith.muli %scan3A_933, %mul3A_934 : i32
      %add3A_936 = vector.broadcast %mul3A_935 : i32 to vector<16xi32>
      %add3A_937 = arith.addi %add3A_936, %iota3A : vector<16xi32>
      %mul3A_938 = arith.constant 16 : i32
      %mul3A_939 = arith.muli %scan3A_933, %mul3A_938 : i32
      %multiple_of3A_940 = tpu.assume_multiple %mul3A_939, 16 : i32
      %get3A = arith.index_cast %multiple_of3A_940 : i32 to index
      %get3A_941 = tpu.vector_load %arg4[%get3A] {strides = array<i32>} : memref<512xi32, #tpu.memory_space<vmem>>, vector<16xi32>,
      %ge3A = arith.constant 240 : i32
      %ge3A_942 = vector.broadcast %ge3A : i32 to vector<16xi32>
      %ge3A_943 = arith.cmpi sge, %get3A_941, %ge3A_942 : vector<16xi32>
      %lt3A = arith.constant 280 : i32
      %lt3A_944 = vector.broadcast %lt3A : i32 to vector<16xi32>
      %lt3A_945 = arith.cmpi slt, %get3A_941, %lt3A_944 : vector<16xi32>
      %and3A = arith.andi %ge3A_943, %lt3A_945 : vector<16xi1>
      %sub3A = arith.constant 240 : i32
      %sub3A_946 = vector.broadcast %sub3A : i32 to vector<16xi32>
      %sub3A_947 = arith.subi %get3A_941, %sub3A_946 : vector<16xi32>
      %broadcast_in_dim3A_948 = arith.constant 0.000000e+00 : f32
      %broadcast_in_dim3A_949 = vector.broadcast %broadcast_in_dim3A_948 : f32 to vector<16xf32>
      %scatter3A = arith.constant 2 : i32
      %scatter3A_950 = arith.constant 0 : i32
      %scatter3A_951 = arith.constant 0 : i32
      %scatter3A_952 = tpu.memref_slice %arg5[%scatter3A, %scatter3A_950, %scatter3A_951] : memref<4x40x512xf32, #tpu.memory_space<vmem>> -> memref<1x40x512xf32, #tpu.memory_space<vmem>>
      %scatter3A_953 = tpu.memref_squeeze %scatter3A_952 : memref<1x40x512xf32, #tpu.memory_space<vmem>> -> memref<40x512xf32, #tpu.memory_space<vmem>>
      tpu.vector_store_idx %scatter3A_953[%sub3A_947, %add3A_937], %broadcast_in_dim3A_949 masked %and3A : memref<40x512xf32, #tpu.memory_space<vmem>>[vector<16xi32>, vector<16xi32>], vector<16xf32>, vector<16xi1>
    }
    %scan3A_329 = arith.constant 32 : i32
    %scan3A_330 = arith.constant 0 : i32
    %scan3A_331 = arith.constant 0 : i32
    %scan3A_332 = arith.constant 32 : i32
    %scan3A_333 = arith.addi %scan3A_331, %scan3A_332 : i32
    %scan3A_334 = arith.constant 1 : i32
    scf.for %scan3A_933 = %scan3A_331 to %scan3A_333 step %scan3A_334  : i32 {
      %mul3A_934 = arith.constant 16 : i32
      %mul3A_935 = arith.muli %scan3A_933, %mul3A_934 : i32
      %add3A_936 = vector.broadcast %mul3A_935 : i32 to vector<16xi32>
      %add3A_937 = arith.addi %add3A_936, %iota3A : vector<16xi32>
      %mul3A_938 = arith.constant 16 : i32
      %mul3A_939 = arith.muli %scan3A_933, %mul3A_938 : i32
      %multiple_of3A_940 = tpu.assume_multiple %mul3A_939, 16 : i32
      %get3A = arith.index_cast %multiple_of3A_940 : i32 to index
      %get3A_941 = tpu.vector_load %arg4[%get3A] {strides = array<i32>} : memref<512xi32, #tpu.memory_space<vmem>>, vector<16xi32>,
      %ge3A = arith.constant 400 : i32
      %ge3A_942 = vector.broadcast %ge3A : i32 to vector<16xi32>
      %ge3A_943 = arith.cmpi sge, %get3A_941, %ge3A_942 : vector<16xi32>
      %lt3A = arith.constant 440 : i32
      %lt3A_944 = vector.broadcast %lt3A : i32 to vector<16xi32>
      %lt3A_945 = arith.cmpi slt, %get3A_941, %lt3A_944 : vector<16xi32>
      %and3A = arith.andi %ge3A_943, %lt3A_945 : vector<16xi1>
      %sub3A = arith.constant 400 : i32
      %sub3A_946 = vector.broadcast %sub3A : i32 to vector<16xi32>
      %sub3A_947 = arith.subi %get3A_941, %sub3A_946 : vector<16xi32>
      %broadcast_in_dim3A_948 = arith.constant 1.000000e+00 : f32
      %broadcast_in_dim3A_949 = vector.broadcast %broadcast_in_dim3A_948 : f32 to vector<16xf32>
      %scatter3A = arith.constant 2 : i32
      %scatter3A_950 = arith.constant 0 : i32
      %scatter3A_951 = arith.constant 0 : i32
      %scatter3A_952 = tpu.memref_slice %arg5[%scatter3A, %scatter3A_950, %scatter3A_951] : memref<4x40x512xf32, #tpu.memory_space<vmem>> -> memref<1x40x512xf32, #tpu.memory_space<vmem>>
      %scatter3A_953 = tpu.memref_squeeze %scatter3A_952 : memref<1x40x512xf32, #tpu.memory_space<vmem>> -> memref<40x512xf32, #tpu.memory_space<vmem>>
      tpu.vector_store_idx %scatter3A_953[%sub3A_947, %add3A_937], %broadcast_in_dim3A_949 masked %and3A : memref<40x512xf32, #tpu.memory_space<vmem>>[vector<16xi32>, vector<16xi32>], vector<16xf32>, vector<16xi1>
    }
    %scan3A_335 = arith.constant 32 : i32
    %dma_start3A_336 = arith.constant 2 : i32
    %dma_start3A_337 = arith.constant 0 : i32
    %dma_start3A_338 = arith.constant 0 : i32
    %dma_start3A_339 = tpu.memref_slice %arg5[%dma_start3A_336, %dma_start3A_337, %dma_start3A_338] : memref<4x40x512xf32, #tpu.memory_space<vmem>> -> memref<1x40x512xf32, #tpu.memory_space<vmem>>
    %dma_start3A_340 = tpu.memref_squeeze %dma_start3A_339 : memref<1x40x512xf32, #tpu.memory_space<vmem>> -> memref<40x512xf32, #tpu.memory_space<vmem>>
    %dma_start3A_341 = arith.constant 400 : i32
    %dma_start3A_342 = tpu.memref_slice %arg3[%dma_start3A_341, %multiple_of3A] : memref<1000x16384xf32, #tpu.memory_space<hbm>> -> memref<40x512xf32, #tpu.memory_space<hbm>>
    %dma_start3A_343 = arith.constant 400 : i32
    %dma_start3A_344 = tpu.memref_slice %arg3[%dma_start3A_343, %multiple_of3A] : memref<1000x16384xf32, #tpu.memory_space<hbm>> -> memref<40x512xf32, #tpu.memory_space<hbm>>
    %dma_start3A_345 = arith.constant 0 : i32
    %dma_start3A_346 = arith.constant 0 : i32
    %dma_start3A_347 = tpu.memref_slice %arg5[%dma_start3A_336, %dma_start3A_345, %dma_start3A_346] : memref<4x40x512xf32, #tpu.memory_space<vmem>> -> memref<1x40x512xf32, #tpu.memory_space<vmem>>
    %dma_start3A_348 = tpu.memref_squeeze %dma_start3A_347 : memref<1x40x512xf32, #tpu.memory_space<vmem>> -> memref<40x512xf32, #tpu.memory_space<vmem>>
    tpu.enqueue_dma source(%dma_start3A_348 : memref<40x512xf32, #tpu.memory_space<vmem>>) target(%dma_start3A_344 : memref<40x512xf32, #tpu.memory_space<hbm>>) target_semaphore(%arg6 : memref<!tpu.dma_semaphore, #tpu.memory_space<semaphore_mem>>)
    %dma_wait3A_349 = arith.constant 3 : i32
    %dma_wait3A_350 = arith.constant 0 : i32
    %dma_wait3A_351 = arith.constant 0 : i32
    %dma_wait3A_352 = tpu.memref_slice %arg5[%dma_wait3A_349, %dma_wait3A_350, %dma_wait3A_351] : memref<4x40x512xf32, #tpu.memory_space<vmem>> -> memref<1x40x512xf32, #tpu.memory_space<vmem>>
    %dma_wait3A_353 = tpu.memref_squeeze %dma_wait3A_352 : memref<1x40x512xf32, #tpu.memory_space<vmem>> -> memref<40x512xf32, #tpu.memory_space<vmem>>
    %dma_wait3A_354 = arith.constant 280 : i32
    %dma_wait3A_355 = tpu.memref_slice %arg3[%dma_wait3A_354, %multiple_of3A] : memref<1000x16384xf32, #tpu.memory_space<hbm>> -> memref<40x512xf32, #tpu.memory_space<hbm>>
    %dma_wait3A_356 = arith.constant 280 : i32
    %dma_wait3A_357 = tpu.memref_slice %arg3[%dma_wait3A_356, %multiple_of3A] : memref<1000x16384xf32, #tpu.memory_space<hbm>> -> memref<40x512xf32, #tpu.memory_space<hbm>>
    %dma_wait3A_358 = arith.constant 0 : i32
    %dma_wait3A_359 = arith.constant 0 : i32
    %dma_wait3A_360 = tpu.memref_slice %arg5[%dma_wait3A_349, %dma_wait3A_358, %dma_wait3A_359] : memref<4x40x512xf32, #tpu.memory_space<vmem>> -> memref<1x40x512xf32, #tpu.memory_space<vmem>>
    %dma_wait3A_361 = tpu.memref_squeeze %dma_wait3A_360 : memref<1x40x512xf32, #tpu.memory_space<vmem>> -> memref<40x512xf32, #tpu.memory_space<vmem>>
    tpu.wait_dma2 semaphore(%arg6 : memref<!tpu.dma_semaphore, #tpu.memory_space<semaphore_mem>>) src(%dma_wait3A_361 : memref<40x512xf32, #tpu.memory_space<vmem>>) dst(%dma_wait3A_357 : memref<40x512xf32, #tpu.memory_space<hbm>>)
    %scan3A_362 = arith.constant 0 : i32
    %scan3A_363 = arith.constant 0 : i32
    %scan3A_364 = arith.constant 32 : i32
    %scan3A_365 = arith.addi %scan3A_363, %scan3A_364 : i32
    %scan3A_366 = arith.constant 1 : i32
    scf.for %scan3A_933 = %scan3A_363 to %scan3A_365 step %scan3A_366  : i32 {
      %mul3A_934 = arith.constant 16 : i32
      %mul3A_935 = arith.muli %scan3A_933, %mul3A_934 : i32
      %add3A_936 = vector.broadcast %mul3A_935 : i32 to vector<16xi32>
      %add3A_937 = arith.addi %add3A_936, %iota3A : vector<16xi32>
      %mul3A_938 = arith.constant 16 : i32
      %mul3A_939 = arith.muli %scan3A_933, %mul3A_938 : i32
      %multiple_of3A_940 = tpu.assume_multiple %mul3A_939, 16 : i32
      %get3A = arith.index_cast %multiple_of3A_940 : i32 to index
      %get3A_941 = tpu.vector_load %arg4[%get3A] {strides = array<i32>} : memref<512xi32, #tpu.memory_space<vmem>>, vector<16xi32>,
      %ge3A = arith.constant 280 : i32
      %ge3A_942 = vector.broadcast %ge3A : i32 to vector<16xi32>
      %ge3A_943 = arith.cmpi sge, %get3A_941, %ge3A_942 : vector<16xi32>
      %lt3A = arith.constant 320 : i32
      %lt3A_944 = vector.broadcast %lt3A : i32 to vector<16xi32>
      %lt3A_945 = arith.cmpi slt, %get3A_941, %lt3A_944 : vector<16xi32>
      %and3A = arith.andi %ge3A_943, %lt3A_945 : vector<16xi1>
      %sub3A = arith.constant 280 : i32
      %sub3A_946 = vector.broadcast %sub3A : i32 to vector<16xi32>
      %sub3A_947 = arith.subi %get3A_941, %sub3A_946 : vector<16xi32>
      %broadcast_in_dim3A_948 = arith.constant 0.000000e+00 : f32
      %broadcast_in_dim3A_949 = vector.broadcast %broadcast_in_dim3A_948 : f32 to vector<16xf32>
      %scatter3A = arith.constant 3 : i32
      %scatter3A_950 = arith.constant 0 : i32
      %scatter3A_951 = arith.constant 0 : i32
      %scatter3A_952 = tpu.memref_slice %arg5[%scatter3A, %scatter3A_950, %scatter3A_951] : memref<4x40x512xf32, #tpu.memory_space<vmem>> -> memref<1x40x512xf32, #tpu.memory_space<vmem>>
      %scatter3A_953 = tpu.memref_squeeze %scatter3A_952 : memref<1x40x512xf32, #tpu.memory_space<vmem>> -> memref<40x512xf32, #tpu.memory_space<vmem>>
      tpu.vector_store_idx %scatter3A_953[%sub3A_947, %add3A_937], %broadcast_in_dim3A_949 masked %and3A : memref<40x512xf32, #tpu.memory_space<vmem>>[vector<16xi32>, vector<16xi32>], vector<16xf32>, vector<16xi1>
    }
    %scan3A_367 = arith.constant 32 : i32
    %scan3A_368 = arith.constant 0 : i32
    %scan3A_369 = arith.constant 0 : i32
    %scan3A_370 = arith.constant 32 : i32
    %scan3A_371 = arith.addi %scan3A_369, %scan3A_370 : i32
    %scan3A_372 = arith.constant 1 : i32
    scf.for %scan3A_933 = %scan3A_369 to %scan3A_371 step %scan3A_372  : i32 {
      %mul3A_934 = arith.constant 16 : i32
      %mul3A_935 = arith.muli %scan3A_933, %mul3A_934 : i32
      %add3A_936 = vector.broadcast %mul3A_935 : i32 to vector<16xi32>
      %add3A_937 = arith.addi %add3A_936, %iota3A : vector<16xi32>
      %mul3A_938 = arith.constant 16 : i32
      %mul3A_939 = arith.muli %scan3A_933, %mul3A_938 : i32
      %multiple_of3A_940 = tpu.assume_multiple %mul3A_939, 16 : i32
      %get3A = arith.index_cast %multiple_of3A_940 : i32 to index
      %get3A_941 = tpu.vector_load %arg4[%get3A] {strides = array<i32>} : memref<512xi32, #tpu.memory_space<vmem>>, vector<16xi32>,
      %ge3A = arith.constant 440 : i32
      %ge3A_942 = vector.broadcast %ge3A : i32 to vector<16xi32>
      %ge3A_943 = arith.cmpi sge, %get3A_941, %ge3A_942 : vector<16xi32>
      %lt3A = arith.constant 480 : i32
      %lt3A_944 = vector.broadcast %lt3A : i32 to vector<16xi32>
      %lt3A_945 = arith.cmpi slt, %get3A_941, %lt3A_944 : vector<16xi32>
      %and3A = arith.andi %ge3A_943, %lt3A_945 : vector<16xi1>
      %sub3A = arith.constant 440 : i32
      %sub3A_946 = vector.broadcast %sub3A : i32 to vector<16xi32>
      %sub3A_947 = arith.subi %get3A_941, %sub3A_946 : vector<16xi32>
      %broadcast_in_dim3A_948 = arith.constant 1.000000e+00 : f32
      %broadcast_in_dim3A_949 = vector.broadcast %broadcast_in_dim3A_948 : f32 to vector<16xf32>
      %scatter3A = arith.constant 3 : i32
      %scatter3A_950 = arith.constant 0 : i32
      %scatter3A_951 = arith.constant 0 : i32
      %scatter3A_952 = tpu.memref_slice %arg5[%scatter3A, %scatter3A_950, %scatter3A_951] : memref<4x40x512xf32, #tpu.memory_space<vmem>> -> memref<1x40x512xf32, #tpu.memory_space<vmem>>
      %scatter3A_953 = tpu.memref_squeeze %scatter3A_952 : memref<1x40x512xf32, #tpu.memory_space<vmem>> -> memref<40x512xf32, #tpu.memory_space<vmem>>
      tpu.vector_store_idx %scatter3A_953[%sub3A_947, %add3A_937], %broadcast_in_dim3A_949 masked %and3A : memref<40x512xf32, #tpu.memory_space<vmem>>[vector<16xi32>, vector<16xi32>], vector<16xf32>, vector<16xi1>
    }
    %scan3A_373 = arith.constant 32 : i32
    %dma_start3A_374 = arith.constant 3 : i32
    %dma_start3A_375 = arith.constant 0 : i32
    %dma_start3A_376 = arith.constant 0 : i32
    %dma_start3A_377 = tpu.memref_slice %arg5[%dma_start3A_374, %dma_start3A_375, %dma_start3A_376] : memref<4x40x512xf32, #tpu.memory_space<vmem>> -> memref<1x40x512xf32, #tpu.memory_space<vmem>>
    %dma_start3A_378 = tpu.memref_squeeze %dma_start3A_377 : memref<1x40x512xf32, #tpu.memory_space<vmem>> -> memref<40x512xf32, #tpu.memory_space<vmem>>
    %dma_start3A_379 = arith.constant 440 : i32
    %dma_start3A_380 = tpu.memref_slice %arg3[%dma_start3A_379, %multiple_of3A] : memref<1000x16384xf32, #tpu.memory_space<hbm>> -> memref<40x512xf32, #tpu.memory_space<hbm>>
    %dma_start3A_381 = arith.constant 440 : i32
    %dma_start3A_382 = tpu.memref_slice %arg3[%dma_start3A_381, %multiple_of3A] : memref<1000x16384xf32, #tpu.memory_space<hbm>> -> memref<40x512xf32, #tpu.memory_space<hbm>>
    %dma_start3A_383 = arith.constant 0 : i32
    %dma_start3A_384 = arith.constant 0 : i32
    %dma_start3A_385 = tpu.memref_slice %arg5[%dma_start3A_374, %dma_start3A_383, %dma_start3A_384] : memref<4x40x512xf32, #tpu.memory_space<vmem>> -> memref<1x40x512xf32, #tpu.memory_space<vmem>>
    %dma_start3A_386 = tpu.memref_squeeze %dma_start3A_385 : memref<1x40x512xf32, #tpu.memory_space<vmem>> -> memref<40x512xf32, #tpu.memory_space<vmem>>
    tpu.enqueue_dma source(%dma_start3A_386 : memref<40x512xf32, #tpu.memory_space<vmem>>) target(%dma_start3A_382 : memref<40x512xf32, #tpu.memory_space<hbm>>) target_semaphore(%arg6 : memref<!tpu.dma_semaphore, #tpu.memory_space<semaphore_mem>>)
    %dma_wait3A_387 = arith.constant 0 : i32
    %dma_wait3A_388 = arith.constant 0 : i32
    %dma_wait3A_389 = arith.constant 0 : i32
    %dma_wait3A_390 = tpu.memref_slice %arg5[%dma_wait3A_387, %dma_wait3A_388, %dma_wait3A_389] : memref<4x40x512xf32, #tpu.memory_space<vmem>> -> memref<1x40x512xf32, #tpu.memory_space<vmem>>
    %dma_wait3A_391 = tpu.memref_squeeze %dma_wait3A_390 : memref<1x40x512xf32, #tpu.memory_space<vmem>> -> memref<40x512xf32, #tpu.memory_space<vmem>>
    %dma_wait3A_392 = arith.constant 320 : i32
    %dma_wait3A_393 = tpu.memref_slice %arg3[%dma_wait3A_392, %multiple_of3A] : memref<1000x16384xf32, #tpu.memory_space<hbm>> -> memref<40x512xf32, #tpu.memory_space<hbm>>
    %dma_wait3A_394 = arith.constant 320 : i32
    %dma_wait3A_395 = tpu.memref_slice %arg3[%dma_wait3A_394, %multiple_of3A] : memref<1000x16384xf32, #tpu.memory_space<hbm>> -> memref<40x512xf32, #tpu.memory_space<hbm>>
    %dma_wait3A_396 = arith.constant 0 : i32
    %dma_wait3A_397 = arith.constant 0 : i32
    %dma_wait3A_398 = tpu.memref_slice %arg5[%dma_wait3A_387, %dma_wait3A_396, %dma_wait3A_397] : memref<4x40x512xf32, #tpu.memory_space<vmem>> -> memref<1x40x512xf32, #tpu.memory_space<vmem>>
    %dma_wait3A_399 = tpu.memref_squeeze %dma_wait3A_398 : memref<1x40x512xf32, #tpu.memory_space<vmem>> -> memref<40x512xf32, #tpu.memory_space<vmem>>
    tpu.wait_dma2 semaphore(%arg6 : memref<!tpu.dma_semaphore, #tpu.memory_space<semaphore_mem>>) src(%dma_wait3A_399 : memref<40x512xf32, #tpu.memory_space<vmem>>) dst(%dma_wait3A_395 : memref<40x512xf32, #tpu.memory_space<hbm>>)
    %scan3A_400 = arith.constant 0 : i32
    %scan3A_401 = arith.constant 0 : i32
    %scan3A_402 = arith.constant 32 : i32
    %scan3A_403 = arith.addi %scan3A_401, %scan3A_402 : i32
    %scan3A_404 = arith.constant 1 : i32
    scf.for %scan3A_933 = %scan3A_401 to %scan3A_403 step %scan3A_404  : i32 {
      %mul3A_934 = arith.constant 16 : i32
      %mul3A_935 = arith.muli %scan3A_933, %mul3A_934 : i32
      %add3A_936 = vector.broadcast %mul3A_935 : i32 to vector<16xi32>
      %add3A_937 = arith.addi %add3A_936, %iota3A : vector<16xi32>
      %mul3A_938 = arith.constant 16 : i32
      %mul3A_939 = arith.muli %scan3A_933, %mul3A_938 : i32
      %multiple_of3A_940 = tpu.assume_multiple %mul3A_939, 16 : i32
      %get3A = arith.index_cast %multiple_of3A_940 : i32 to index
      %get3A_941 = tpu.vector_load %arg4[%get3A] {strides = array<i32>} : memref<512xi32, #tpu.memory_space<vmem>>, vector<16xi32>,
      %ge3A = arith.constant 320 : i32
      %ge3A_942 = vector.broadcast %ge3A : i32 to vector<16xi32>
      %ge3A_943 = arith.cmpi sge, %get3A_941, %ge3A_942 : vector<16xi32>
      %lt3A = arith.constant 360 : i32
      %lt3A_944 = vector.broadcast %lt3A : i32 to vector<16xi32>
      %lt3A_945 = arith.cmpi slt, %get3A_941, %lt3A_944 : vector<16xi32>
      %and3A = arith.andi %ge3A_943, %lt3A_945 : vector<16xi1>
      %sub3A = arith.constant 320 : i32
      %sub3A_946 = vector.broadcast %sub3A : i32 to vector<16xi32>
      %sub3A_947 = arith.subi %get3A_941, %sub3A_946 : vector<16xi32>
      %broadcast_in_dim3A_948 = arith.constant 0.000000e+00 : f32
      %broadcast_in_dim3A_949 = vector.broadcast %broadcast_in_dim3A_948 : f32 to vector<16xf32>
      %scatter3A = arith.constant 0 : i32
      %scatter3A_950 = arith.constant 0 : i32
      %scatter3A_951 = arith.constant 0 : i32
      %scatter3A_952 = tpu.memref_slice %arg5[%scatter3A, %scatter3A_950, %scatter3A_951] : memref<4x40x512xf32, #tpu.memory_space<vmem>> -> memref<1x40x512xf32, #tpu.memory_space<vmem>>
      %scatter3A_953 = tpu.memref_squeeze %scatter3A_952 : memref<1x40x512xf32, #tpu.memory_space<vmem>> -> memref<40x512xf32, #tpu.memory_space<vmem>>
      tpu.vector_store_idx %scatter3A_953[%sub3A_947, %add3A_937], %broadcast_in_dim3A_949 masked %and3A : memref<40x512xf32, #tpu.memory_space<vmem>>[vector<16xi32>, vector<16xi32>], vector<16xf32>, vector<16xi1>
    }
    %scan3A_405 = arith.constant 32 : i32
    %scan3A_406 = arith.constant 0 : i32
    %scan3A_407 = arith.constant 0 : i32
    %scan3A_408 = arith.constant 32 : i32
    %scan3A_409 = arith.addi %scan3A_407, %scan3A_408 : i32
    %scan3A_410 = arith.constant 1 : i32
    scf.for %scan3A_933 = %scan3A_407 to %scan3A_409 step %scan3A_410  : i32 {
      %mul3A_934 = arith.constant 16 : i32
      %mul3A_935 = arith.muli %scan3A_933, %mul3A_934 : i32
      %add3A_936 = vector.broadcast %mul3A_935 : i32 to vector<16xi32>
      %add3A_937 = arith.addi %add3A_936, %iota3A : vector<16xi32>
      %mul3A_938 = arith.constant 16 : i32
      %mul3A_939 = arith.muli %scan3A_933, %mul3A_938 : i32
      %multiple_of3A_940 = tpu.assume_multiple %mul3A_939, 16 : i32
      %get3A = arith.index_cast %multiple_of3A_940 : i32 to index
      %get3A_941 = tpu.vector_load %arg4[%get3A] {strides = array<i32>} : memref<512xi32, #tpu.memory_space<vmem>>, vector<16xi32>,
      %ge3A = arith.constant 480 : i32
      %ge3A_942 = vector.broadcast %ge3A : i32 to vector<16xi32>
      %ge3A_943 = arith.cmpi sge, %get3A_941, %ge3A_942 : vector<16xi32>
      %lt3A = arith.constant 520 : i32
      %lt3A_944 = vector.broadcast %lt3A : i32 to vector<16xi32>
      %lt3A_945 = arith.cmpi slt, %get3A_941, %lt3A_944 : vector<16xi32>
      %and3A = arith.andi %ge3A_943, %lt3A_945 : vector<16xi1>
      %sub3A = arith.constant 480 : i32
      %sub3A_946 = vector.broadcast %sub3A : i32 to vector<16xi32>
      %sub3A_947 = arith.subi %get3A_941, %sub3A_946 : vector<16xi32>
      %broadcast_in_dim3A_948 = arith.constant 1.000000e+00 : f32
      %broadcast_in_dim3A_949 = vector.broadcast %broadcast_in_dim3A_948 : f32 to vector<16xf32>
      %scatter3A = arith.constant 0 : i32
      %scatter3A_950 = arith.constant 0 : i32
      %scatter3A_951 = arith.constant 0 : i32
      %scatter3A_952 = tpu.memref_slice %arg5[%scatter3A, %scatter3A_950, %scatter3A_951] : memref<4x40x512xf32, #tpu.memory_space<vmem>> -> memref<1x40x512xf32, #tpu.memory_space<vmem>>
      %scatter3A_953 = tpu.memref_squeeze %scatter3A_952 : memref<1x40x512xf32, #tpu.memory_space<vmem>> -> memref<40x512xf32, #tpu.memory_space<vmem>>
      tpu.vector_store_idx %scatter3A_953[%sub3A_947, %add3A_937], %broadcast_in_dim3A_949 masked %and3A : memref<40x512xf32, #tpu.memory_space<vmem>>[vector<16xi32>, vector<16xi32>], vector<16xf32>, vector<16xi1>
    }
    %scan3A_411 = arith.constant 32 : i32
    %dma_start3A_412 = arith.constant 0 : i32
    %dma_start3A_413 = arith.constant 0 : i32
    %dma_start3A_414 = arith.constant 0 : i32
    %dma_start3A_415 = tpu.memref_slice %arg5[%dma_start3A_412, %dma_start3A_413, %dma_start3A_414] : memref<4x40x512xf32, #tpu.memory_space<vmem>> -> memref<1x40x512xf32, #tpu.memory_space<vmem>>
    %dma_start3A_416 = tpu.memref_squeeze %dma_start3A_415 : memref<1x40x512xf32, #tpu.memory_space<vmem>> -> memref<40x512xf32, #tpu.memory_space<vmem>>
    %dma_start3A_417 = arith.constant 480 : i32
    %dma_start3A_418 = tpu.memref_slice %arg3[%dma_start3A_417, %multiple_of3A] : memref<1000x16384xf32, #tpu.memory_space<hbm>> -> memref<40x512xf32, #tpu.memory_space<hbm>>
    %dma_start3A_419 = arith.constant 480 : i32
    %dma_start3A_420 = tpu.memref_slice %arg3[%dma_start3A_419, %multiple_of3A] : memref<1000x16384xf32, #tpu.memory_space<hbm>> -> memref<40x512xf32, #tpu.memory_space<hbm>>
    %dma_start3A_421 = arith.constant 0 : i32
    %dma_start3A_422 = arith.constant 0 : i32
    %dma_start3A_423 = tpu.memref_slice %arg5[%dma_start3A_412, %dma_start3A_421, %dma_start3A_422] : memref<4x40x512xf32, #tpu.memory_space<vmem>> -> memref<1x40x512xf32, #tpu.memory_space<vmem>>
    %dma_start3A_424 = tpu.memref_squeeze %dma_start3A_423 : memref<1x40x512xf32, #tpu.memory_space<vmem>> -> memref<40x512xf32, #tpu.memory_space<vmem>>
    tpu.enqueue_dma source(%dma_start3A_424 : memref<40x512xf32, #tpu.memory_space<vmem>>) target(%dma_start3A_420 : memref<40x512xf32, #tpu.memory_space<hbm>>) target_semaphore(%arg6 : memref<!tpu.dma_semaphore, #tpu.memory_space<semaphore_mem>>)
    %dma_wait3A_425 = arith.constant 1 : i32
    %dma_wait3A_426 = arith.constant 0 : i32
    %dma_wait3A_427 = arith.constant 0 : i32
    %dma_wait3A_428 = tpu.memref_slice %arg5[%dma_wait3A_425, %dma_wait3A_426, %dma_wait3A_427] : memref<4x40x512xf32, #tpu.memory_space<vmem>> -> memref<1x40x512xf32, #tpu.memory_space<vmem>>
    %dma_wait3A_429 = tpu.memref_squeeze %dma_wait3A_428 : memref<1x40x512xf32, #tpu.memory_space<vmem>> -> memref<40x512xf32, #tpu.memory_space<vmem>>
    %dma_wait3A_430 = arith.constant 360 : i32
    %dma_wait3A_431 = tpu.memref_slice %arg3[%dma_wait3A_430, %multiple_of3A] : memref<1000x16384xf32, #tpu.memory_space<hbm>> -> memref<40x512xf32, #tpu.memory_space<hbm>>
    %dma_wait3A_432 = arith.constant 360 : i32
    %dma_wait3A_433 = tpu.memref_slice %arg3[%dma_wait3A_432, %multiple_of3A] : memref<1000x16384xf32, #tpu.memory_space<hbm>> -> memref<40x512xf32, #tpu.memory_space<hbm>>
    %dma_wait3A_434 = arith.constant 0 : i32
    %dma_wait3A_435 = arith.constant 0 : i32
    %dma_wait3A_436 = tpu.memref_slice %arg5[%dma_wait3A_425, %dma_wait3A_434, %dma_wait3A_435] : memref<4x40x512xf32, #tpu.memory_space<vmem>> -> memref<1x40x512xf32, #tpu.memory_space<vmem>>
    %dma_wait3A_437 = tpu.memref_squeeze %dma_wait3A_436 : memref<1x40x512xf32, #tpu.memory_space<vmem>> -> memref<40x512xf32, #tpu.memory_space<vmem>>
    tpu.wait_dma2 semaphore(%arg6 : memref<!tpu.dma_semaphore, #tpu.memory_space<semaphore_mem>>) src(%dma_wait3A_437 : memref<40x512xf32, #tpu.memory_space<vmem>>) dst(%dma_wait3A_433 : memref<40x512xf32, #tpu.memory_space<hbm>>)
    %scan3A_438 = arith.constant 0 : i32
    %scan3A_439 = arith.constant 0 : i32
    %scan3A_440 = arith.constant 32 : i32
    %scan3A_441 = arith.addi %scan3A_439, %scan3A_440 : i32
    %scan3A_442 = arith.constant 1 : i32
    scf.for %scan3A_933 = %scan3A_439 to %scan3A_441 step %scan3A_442  : i32 {
      %mul3A_934 = arith.constant 16 : i32
      %mul3A_935 = arith.muli %scan3A_933, %mul3A_934 : i32
      %add3A_936 = vector.broadcast %mul3A_935 : i32 to vector<16xi32>
      %add3A_937 = arith.addi %add3A_936, %iota3A : vector<16xi32>
      %mul3A_938 = arith.constant 16 : i32
      %mul3A_939 = arith.muli %scan3A_933, %mul3A_938 : i32
      %multiple_of3A_940 = tpu.assume_multiple %mul3A_939, 16 : i32
      %get3A = arith.index_cast %multiple_of3A_940 : i32 to index
      %get3A_941 = tpu.vector_load %arg4[%get3A] {strides = array<i32>} : memref<512xi32, #tpu.memory_space<vmem>>, vector<16xi32>,
      %ge3A = arith.constant 360 : i32
      %ge3A_942 = vector.broadcast %ge3A : i32 to vector<16xi32>
      %ge3A_943 = arith.cmpi sge, %get3A_941, %ge3A_942 : vector<16xi32>
      %lt3A = arith.constant 400 : i32
      %lt3A_944 = vector.broadcast %lt3A : i32 to vector<16xi32>
      %lt3A_945 = arith.cmpi slt, %get3A_941, %lt3A_944 : vector<16xi32>
      %and3A = arith.andi %ge3A_943, %lt3A_945 : vector<16xi1>
      %sub3A = arith.constant 360 : i32
      %sub3A_946 = vector.broadcast %sub3A : i32 to vector<16xi32>
      %sub3A_947 = arith.subi %get3A_941, %sub3A_946 : vector<16xi32>
      %broadcast_in_dim3A_948 = arith.constant 0.000000e+00 : f32
      %broadcast_in_dim3A_949 = vector.broadcast %broadcast_in_dim3A_948 : f32 to vector<16xf32>
      %scatter3A = arith.constant 1 : i32
      %scatter3A_950 = arith.constant 0 : i32
      %scatter3A_951 = arith.constant 0 : i32
      %scatter3A_952 = tpu.memref_slice %arg5[%scatter3A, %scatter3A_950, %scatter3A_951] : memref<4x40x512xf32, #tpu.memory_space<vmem>> -> memref<1x40x512xf32, #tpu.memory_space<vmem>>
      %scatter3A_953 = tpu.memref_squeeze %scatter3A_952 : memref<1x40x512xf32, #tpu.memory_space<vmem>> -> memref<40x512xf32, #tpu.memory_space<vmem>>
      tpu.vector_store_idx %scatter3A_953[%sub3A_947, %add3A_937], %broadcast_in_dim3A_949 masked %and3A : memref<40x512xf32, #tpu.memory_space<vmem>>[vector<16xi32>, vector<16xi32>], vector<16xf32>, vector<16xi1>
    }
    %scan3A_443 = arith.constant 32 : i32
    %scan3A_444 = arith.constant 0 : i32
    %scan3A_445 = arith.constant 0 : i32
    %scan3A_446 = arith.constant 32 : i32
    %scan3A_447 = arith.addi %scan3A_445, %scan3A_446 : i32
    %scan3A_448 = arith.constant 1 : i32
    scf.for %scan3A_933 = %scan3A_445 to %scan3A_447 step %scan3A_448  : i32 {
      %mul3A_934 = arith.constant 16 : i32
      %mul3A_935 = arith.muli %scan3A_933, %mul3A_934 : i32
      %add3A_936 = vector.broadcast %mul3A_935 : i32 to vector<16xi32>
      %add3A_937 = arith.addi %add3A_936, %iota3A : vector<16xi32>
      %mul3A_938 = arith.constant 16 : i32
      %mul3A_939 = arith.muli %scan3A_933, %mul3A_938 : i32
      %multiple_of3A_940 = tpu.assume_multiple %mul3A_939, 16 : i32
      %get3A = arith.index_cast %multiple_of3A_940 : i32 to index
      %get3A_941 = tpu.vector_load %arg4[%get3A] {strides = array<i32>} : memref<512xi32, #tpu.memory_space<vmem>>, vector<16xi32>,
      %ge3A = arith.constant 520 : i32
      %ge3A_942 = vector.broadcast %ge3A : i32 to vector<16xi32>
      %ge3A_943 = arith.cmpi sge, %get3A_941, %ge3A_942 : vector<16xi32>
      %lt3A = arith.constant 560 : i32
      %lt3A_944 = vector.broadcast %lt3A : i32 to vector<16xi32>
      %lt3A_945 = arith.cmpi slt, %get3A_941, %lt3A_944 : vector<16xi32>
      %and3A = arith.andi %ge3A_943, %lt3A_945 : vector<16xi1>
      %sub3A = arith.constant 520 : i32
      %sub3A_946 = vector.broadcast %sub3A : i32 to vector<16xi32>
      %sub3A_947 = arith.subi %get3A_941, %sub3A_946 : vector<16xi32>
      %broadcast_in_dim3A_948 = arith.constant 1.000000e+00 : f32
      %broadcast_in_dim3A_949 = vector.broadcast %broadcast_in_dim3A_948 : f32 to vector<16xf32>
      %scatter3A = arith.constant 1 : i32
      %scatter3A_950 = arith.constant 0 : i32
      %scatter3A_951 = arith.constant 0 : i32
      %scatter3A_952 = tpu.memref_slice %arg5[%scatter3A, %scatter3A_950, %scatter3A_951] : memref<4x40x512xf32, #tpu.memory_space<vmem>> -> memref<1x40x512xf32, #tpu.memory_space<vmem>>
      %scatter3A_953 = tpu.memref_squeeze %scatter3A_952 : memref<1x40x512xf32, #tpu.memory_space<vmem>> -> memref<40x512xf32, #tpu.memory_space<vmem>>
      tpu.vector_store_idx %scatter3A_953[%sub3A_947, %add3A_937], %broadcast_in_dim3A_949 masked %and3A : memref<40x512xf32, #tpu.memory_space<vmem>>[vector<16xi32>, vector<16xi32>], vector<16xf32>, vector<16xi1>
    }
    %scan3A_449 = arith.constant 32 : i32
    %dma_start3A_450 = arith.constant 1 : i32
    %dma_start3A_451 = arith.constant 0 : i32
    %dma_start3A_452 = arith.constant 0 : i32
    %dma_start3A_453 = tpu.memref_slice %arg5[%dma_start3A_450, %dma_start3A_451, %dma_start3A_452] : memref<4x40x512xf32, #tpu.memory_space<vmem>> -> memref<1x40x512xf32, #tpu.memory_space<vmem>>
    %dma_start3A_454 = tpu.memref_squeeze %dma_start3A_453 : memref<1x40x512xf32, #tpu.memory_space<vmem>> -> memref<40x512xf32, #tpu.memory_space<vmem>>
    %dma_start3A_455 = arith.constant 520 : i32
    %dma_start3A_456 = tpu.memref_slice %arg3[%dma_start3A_455, %multiple_of3A] : memref<1000x16384xf32, #tpu.memory_space<hbm>> -> memref<40x512xf32, #tpu.memory_space<hbm>>
    %dma_start3A_457 = arith.constant 520 : i32
    %dma_start3A_458 = tpu.memref_slice %arg3[%dma_start3A_457, %multiple_of3A] : memref<1000x16384xf32, #tpu.memory_space<hbm>> -> memref<40x512xf32, #tpu.memory_space<hbm>>
    %dma_start3A_459 = arith.constant 0 : i32
    %dma_start3A_460 = arith.constant 0 : i32
    %dma_start3A_461 = tpu.memref_slice %arg5[%dma_start3A_450, %dma_start3A_459, %dma_start3A_460] : memref<4x40x512xf32, #tpu.memory_space<vmem>> -> memref<1x40x512xf32, #tpu.memory_space<vmem>>
    %dma_start3A_462 = tpu.memref_squeeze %dma_start3A_461 : memref<1x40x512xf32, #tpu.memory_space<vmem>> -> memref<40x512xf32, #tpu.memory_space<vmem>>
    tpu.enqueue_dma source(%dma_start3A_462 : memref<40x512xf32, #tpu.memory_space<vmem>>) target(%dma_start3A_458 : memref<40x512xf32, #tpu.memory_space<hbm>>) target_semaphore(%arg6 : memref<!tpu.dma_semaphore, #tpu.memory_space<semaphore_mem>>)
    %dma_wait3A_463 = arith.constant 2 : i32
    %dma_wait3A_464 = arith.constant 0 : i32
    %dma_wait3A_465 = arith.constant 0 : i32
    %dma_wait3A_466 = tpu.memref_slice %arg5[%dma_wait3A_463, %dma_wait3A_464, %dma_wait3A_465] : memref<4x40x512xf32, #tpu.memory_space<vmem>> -> memref<1x40x512xf32, #tpu.memory_space<vmem>>
    %dma_wait3A_467 = tpu.memref_squeeze %dma_wait3A_466 : memref<1x40x512xf32, #tpu.memory_space<vmem>> -> memref<40x512xf32, #tpu.memory_space<vmem>>
    %dma_wait3A_468 = arith.constant 400 : i32
    %dma_wait3A_469 = tpu.memref_slice %arg3[%dma_wait3A_468, %multiple_of3A] : memref<1000x16384xf32, #tpu.memory_space<hbm>> -> memref<40x512xf32, #tpu.memory_space<hbm>>
    %dma_wait3A_470 = arith.constant 400 : i32
    %dma_wait3A_471 = tpu.memref_slice %arg3[%dma_wait3A_470, %multiple_of3A] : memref<1000x16384xf32, #tpu.memory_space<hbm>> -> memref<40x512xf32, #tpu.memory_space<hbm>>
    %dma_wait3A_472 = arith.constant 0 : i32
    %dma_wait3A_473 = arith.constant 0 : i32
    %dma_wait3A_474 = tpu.memref_slice %arg5[%dma_wait3A_463, %dma_wait3A_472, %dma_wait3A_473] : memref<4x40x512xf32, #tpu.memory_space<vmem>> -> memref<1x40x512xf32, #tpu.memory_space<vmem>>
    %dma_wait3A_475 = tpu.memref_squeeze %dma_wait3A_474 : memref<1x40x512xf32, #tpu.memory_space<vmem>> -> memref<40x512xf32, #tpu.memory_space<vmem>>
    tpu.wait_dma2 semaphore(%arg6 : memref<!tpu.dma_semaphore, #tpu.memory_space<semaphore_mem>>) src(%dma_wait3A_475 : memref<40x512xf32, #tpu.memory_space<vmem>>) dst(%dma_wait3A_471 : memref<40x512xf32, #tpu.memory_space<hbm>>)
    %scan3A_476 = arith.constant 0 : i32
    %scan3A_477 = arith.constant 0 : i32
    %scan3A_478 = arith.constant 32 : i32
    %scan3A_479 = arith.addi %scan3A_477, %scan3A_478 : i32
    %scan3A_480 = arith.constant 1 : i32
    scf.for %scan3A_933 = %scan3A_477 to %scan3A_479 step %scan3A_480  : i32 {
      %mul3A_934 = arith.constant 16 : i32
      %mul3A_935 = arith.muli %scan3A_933, %mul3A_934 : i32
      %add3A_936 = vector.broadcast %mul3A_935 : i32 to vector<16xi32>
      %add3A_937 = arith.addi %add3A_936, %iota3A : vector<16xi32>
      %mul3A_938 = arith.constant 16 : i32
      %mul3A_939 = arith.muli %scan3A_933, %mul3A_938 : i32
      %multiple_of3A_940 = tpu.assume_multiple %mul3A_939, 16 : i32
      %get3A = arith.index_cast %multiple_of3A_940 : i32 to index
      %get3A_941 = tpu.vector_load %arg4[%get3A] {strides = array<i32>} : memref<512xi32, #tpu.memory_space<vmem>>, vector<16xi32>,
      %ge3A = arith.constant 400 : i32
      %ge3A_942 = vector.broadcast %ge3A : i32 to vector<16xi32>
      %ge3A_943 = arith.cmpi sge, %get3A_941, %ge3A_942 : vector<16xi32>
      %lt3A = arith.constant 440 : i32
      %lt3A_944 = vector.broadcast %lt3A : i32 to vector<16xi32>
      %lt3A_945 = arith.cmpi slt, %get3A_941, %lt3A_944 : vector<16xi32>
      %and3A = arith.andi %ge3A_943, %lt3A_945 : vector<16xi1>
      %sub3A = arith.constant 400 : i32
      %sub3A_946 = vector.broadcast %sub3A : i32 to vector<16xi32>
      %sub3A_947 = arith.subi %get3A_941, %sub3A_946 : vector<16xi32>
      %broadcast_in_dim3A_948 = arith.constant 0.000000e+00 : f32
      %broadcast_in_dim3A_949 = vector.broadcast %broadcast_in_dim3A_948 : f32 to vector<16xf32>
      %scatter3A = arith.constant 2 : i32
      %scatter3A_950 = arith.constant 0 : i32
      %scatter3A_951 = arith.constant 0 : i32
      %scatter3A_952 = tpu.memref_slice %arg5[%scatter3A, %scatter3A_950, %scatter3A_951] : memref<4x40x512xf32, #tpu.memory_space<vmem>> -> memref<1x40x512xf32, #tpu.memory_space<vmem>>
      %scatter3A_953 = tpu.memref_squeeze %scatter3A_952 : memref<1x40x512xf32, #tpu.memory_space<vmem>> -> memref<40x512xf32, #tpu.memory_space<vmem>>
      tpu.vector_store_idx %scatter3A_953[%sub3A_947, %add3A_937], %broadcast_in_dim3A_949 masked %and3A : memref<40x512xf32, #tpu.memory_space<vmem>>[vector<16xi32>, vector<16xi32>], vector<16xf32>, vector<16xi1>
    }
    %scan3A_481 = arith.constant 32 : i32
    %scan3A_482 = arith.constant 0 : i32
    %scan3A_483 = arith.constant 0 : i32
    %scan3A_484 = arith.constant 32 : i32
    %scan3A_485 = arith.addi %scan3A_483, %scan3A_484 : i32
    %scan3A_486 = arith.constant 1 : i32
    scf.for %scan3A_933 = %scan3A_483 to %scan3A_485 step %scan3A_486  : i32 {
      %mul3A_934 = arith.constant 16 : i32
      %mul3A_935 = arith.muli %scan3A_933, %mul3A_934 : i32
      %add3A_936 = vector.broadcast %mul3A_935 : i32 to vector<16xi32>
      %add3A_937 = arith.addi %add3A_936, %iota3A : vector<16xi32>
      %mul3A_938 = arith.constant 16 : i32
      %mul3A_939 = arith.muli %scan3A_933, %mul3A_938 : i32
      %multiple_of3A_940 = tpu.assume_multiple %mul3A_939, 16 : i32
      %get3A = arith.index_cast %multiple_of3A_940 : i32 to index
      %get3A_941 = tpu.vector_load %arg4[%get3A] {strides = array<i32>} : memref<512xi32, #tpu.memory_space<vmem>>, vector<16xi32>,
      %ge3A = arith.constant 560 : i32
      %ge3A_942 = vector.broadcast %ge3A : i32 to vector<16xi32>
      %ge3A_943 = arith.cmpi sge, %get3A_941, %ge3A_942 : vector<16xi32>
      %lt3A = arith.constant 600 : i32
      %lt3A_944 = vector.broadcast %lt3A : i32 to vector<16xi32>
      %lt3A_945 = arith.cmpi slt, %get3A_941, %lt3A_944 : vector<16xi32>
      %and3A = arith.andi %ge3A_943, %lt3A_945 : vector<16xi1>
      %sub3A = arith.constant 560 : i32
      %sub3A_946 = vector.broadcast %sub3A : i32 to vector<16xi32>
      %sub3A_947 = arith.subi %get3A_941, %sub3A_946 : vector<16xi32>
      %broadcast_in_dim3A_948 = arith.constant 1.000000e+00 : f32
      %broadcast_in_dim3A_949 = vector.broadcast %broadcast_in_dim3A_948 : f32 to vector<16xf32>
      %scatter3A = arith.constant 2 : i32
      %scatter3A_950 = arith.constant 0 : i32
      %scatter3A_951 = arith.constant 0 : i32
      %scatter3A_952 = tpu.memref_slice %arg5[%scatter3A, %scatter3A_950, %scatter3A_951] : memref<4x40x512xf32, #tpu.memory_space<vmem>> -> memref<1x40x512xf32, #tpu.memory_space<vmem>>
      %scatter3A_953 = tpu.memref_squeeze %scatter3A_952 : memref<1x40x512xf32, #tpu.memory_space<vmem>> -> memref<40x512xf32, #tpu.memory_space<vmem>>
      tpu.vector_store_idx %scatter3A_953[%sub3A_947, %add3A_937], %broadcast_in_dim3A_949 masked %and3A : memref<40x512xf32, #tpu.memory_space<vmem>>[vector<16xi32>, vector<16xi32>], vector<16xf32>, vector<16xi1>
    }
    %scan3A_487 = arith.constant 32 : i32
    %dma_start3A_488 = arith.constant 2 : i32
    %dma_start3A_489 = arith.constant 0 : i32
    %dma_start3A_490 = arith.constant 0 : i32
    %dma_start3A_491 = tpu.memref_slice %arg5[%dma_start3A_488, %dma_start3A_489, %dma_start3A_490] : memref<4x40x512xf32, #tpu.memory_space<vmem>> -> memref<1x40x512xf32, #tpu.memory_space<vmem>>
    %dma_start3A_492 = tpu.memref_squeeze %dma_start3A_491 : memref<1x40x512xf32, #tpu.memory_space<vmem>> -> memref<40x512xf32, #tpu.memory_space<vmem>>
    %dma_start3A_493 = arith.constant 560 : i32
    %dma_start3A_494 = tpu.memref_slice %arg3[%dma_start3A_493, %multiple_of3A] : memref<1000x16384xf32, #tpu.memory_space<hbm>> -> memref<40x512xf32, #tpu.memory_space<hbm>>
    %dma_start3A_495 = arith.constant 560 : i32
    %dma_start3A_496 = tpu.memref_slice %arg3[%dma_start3A_495, %multiple_of3A] : memref<1000x16384xf32, #tpu.memory_space<hbm>> -> memref<40x512xf32, #tpu.memory_space<hbm>>
    %dma_start3A_497 = arith.constant 0 : i32
    %dma_start3A_498 = arith.constant 0 : i32
    %dma_start3A_499 = tpu.memref_slice %arg5[%dma_start3A_488, %dma_start3A_497, %dma_start3A_498] : memref<4x40x512xf32, #tpu.memory_space<vmem>> -> memref<1x40x512xf32, #tpu.memory_space<vmem>>
    %dma_start3A_500 = tpu.memref_squeeze %dma_start3A_499 : memref<1x40x512xf32, #tpu.memory_space<vmem>> -> memref<40x512xf32, #tpu.memory_space<vmem>>
    tpu.enqueue_dma source(%dma_start3A_500 : memref<40x512xf32, #tpu.memory_space<vmem>>) target(%dma_start3A_496 : memref<40x512xf32, #tpu.memory_space<hbm>>) target_semaphore(%arg6 : memref<!tpu.dma_semaphore, #tpu.memory_space<semaphore_mem>>)
    %dma_wait3A_501 = arith.constant 3 : i32
    %dma_wait3A_502 = arith.constant 0 : i32
    %dma_wait3A_503 = arith.constant 0 : i32
    %dma_wait3A_504 = tpu.memref_slice %arg5[%dma_wait3A_501, %dma_wait3A_502, %dma_wait3A_503] : memref<4x40x512xf32, #tpu.memory_space<vmem>> -> memref<1x40x512xf32, #tpu.memory_space<vmem>>
    %dma_wait3A_505 = tpu.memref_squeeze %dma_wait3A_504 : memref<1x40x512xf32, #tpu.memory_space<vmem>> -> memref<40x512xf32, #tpu.memory_space<vmem>>
    %dma_wait3A_506 = arith.constant 440 : i32
    %dma_wait3A_507 = tpu.memref_slice %arg3[%dma_wait3A_506, %multiple_of3A] : memref<1000x16384xf32, #tpu.memory_space<hbm>> -> memref<40x512xf32, #tpu.memory_space<hbm>>
    %dma_wait3A_508 = arith.constant 440 : i32
    %dma_wait3A_509 = tpu.memref_slice %arg3[%dma_wait3A_508, %multiple_of3A] : memref<1000x16384xf32, #tpu.memory_space<hbm>> -> memref<40x512xf32, #tpu.memory_space<hbm>>
    %dma_wait3A_510 = arith.constant 0 : i32
    %dma_wait3A_511 = arith.constant 0 : i32
    %dma_wait3A_512 = tpu.memref_slice %arg5[%dma_wait3A_501, %dma_wait3A_510, %dma_wait3A_511] : memref<4x40x512xf32, #tpu.memory_space<vmem>> -> memref<1x40x512xf32, #tpu.memory_space<vmem>>
    %dma_wait3A_513 = tpu.memref_squeeze %dma_wait3A_512 : memref<1x40x512xf32, #tpu.memory_space<vmem>> -> memref<40x512xf32, #tpu.memory_space<vmem>>
    tpu.wait_dma2 semaphore(%arg6 : memref<!tpu.dma_semaphore, #tpu.memory_space<semaphore_mem>>) src(%dma_wait3A_513 : memref<40x512xf32, #tpu.memory_space<vmem>>) dst(%dma_wait3A_509 : memref<40x512xf32, #tpu.memory_space<hbm>>)
    %scan3A_514 = arith.constant 0 : i32
    %scan3A_515 = arith.constant 0 : i32
    %scan3A_516 = arith.constant 32 : i32
    %scan3A_517 = arith.addi %scan3A_515, %scan3A_516 : i32
    %scan3A_518 = arith.constant 1 : i32
    scf.for %scan3A_933 = %scan3A_515 to %scan3A_517 step %scan3A_518  : i32 {
      %mul3A_934 = arith.constant 16 : i32
      %mul3A_935 = arith.muli %scan3A_933, %mul3A_934 : i32
      %add3A_936 = vector.broadcast %mul3A_935 : i32 to vector<16xi32>
      %add3A_937 = arith.addi %add3A_936, %iota3A : vector<16xi32>
      %mul3A_938 = arith.constant 16 : i32
      %mul3A_939 = arith.muli %scan3A_933, %mul3A_938 : i32
      %multiple_of3A_940 = tpu.assume_multiple %mul3A_939, 16 : i32
      %get3A = arith.index_cast %multiple_of3A_940 : i32 to index
      %get3A_941 = tpu.vector_load %arg4[%get3A] {strides = array<i32>} : memref<512xi32, #tpu.memory_space<vmem>>, vector<16xi32>,
      %ge3A = arith.constant 440 : i32
      %ge3A_942 = vector.broadcast %ge3A : i32 to vector<16xi32>
      %ge3A_943 = arith.cmpi sge, %get3A_941, %ge3A_942 : vector<16xi32>
      %lt3A = arith.constant 480 : i32
      %lt3A_944 = vector.broadcast %lt3A : i32 to vector<16xi32>
      %lt3A_945 = arith.cmpi slt, %get3A_941, %lt3A_944 : vector<16xi32>
      %and3A = arith.andi %ge3A_943, %lt3A_945 : vector<16xi1>
      %sub3A = arith.constant 440 : i32
      %sub3A_946 = vector.broadcast %sub3A : i32 to vector<16xi32>
      %sub3A_947 = arith.subi %get3A_941, %sub3A_946 : vector<16xi32>
      %broadcast_in_dim3A_948 = arith.constant 0.000000e+00 : f32
      %broadcast_in_dim3A_949 = vector.broadcast %broadcast_in_dim3A_948 : f32 to vector<16xf32>
      %scatter3A = arith.constant 3 : i32
      %scatter3A_950 = arith.constant 0 : i32
      %scatter3A_951 = arith.constant 0 : i32
      %scatter3A_952 = tpu.memref_slice %arg5[%scatter3A, %scatter3A_950, %scatter3A_951] : memref<4x40x512xf32, #tpu.memory_space<vmem>> -> memref<1x40x512xf32, #tpu.memory_space<vmem>>
      %scatter3A_953 = tpu.memref_squeeze %scatter3A_952 : memref<1x40x512xf32, #tpu.memory_space<vmem>> -> memref<40x512xf32, #tpu.memory_space<vmem>>
      tpu.vector_store_idx %scatter3A_953[%sub3A_947, %add3A_937], %broadcast_in_dim3A_949 masked %and3A : memref<40x512xf32, #tpu.memory_space<vmem>>[vector<16xi32>, vector<16xi32>], vector<16xf32>, vector<16xi1>
    }
    %scan3A_519 = arith.constant 32 : i32
    %scan3A_520 = arith.constant 0 : i32
    %scan3A_521 = arith.constant 0 : i32
    %scan3A_522 = arith.constant 32 : i32
    %scan3A_523 = arith.addi %scan3A_521, %scan3A_522 : i32
    %scan3A_524 = arith.constant 1 : i32
    scf.for %scan3A_933 = %scan3A_521 to %scan3A_523 step %scan3A_524  : i32 {
      %mul3A_934 = arith.constant 16 : i32
      %mul3A_935 = arith.muli %scan3A_933, %mul3A_934 : i32
      %add3A_936 = vector.broadcast %mul3A_935 : i32 to vector<16xi32>
      %add3A_937 = arith.addi %add3A_936, %iota3A : vector<16xi32>
      %mul3A_938 = arith.constant 16 : i32
      %mul3A_939 = arith.muli %scan3A_933, %mul3A_938 : i32
      %multiple_of3A_940 = tpu.assume_multiple %mul3A_939, 16 : i32
      %get3A = arith.index_cast %multiple_of3A_940 : i32 to index
      %get3A_941 = tpu.vector_load %arg4[%get3A] {strides = array<i32>} : memref<512xi32, #tpu.memory_space<vmem>>, vector<16xi32>,
      %ge3A = arith.constant 600 : i32
      %ge3A_942 = vector.broadcast %ge3A : i32 to vector<16xi32>
      %ge3A_943 = arith.cmpi sge, %get3A_941, %ge3A_942 : vector<16xi32>
      %lt3A = arith.constant 640 : i32
      %lt3A_944 = vector.broadcast %lt3A : i32 to vector<16xi32>
      %lt3A_945 = arith.cmpi slt, %get3A_941, %lt3A_944 : vector<16xi32>
      %and3A = arith.andi %ge3A_943, %lt3A_945 : vector<16xi1>
      %sub3A = arith.constant 600 : i32
      %sub3A_946 = vector.broadcast %sub3A : i32 to vector<16xi32>
      %sub3A_947 = arith.subi %get3A_941, %sub3A_946 : vector<16xi32>
      %broadcast_in_dim3A_948 = arith.constant 1.000000e+00 : f32
      %broadcast_in_dim3A_949 = vector.broadcast %broadcast_in_dim3A_948 : f32 to vector<16xf32>
      %scatter3A = arith.constant 3 : i32
      %scatter3A_950 = arith.constant 0 : i32
      %scatter3A_951 = arith.constant 0 : i32
      %scatter3A_952 = tpu.memref_slice %arg5[%scatter3A, %scatter3A_950, %scatter3A_951] : memref<4x40x512xf32, #tpu.memory_space<vmem>> -> memref<1x40x512xf32, #tpu.memory_space<vmem>>
      %scatter3A_953 = tpu.memref_squeeze %scatter3A_952 : memref<1x40x512xf32, #tpu.memory_space<vmem>> -> memref<40x512xf32, #tpu.memory_space<vmem>>
      tpu.vector_store_idx %scatter3A_953[%sub3A_947, %add3A_937], %broadcast_in_dim3A_949 masked %and3A : memref<40x512xf32, #tpu.memory_space<vmem>>[vector<16xi32>, vector<16xi32>], vector<16xf32>, vector<16xi1>
    }
    %scan3A_525 = arith.constant 32 : i32
    %dma_start3A_526 = arith.constant 3 : i32
    %dma_start3A_527 = arith.constant 0 : i32
    %dma_start3A_528 = arith.constant 0 : i32
    %dma_start3A_529 = tpu.memref_slice %arg5[%dma_start3A_526, %dma_start3A_527, %dma_start3A_528] : memref<4x40x512xf32, #tpu.memory_space<vmem>> -> memref<1x40x512xf32, #tpu.memory_space<vmem>>
    %dma_start3A_530 = tpu.memref_squeeze %dma_start3A_529 : memref<1x40x512xf32, #tpu.memory_space<vmem>> -> memref<40x512xf32, #tpu.memory_space<vmem>>
    %dma_start3A_531 = arith.constant 600 : i32
    %dma_start3A_532 = tpu.memref_slice %arg3[%dma_start3A_531, %multiple_of3A] : memref<1000x16384xf32, #tpu.memory_space<hbm>> -> memref<40x512xf32, #tpu.memory_space<hbm>>
    %dma_start3A_533 = arith.constant 600 : i32
    %dma_start3A_534 = tpu.memref_slice %arg3[%dma_start3A_533, %multiple_of3A] : memref<1000x16384xf32, #tpu.memory_space<hbm>> -> memref<40x512xf32, #tpu.memory_space<hbm>>
    %dma_start3A_535 = arith.constant 0 : i32
    %dma_start3A_536 = arith.constant 0 : i32
    %dma_start3A_537 = tpu.memref_slice %arg5[%dma_start3A_526, %dma_start3A_535, %dma_start3A_536] : memref<4x40x512xf32, #tpu.memory_space<vmem>> -> memref<1x40x512xf32, #tpu.memory_space<vmem>>
    %dma_start3A_538 = tpu.memref_squeeze %dma_start3A_537 : memref<1x40x512xf32, #tpu.memory_space<vmem>> -> memref<40x512xf32, #tpu.memory_space<vmem>>
    tpu.enqueue_dma source(%dma_start3A_538 : memref<40x512xf32, #tpu.memory_space<vmem>>) target(%dma_start3A_534 : memref<40x512xf32, #tpu.memory_space<hbm>>) target_semaphore(%arg6 : memref<!tpu.dma_semaphore, #tpu.memory_space<semaphore_mem>>)
    %dma_wait3A_539 = arith.constant 0 : i32
    %dma_wait3A_540 = arith.constant 0 : i32
    %dma_wait3A_541 = arith.constant 0 : i32
    %dma_wait3A_542 = tpu.memref_slice %arg5[%dma_wait3A_539, %dma_wait3A_540, %dma_wait3A_541] : memref<4x40x512xf32, #tpu.memory_space<vmem>> -> memref<1x40x512xf32, #tpu.memory_space<vmem>>
    %dma_wait3A_543 = tpu.memref_squeeze %dma_wait3A_542 : memref<1x40x512xf32, #tpu.memory_space<vmem>> -> memref<40x512xf32, #tpu.memory_space<vmem>>
    %dma_wait3A_544 = arith.constant 480 : i32
    %dma_wait3A_545 = tpu.memref_slice %arg3[%dma_wait3A_544, %multiple_of3A] : memref<1000x16384xf32, #tpu.memory_space<hbm>> -> memref<40x512xf32, #tpu.memory_space<hbm>>
    %dma_wait3A_546 = arith.constant 480 : i32
    %dma_wait3A_547 = tpu.memref_slice %arg3[%dma_wait3A_546, %multiple_of3A] : memref<1000x16384xf32, #tpu.memory_space<hbm>> -> memref<40x512xf32, #tpu.memory_space<hbm>>
    %dma_wait3A_548 = arith.constant 0 : i32
    %dma_wait3A_549 = arith.constant 0 : i32
    %dma_wait3A_550 = tpu.memref_slice %arg5[%dma_wait3A_539, %dma_wait3A_548, %dma_wait3A_549] : memref<4x40x512xf32, #tpu.memory_space<vmem>> -> memref<1x40x512xf32, #tpu.memory_space<vmem>>
    %dma_wait3A_551 = tpu.memref_squeeze %dma_wait3A_550 : memref<1x40x512xf32, #tpu.memory_space<vmem>> -> memref<40x512xf32, #tpu.memory_space<vmem>>
    tpu.wait_dma2 semaphore(%arg6 : memref<!tpu.dma_semaphore, #tpu.memory_space<semaphore_mem>>) src(%dma_wait3A_551 : memref<40x512xf32, #tpu.memory_space<vmem>>) dst(%dma_wait3A_547 : memref<40x512xf32, #tpu.memory_space<hbm>>)
    %scan3A_552 = arith.constant 0 : i32
    %scan3A_553 = arith.constant 0 : i32
    %scan3A_554 = arith.constant 32 : i32
    %scan3A_555 = arith.addi %scan3A_553, %scan3A_554 : i32
    %scan3A_556 = arith.constant 1 : i32
    scf.for %scan3A_933 = %scan3A_553 to %scan3A_555 step %scan3A_556  : i32 {
      %mul3A_934 = arith.constant 16 : i32
      %mul3A_935 = arith.muli %scan3A_933, %mul3A_934 : i32
      %add3A_936 = vector.broadcast %mul3A_935 : i32 to vector<16xi32>
      %add3A_937 = arith.addi %add3A_936, %iota3A : vector<16xi32>
      %mul3A_938 = arith.constant 16 : i32
      %mul3A_939 = arith.muli %scan3A_933, %mul3A_938 : i32
      %multiple_of3A_940 = tpu.assume_multiple %mul3A_939, 16 : i32
      %get3A = arith.index_cast %multiple_of3A_940 : i32 to index
      %get3A_941 = tpu.vector_load %arg4[%get3A] {strides = array<i32>} : memref<512xi32, #tpu.memory_space<vmem>>, vector<16xi32>,
      %ge3A = arith.constant 480 : i32
      %ge3A_942 = vector.broadcast %ge3A : i32 to vector<16xi32>
      %ge3A_943 = arith.cmpi sge, %get3A_941, %ge3A_942 : vector<16xi32>
      %lt3A = arith.constant 520 : i32
      %lt3A_944 = vector.broadcast %lt3A : i32 to vector<16xi32>
      %lt3A_945 = arith.cmpi slt, %get3A_941, %lt3A_944 : vector<16xi32>
      %and3A = arith.andi %ge3A_943, %lt3A_945 : vector<16xi1>
      %sub3A = arith.constant 480 : i32
      %sub3A_946 = vector.broadcast %sub3A : i32 to vector<16xi32>
      %sub3A_947 = arith.subi %get3A_941, %sub3A_946 : vector<16xi32>
      %broadcast_in_dim3A_948 = arith.constant 0.000000e+00 : f32
      %broadcast_in_dim3A_949 = vector.broadcast %broadcast_in_dim3A_948 : f32 to vector<16xf32>
      %scatter3A = arith.constant 0 : i32
      %scatter3A_950 = arith.constant 0 : i32
      %scatter3A_951 = arith.constant 0 : i32
      %scatter3A_952 = tpu.memref_slice %arg5[%scatter3A, %scatter3A_950, %scatter3A_951] : memref<4x40x512xf32, #tpu.memory_space<vmem>> -> memref<1x40x512xf32, #tpu.memory_space<vmem>>
      %scatter3A_953 = tpu.memref_squeeze %scatter3A_952 : memref<1x40x512xf32, #tpu.memory_space<vmem>> -> memref<40x512xf32, #tpu.memory_space<vmem>>
      tpu.vector_store_idx %scatter3A_953[%sub3A_947, %add3A_937], %broadcast_in_dim3A_949 masked %and3A : memref<40x512xf32, #tpu.memory_space<vmem>>[vector<16xi32>, vector<16xi32>], vector<16xf32>, vector<16xi1>
    }
    %scan3A_557 = arith.constant 32 : i32
    %scan3A_558 = arith.constant 0 : i32
    %scan3A_559 = arith.constant 0 : i32
    %scan3A_560 = arith.constant 32 : i32
    %scan3A_561 = arith.addi %scan3A_559, %scan3A_560 : i32
    %scan3A_562 = arith.constant 1 : i32
    scf.for %scan3A_933 = %scan3A_559 to %scan3A_561 step %scan3A_562  : i32 {
      %mul3A_934 = arith.constant 16 : i32
      %mul3A_935 = arith.muli %scan3A_933, %mul3A_934 : i32
      %add3A_936 = vector.broadcast %mul3A_935 : i32 to vector<16xi32>
      %add3A_937 = arith.addi %add3A_936, %iota3A : vector<16xi32>
      %mul3A_938 = arith.constant 16 : i32
      %mul3A_939 = arith.muli %scan3A_933, %mul3A_938 : i32
      %multiple_of3A_940 = tpu.assume_multiple %mul3A_939, 16 : i32
      %get3A = arith.index_cast %multiple_of3A_940 : i32 to index
      %get3A_941 = tpu.vector_load %arg4[%get3A] {strides = array<i32>} : memref<512xi32, #tpu.memory_space<vmem>>, vector<16xi32>,
      %ge3A = arith.constant 640 : i32
      %ge3A_942 = vector.broadcast %ge3A : i32 to vector<16xi32>
      %ge3A_943 = arith.cmpi sge, %get3A_941, %ge3A_942 : vector<16xi32>
      %lt3A = arith.constant 680 : i32
      %lt3A_944 = vector.broadcast %lt3A : i32 to vector<16xi32>
      %lt3A_945 = arith.cmpi slt, %get3A_941, %lt3A_944 : vector<16xi32>
      %and3A = arith.andi %ge3A_943, %lt3A_945 : vector<16xi1>
      %sub3A = arith.constant 640 : i32
      %sub3A_946 = vector.broadcast %sub3A : i32 to vector<16xi32>
      %sub3A_947 = arith.subi %get3A_941, %sub3A_946 : vector<16xi32>
      %broadcast_in_dim3A_948 = arith.constant 1.000000e+00 : f32
      %broadcast_in_dim3A_949 = vector.broadcast %broadcast_in_dim3A_948 : f32 to vector<16xf32>
      %scatter3A = arith.constant 0 : i32
      %scatter3A_950 = arith.constant 0 : i32
      %scatter3A_951 = arith.constant 0 : i32
      %scatter3A_952 = tpu.memref_slice %arg5[%scatter3A, %scatter3A_950, %scatter3A_951] : memref<4x40x512xf32, #tpu.memory_space<vmem>> -> memref<1x40x512xf32, #tpu.memory_space<vmem>>
      %scatter3A_953 = tpu.memref_squeeze %scatter3A_952 : memref<1x40x512xf32, #tpu.memory_space<vmem>> -> memref<40x512xf32, #tpu.memory_space<vmem>>
      tpu.vector_store_idx %scatter3A_953[%sub3A_947, %add3A_937], %broadcast_in_dim3A_949 masked %and3A : memref<40x512xf32, #tpu.memory_space<vmem>>[vector<16xi32>, vector<16xi32>], vector<16xf32>, vector<16xi1>
    }
    %scan3A_563 = arith.constant 32 : i32
    %dma_start3A_564 = arith.constant 0 : i32
    %dma_start3A_565 = arith.constant 0 : i32
    %dma_start3A_566 = arith.constant 0 : i32
    %dma_start3A_567 = tpu.memref_slice %arg5[%dma_start3A_564, %dma_start3A_565, %dma_start3A_566] : memref<4x40x512xf32, #tpu.memory_space<vmem>> -> memref<1x40x512xf32, #tpu.memory_space<vmem>>
    %dma_start3A_568 = tpu.memref_squeeze %dma_start3A_567 : memref<1x40x512xf32, #tpu.memory_space<vmem>> -> memref<40x512xf32, #tpu.memory_space<vmem>>
    %dma_start3A_569 = arith.constant 640 : i32
    %dma_start3A_570 = tpu.memref_slice %arg3[%dma_start3A_569, %multiple_of3A] : memref<1000x16384xf32, #tpu.memory_space<hbm>> -> memref<40x512xf32, #tpu.memory_space<hbm>>
    %dma_start3A_571 = arith.constant 640 : i32
    %dma_start3A_572 = tpu.memref_slice %arg3[%dma_start3A_571, %multiple_of3A] : memref<1000x16384xf32, #tpu.memory_space<hbm>> -> memref<40x512xf32, #tpu.memory_space<hbm>>
    %dma_start3A_573 = arith.constant 0 : i32
    %dma_start3A_574 = arith.constant 0 : i32
    %dma_start3A_575 = tpu.memref_slice %arg5[%dma_start3A_564, %dma_start3A_573, %dma_start3A_574] : memref<4x40x512xf32, #tpu.memory_space<vmem>> -> memref<1x40x512xf32, #tpu.memory_space<vmem>>
    %dma_start3A_576 = tpu.memref_squeeze %dma_start3A_575 : memref<1x40x512xf32, #tpu.memory_space<vmem>> -> memref<40x512xf32, #tpu.memory_space<vmem>>
    tpu.enqueue_dma source(%dma_start3A_576 : memref<40x512xf32, #tpu.memory_space<vmem>>) target(%dma_start3A_572 : memref<40x512xf32, #tpu.memory_space<hbm>>) target_semaphore(%arg6 : memref<!tpu.dma_semaphore, #tpu.memory_space<semaphore_mem>>)
    %dma_wait3A_577 = arith.constant 1 : i32
    %dma_wait3A_578 = arith.constant 0 : i32
    %dma_wait3A_579 = arith.constant 0 : i32
    %dma_wait3A_580 = tpu.memref_slice %arg5[%dma_wait3A_577, %dma_wait3A_578, %dma_wait3A_579] : memref<4x40x512xf32, #tpu.memory_space<vmem>> -> memref<1x40x512xf32, #tpu.memory_space<vmem>>
    %dma_wait3A_581 = tpu.memref_squeeze %dma_wait3A_580 : memref<1x40x512xf32, #tpu.memory_space<vmem>> -> memref<40x512xf32, #tpu.memory_space<vmem>>
    %dma_wait3A_582 = arith.constant 520 : i32
    %dma_wait3A_583 = tpu.memref_slice %arg3[%dma_wait3A_582, %multiple_of3A] : memref<1000x16384xf32, #tpu.memory_space<hbm>> -> memref<40x512xf32, #tpu.memory_space<hbm>>
    %dma_wait3A_584 = arith.constant 520 : i32
    %dma_wait3A_585 = tpu.memref_slice %arg3[%dma_wait3A_584, %multiple_of3A] : memref<1000x16384xf32, #tpu.memory_space<hbm>> -> memref<40x512xf32, #tpu.memory_space<hbm>>
    %dma_wait3A_586 = arith.constant 0 : i32
    %dma_wait3A_587 = arith.constant 0 : i32
    %dma_wait3A_588 = tpu.memref_slice %arg5[%dma_wait3A_577, %dma_wait3A_586, %dma_wait3A_587] : memref<4x40x512xf32, #tpu.memory_space<vmem>> -> memref<1x40x512xf32, #tpu.memory_space<vmem>>
    %dma_wait3A_589 = tpu.memref_squeeze %dma_wait3A_588 : memref<1x40x512xf32, #tpu.memory_space<vmem>> -> memref<40x512xf32, #tpu.memory_space<vmem>>
    tpu.wait_dma2 semaphore(%arg6 : memref<!tpu.dma_semaphore, #tpu.memory_space<semaphore_mem>>) src(%dma_wait3A_589 : memref<40x512xf32, #tpu.memory_space<vmem>>) dst(%dma_wait3A_585 : memref<40x512xf32, #tpu.memory_space<hbm>>)
    %scan3A_590 = arith.constant 0 : i32
    %scan3A_591 = arith.constant 0 : i32
    %scan3A_592 = arith.constant 32 : i32
    %scan3A_593 = arith.addi %scan3A_591, %scan3A_592 : i32
    %scan3A_594 = arith.constant 1 : i32
    scf.for %scan3A_933 = %scan3A_591 to %scan3A_593 step %scan3A_594  : i32 {
      %mul3A_934 = arith.constant 16 : i32
      %mul3A_935 = arith.muli %scan3A_933, %mul3A_934 : i32
      %add3A_936 = vector.broadcast %mul3A_935 : i32 to vector<16xi32>
      %add3A_937 = arith.addi %add3A_936, %iota3A : vector<16xi32>
      %mul3A_938 = arith.constant 16 : i32
      %mul3A_939 = arith.muli %scan3A_933, %mul3A_938 : i32
      %multiple_of3A_940 = tpu.assume_multiple %mul3A_939, 16 : i32
      %get3A = arith.index_cast %multiple_of3A_940 : i32 to index
      %get3A_941 = tpu.vector_load %arg4[%get3A] {strides = array<i32>} : memref<512xi32, #tpu.memory_space<vmem>>, vector<16xi32>,
      %ge3A = arith.constant 520 : i32
      %ge3A_942 = vector.broadcast %ge3A : i32 to vector<16xi32>
      %ge3A_943 = arith.cmpi sge, %get3A_941, %ge3A_942 : vector<16xi32>
      %lt3A = arith.constant 560 : i32
      %lt3A_944 = vector.broadcast %lt3A : i32 to vector<16xi32>
      %lt3A_945 = arith.cmpi slt, %get3A_941, %lt3A_944 : vector<16xi32>
      %and3A = arith.andi %ge3A_943, %lt3A_945 : vector<16xi1>
      %sub3A = arith.constant 520 : i32
      %sub3A_946 = vector.broadcast %sub3A : i32 to vector<16xi32>
      %sub3A_947 = arith.subi %get3A_941, %sub3A_946 : vector<16xi32>
      %broadcast_in_dim3A_948 = arith.constant 0.000000e+00 : f32
      %broadcast_in_dim3A_949 = vector.broadcast %broadcast_in_dim3A_948 : f32 to vector<16xf32>
      %scatter3A = arith.constant 1 : i32
      %scatter3A_950 = arith.constant 0 : i32
      %scatter3A_951 = arith.constant 0 : i32
      %scatter3A_952 = tpu.memref_slice %arg5[%scatter3A, %scatter3A_950, %scatter3A_951] : memref<4x40x512xf32, #tpu.memory_space<vmem>> -> memref<1x40x512xf32, #tpu.memory_space<vmem>>
      %scatter3A_953 = tpu.memref_squeeze %scatter3A_952 : memref<1x40x512xf32, #tpu.memory_space<vmem>> -> memref<40x512xf32, #tpu.memory_space<vmem>>
      tpu.vector_store_idx %scatter3A_953[%sub3A_947, %add3A_937], %broadcast_in_dim3A_949 masked %and3A : memref<40x512xf32, #tpu.memory_space<vmem>>[vector<16xi32>, vector<16xi32>], vector<16xf32>, vector<16xi1>
    }
    %scan3A_595 = arith.constant 32 : i32
    %scan3A_596 = arith.constant 0 : i32
    %scan3A_597 = arith.constant 0 : i32
    %scan3A_598 = arith.constant 32 : i32
    %scan3A_599 = arith.addi %scan3A_597, %scan3A_598 : i32
    %scan3A_600 = arith.constant 1 : i32
    scf.for %scan3A_933 = %scan3A_597 to %scan3A_599 step %scan3A_600  : i32 {
      %mul3A_934 = arith.constant 16 : i32
      %mul3A_935 = arith.muli %scan3A_933, %mul3A_934 : i32
      %add3A_936 = vector.broadcast %mul3A_935 : i32 to vector<16xi32>
      %add3A_937 = arith.addi %add3A_936, %iota3A : vector<16xi32>
      %mul3A_938 = arith.constant 16 : i32
      %mul3A_939 = arith.muli %scan3A_933, %mul3A_938 : i32
      %multiple_of3A_940 = tpu.assume_multiple %mul3A_939, 16 : i32
      %get3A = arith.index_cast %multiple_of3A_940 : i32 to index
      %get3A_941 = tpu.vector_load %arg4[%get3A] {strides = array<i32>} : memref<512xi32, #tpu.memory_space<vmem>>, vector<16xi32>,
      %ge3A = arith.constant 680 : i32
      %ge3A_942 = vector.broadcast %ge3A : i32 to vector<16xi32>
      %ge3A_943 = arith.cmpi sge, %get3A_941, %ge3A_942 : vector<16xi32>
      %lt3A = arith.constant 720 : i32
      %lt3A_944 = vector.broadcast %lt3A : i32 to vector<16xi32>
      %lt3A_945 = arith.cmpi slt, %get3A_941, %lt3A_944 : vector<16xi32>
      %and3A = arith.andi %ge3A_943, %lt3A_945 : vector<16xi1>
      %sub3A = arith.constant 680 : i32
      %sub3A_946 = vector.broadcast %sub3A : i32 to vector<16xi32>
      %sub3A_947 = arith.subi %get3A_941, %sub3A_946 : vector<16xi32>
      %broadcast_in_dim3A_948 = arith.constant 1.000000e+00 : f32
      %broadcast_in_dim3A_949 = vector.broadcast %broadcast_in_dim3A_948 : f32 to vector<16xf32>
      %scatter3A = arith.constant 1 : i32
      %scatter3A_950 = arith.constant 0 : i32
      %scatter3A_951 = arith.constant 0 : i32
      %scatter3A_952 = tpu.memref_slice %arg5[%scatter3A, %scatter3A_950, %scatter3A_951] : memref<4x40x512xf32, #tpu.memory_space<vmem>> -> memref<1x40x512xf32, #tpu.memory_space<vmem>>
      %scatter3A_953 = tpu.memref_squeeze %scatter3A_952 : memref<1x40x512xf32, #tpu.memory_space<vmem>> -> memref<40x512xf32, #tpu.memory_space<vmem>>
      tpu.vector_store_idx %scatter3A_953[%sub3A_947, %add3A_937], %broadcast_in_dim3A_949 masked %and3A : memref<40x512xf32, #tpu.memory_space<vmem>>[vector<16xi32>, vector<16xi32>], vector<16xf32>, vector<16xi1>
    }
    %scan3A_601 = arith.constant 32 : i32
    %dma_start3A_602 = arith.constant 1 : i32
    %dma_start3A_603 = arith.constant 0 : i32
    %dma_start3A_604 = arith.constant 0 : i32
    %dma_start3A_605 = tpu.memref_slice %arg5[%dma_start3A_602, %dma_start3A_603, %dma_start3A_604] : memref<4x40x512xf32, #tpu.memory_space<vmem>> -> memref<1x40x512xf32, #tpu.memory_space<vmem>>
    %dma_start3A_606 = tpu.memref_squeeze %dma_start3A_605 : memref<1x40x512xf32, #tpu.memory_space<vmem>> -> memref<40x512xf32, #tpu.memory_space<vmem>>
    %dma_start3A_607 = arith.constant 680 : i32
    %dma_start3A_608 = tpu.memref_slice %arg3[%dma_start3A_607, %multiple_of3A] : memref<1000x16384xf32, #tpu.memory_space<hbm>> -> memref<40x512xf32, #tpu.memory_space<hbm>>
    %dma_start3A_609 = arith.constant 680 : i32
    %dma_start3A_610 = tpu.memref_slice %arg3[%dma_start3A_609, %multiple_of3A] : memref<1000x16384xf32, #tpu.memory_space<hbm>> -> memref<40x512xf32, #tpu.memory_space<hbm>>
    %dma_start3A_611 = arith.constant 0 : i32
    %dma_start3A_612 = arith.constant 0 : i32
    %dma_start3A_613 = tpu.memref_slice %arg5[%dma_start3A_602, %dma_start3A_611, %dma_start3A_612] : memref<4x40x512xf32, #tpu.memory_space<vmem>> -> memref<1x40x512xf32, #tpu.memory_space<vmem>>
    %dma_start3A_614 = tpu.memref_squeeze %dma_start3A_613 : memref<1x40x512xf32, #tpu.memory_space<vmem>> -> memref<40x512xf32, #tpu.memory_space<vmem>>
    tpu.enqueue_dma source(%dma_start3A_614 : memref<40x512xf32, #tpu.memory_space<vmem>>) target(%dma_start3A_610 : memref<40x512xf32, #tpu.memory_space<hbm>>) target_semaphore(%arg6 : memref<!tpu.dma_semaphore, #tpu.memory_space<semaphore_mem>>)
    %dma_wait3A_615 = arith.constant 2 : i32
    %dma_wait3A_616 = arith.constant 0 : i32
    %dma_wait3A_617 = arith.constant 0 : i32
    %dma_wait3A_618 = tpu.memref_slice %arg5[%dma_wait3A_615, %dma_wait3A_616, %dma_wait3A_617] : memref<4x40x512xf32, #tpu.memory_space<vmem>> -> memref<1x40x512xf32, #tpu.memory_space<vmem>>
    %dma_wait3A_619 = tpu.memref_squeeze %dma_wait3A_618 : memref<1x40x512xf32, #tpu.memory_space<vmem>> -> memref<40x512xf32, #tpu.memory_space<vmem>>
    %dma_wait3A_620 = arith.constant 560 : i32
    %dma_wait3A_621 = tpu.memref_slice %arg3[%dma_wait3A_620, %multiple_of3A] : memref<1000x16384xf32, #tpu.memory_space<hbm>> -> memref<40x512xf32, #tpu.memory_space<hbm>>
    %dma_wait3A_622 = arith.constant 560 : i32
    %dma_wait3A_623 = tpu.memref_slice %arg3[%dma_wait3A_622, %multiple_of3A] : memref<1000x16384xf32, #tpu.memory_space<hbm>> -> memref<40x512xf32, #tpu.memory_space<hbm>>
    %dma_wait3A_624 = arith.constant 0 : i32
    %dma_wait3A_625 = arith.constant 0 : i32
    %dma_wait3A_626 = tpu.memref_slice %arg5[%dma_wait3A_615, %dma_wait3A_624, %dma_wait3A_625] : memref<4x40x512xf32, #tpu.memory_space<vmem>> -> memref<1x40x512xf32, #tpu.memory_space<vmem>>
    %dma_wait3A_627 = tpu.memref_squeeze %dma_wait3A_626 : memref<1x40x512xf32, #tpu.memory_space<vmem>> -> memref<40x512xf32, #tpu.memory_space<vmem>>
    tpu.wait_dma2 semaphore(%arg6 : memref<!tpu.dma_semaphore, #tpu.memory_space<semaphore_mem>>) src(%dma_wait3A_627 : memref<40x512xf32, #tpu.memory_space<vmem>>) dst(%dma_wait3A_623 : memref<40x512xf32, #tpu.memory_space<hbm>>)
    %scan3A_628 = arith.constant 0 : i32
    %scan3A_629 = arith.constant 0 : i32
    %scan3A_630 = arith.constant 32 : i32
    %scan3A_631 = arith.addi %scan3A_629, %scan3A_630 : i32
    %scan3A_632 = arith.constant 1 : i32
    scf.for %scan3A_933 = %scan3A_629 to %scan3A_631 step %scan3A_632  : i32 {
      %mul3A_934 = arith.constant 16 : i32
      %mul3A_935 = arith.muli %scan3A_933, %mul3A_934 : i32
      %add3A_936 = vector.broadcast %mul3A_935 : i32 to vector<16xi32>
      %add3A_937 = arith.addi %add3A_936, %iota3A : vector<16xi32>
      %mul3A_938 = arith.constant 16 : i32
      %mul3A_939 = arith.muli %scan3A_933, %mul3A_938 : i32
      %multiple_of3A_940 = tpu.assume_multiple %mul3A_939, 16 : i32
      %get3A = arith.index_cast %multiple_of3A_940 : i32 to index
      %get3A_941 = tpu.vector_load %arg4[%get3A] {strides = array<i32>} : memref<512xi32, #tpu.memory_space<vmem>>, vector<16xi32>,
      %ge3A = arith.constant 560 : i32
      %ge3A_942 = vector.broadcast %ge3A : i32 to vector<16xi32>
      %ge3A_943 = arith.cmpi sge, %get3A_941, %ge3A_942 : vector<16xi32>
      %lt3A = arith.constant 600 : i32
      %lt3A_944 = vector.broadcast %lt3A : i32 to vector<16xi32>
      %lt3A_945 = arith.cmpi slt, %get3A_941, %lt3A_944 : vector<16xi32>
      %and3A = arith.andi %ge3A_943, %lt3A_945 : vector<16xi1>
      %sub3A = arith.constant 560 : i32
      %sub3A_946 = vector.broadcast %sub3A : i32 to vector<16xi32>
      %sub3A_947 = arith.subi %get3A_941, %sub3A_946 : vector<16xi32>
      %broadcast_in_dim3A_948 = arith.constant 0.000000e+00 : f32
      %broadcast_in_dim3A_949 = vector.broadcast %broadcast_in_dim3A_948 : f32 to vector<16xf32>
      %scatter3A = arith.constant 2 : i32
      %scatter3A_950 = arith.constant 0 : i32
      %scatter3A_951 = arith.constant 0 : i32
      %scatter3A_952 = tpu.memref_slice %arg5[%scatter3A, %scatter3A_950, %scatter3A_951] : memref<4x40x512xf32, #tpu.memory_space<vmem>> -> memref<1x40x512xf32, #tpu.memory_space<vmem>>
      %scatter3A_953 = tpu.memref_squeeze %scatter3A_952 : memref<1x40x512xf32, #tpu.memory_space<vmem>> -> memref<40x512xf32, #tpu.memory_space<vmem>>
      tpu.vector_store_idx %scatter3A_953[%sub3A_947, %add3A_937], %broadcast_in_dim3A_949 masked %and3A : memref<40x512xf32, #tpu.memory_space<vmem>>[vector<16xi32>, vector<16xi32>], vector<16xf32>, vector<16xi1>
    }
    %scan3A_633 = arith.constant 32 : i32
    %scan3A_634 = arith.constant 0 : i32
    %scan3A_635 = arith.constant 0 : i32
    %scan3A_636 = arith.constant 32 : i32
    %scan3A_637 = arith.addi %scan3A_635, %scan3A_636 : i32
    %scan3A_638 = arith.constant 1 : i32
    scf.for %scan3A_933 = %scan3A_635 to %scan3A_637 step %scan3A_638  : i32 {
      %mul3A_934 = arith.constant 16 : i32
      %mul3A_935 = arith.muli %scan3A_933, %mul3A_934 : i32
      %add3A_936 = vector.broadcast %mul3A_935 : i32 to vector<16xi32>
      %add3A_937 = arith.addi %add3A_936, %iota3A : vector<16xi32>
      %mul3A_938 = arith.constant 16 : i32
      %mul3A_939 = arith.muli %scan3A_933, %mul3A_938 : i32
      %multiple_of3A_940 = tpu.assume_multiple %mul3A_939, 16 : i32
      %get3A = arith.index_cast %multiple_of3A_940 : i32 to index
      %get3A_941 = tpu.vector_load %arg4[%get3A] {strides = array<i32>} : memref<512xi32, #tpu.memory_space<vmem>>, vector<16xi32>,
      %ge3A = arith.constant 720 : i32
      %ge3A_942 = vector.broadcast %ge3A : i32 to vector<16xi32>
      %ge3A_943 = arith.cmpi sge, %get3A_941, %ge3A_942 : vector<16xi32>
      %lt3A = arith.constant 760 : i32
      %lt3A_944 = vector.broadcast %lt3A : i32 to vector<16xi32>
      %lt3A_945 = arith.cmpi slt, %get3A_941, %lt3A_944 : vector<16xi32>
      %and3A = arith.andi %ge3A_943, %lt3A_945 : vector<16xi1>
      %sub3A = arith.constant 720 : i32
      %sub3A_946 = vector.broadcast %sub3A : i32 to vector<16xi32>
      %sub3A_947 = arith.subi %get3A_941, %sub3A_946 : vector<16xi32>
      %broadcast_in_dim3A_948 = arith.constant 1.000000e+00 : f32
      %broadcast_in_dim3A_949 = vector.broadcast %broadcast_in_dim3A_948 : f32 to vector<16xf32>
      %scatter3A = arith.constant 2 : i32
      %scatter3A_950 = arith.constant 0 : i32
      %scatter3A_951 = arith.constant 0 : i32
      %scatter3A_952 = tpu.memref_slice %arg5[%scatter3A, %scatter3A_950, %scatter3A_951] : memref<4x40x512xf32, #tpu.memory_space<vmem>> -> memref<1x40x512xf32, #tpu.memory_space<vmem>>
      %scatter3A_953 = tpu.memref_squeeze %scatter3A_952 : memref<1x40x512xf32, #tpu.memory_space<vmem>> -> memref<40x512xf32, #tpu.memory_space<vmem>>
      tpu.vector_store_idx %scatter3A_953[%sub3A_947, %add3A_937], %broadcast_in_dim3A_949 masked %and3A : memref<40x512xf32, #tpu.memory_space<vmem>>[vector<16xi32>, vector<16xi32>], vector<16xf32>, vector<16xi1>
    }
    %scan3A_639 = arith.constant 32 : i32
    %dma_start3A_640 = arith.constant 2 : i32
    %dma_start3A_641 = arith.constant 0 : i32
    %dma_start3A_642 = arith.constant 0 : i32
    %dma_start3A_643 = tpu.memref_slice %arg5[%dma_start3A_640, %dma_start3A_641, %dma_start3A_642] : memref<4x40x512xf32, #tpu.memory_space<vmem>> -> memref<1x40x512xf32, #tpu.memory_space<vmem>>
    %dma_start3A_644 = tpu.memref_squeeze %dma_start3A_643 : memref<1x40x512xf32, #tpu.memory_space<vmem>> -> memref<40x512xf32, #tpu.memory_space<vmem>>
    %dma_start3A_645 = arith.constant 720 : i32
    %dma_start3A_646 = tpu.memref_slice %arg3[%dma_start3A_645, %multiple_of3A] : memref<1000x16384xf32, #tpu.memory_space<hbm>> -> memref<40x512xf32, #tpu.memory_space<hbm>>
    %dma_start3A_647 = arith.constant 720 : i32
    %dma_start3A_648 = tpu.memref_slice %arg3[%dma_start3A_647, %multiple_of3A] : memref<1000x16384xf32, #tpu.memory_space<hbm>> -> memref<40x512xf32, #tpu.memory_space<hbm>>
    %dma_start3A_649 = arith.constant 0 : i32
    %dma_start3A_650 = arith.constant 0 : i32
    %dma_start3A_651 = tpu.memref_slice %arg5[%dma_start3A_640, %dma_start3A_649, %dma_start3A_650] : memref<4x40x512xf32, #tpu.memory_space<vmem>> -> memref<1x40x512xf32, #tpu.memory_space<vmem>>
    %dma_start3A_652 = tpu.memref_squeeze %dma_start3A_651 : memref<1x40x512xf32, #tpu.memory_space<vmem>> -> memref<40x512xf32, #tpu.memory_space<vmem>>
    tpu.enqueue_dma source(%dma_start3A_652 : memref<40x512xf32, #tpu.memory_space<vmem>>) target(%dma_start3A_648 : memref<40x512xf32, #tpu.memory_space<hbm>>) target_semaphore(%arg6 : memref<!tpu.dma_semaphore, #tpu.memory_space<semaphore_mem>>)
    %dma_wait3A_653 = arith.constant 3 : i32
    %dma_wait3A_654 = arith.constant 0 : i32
    %dma_wait3A_655 = arith.constant 0 : i32
    %dma_wait3A_656 = tpu.memref_slice %arg5[%dma_wait3A_653, %dma_wait3A_654, %dma_wait3A_655] : memref<4x40x512xf32, #tpu.memory_space<vmem>> -> memref<1x40x512xf32, #tpu.memory_space<vmem>>
    %dma_wait3A_657 = tpu.memref_squeeze %dma_wait3A_656 : memref<1x40x512xf32, #tpu.memory_space<vmem>> -> memref<40x512xf32, #tpu.memory_space<vmem>>
    %dma_wait3A_658 = arith.constant 600 : i32
    %dma_wait3A_659 = tpu.memref_slice %arg3[%dma_wait3A_658, %multiple_of3A] : memref<1000x16384xf32, #tpu.memory_space<hbm>> -> memref<40x512xf32, #tpu.memory_space<hbm>>
    %dma_wait3A_660 = arith.constant 600 : i32
    %dma_wait3A_661 = tpu.memref_slice %arg3[%dma_wait3A_660, %multiple_of3A] : memref<1000x16384xf32, #tpu.memory_space<hbm>> -> memref<40x512xf32, #tpu.memory_space<hbm>>
    %dma_wait3A_662 = arith.constant 0 : i32
    %dma_wait3A_663 = arith.constant 0 : i32
    %dma_wait3A_664 = tpu.memref_slice %arg5[%dma_wait3A_653, %dma_wait3A_662, %dma_wait3A_663] : memref<4x40x512xf32, #tpu.memory_space<vmem>> -> memref<1x40x512xf32, #tpu.memory_space<vmem>>
    %dma_wait3A_665 = tpu.memref_squeeze %dma_wait3A_664 : memref<1x40x512xf32, #tpu.memory_space<vmem>> -> memref<40x512xf32, #tpu.memory_space<vmem>>
    tpu.wait_dma2 semaphore(%arg6 : memref<!tpu.dma_semaphore, #tpu.memory_space<semaphore_mem>>) src(%dma_wait3A_665 : memref<40x512xf32, #tpu.memory_space<vmem>>) dst(%dma_wait3A_661 : memref<40x512xf32, #tpu.memory_space<hbm>>)
    %scan3A_666 = arith.constant 0 : i32
    %scan3A_667 = arith.constant 0 : i32
    %scan3A_668 = arith.constant 32 : i32
    %scan3A_669 = arith.addi %scan3A_667, %scan3A_668 : i32
    %scan3A_670 = arith.constant 1 : i32
    scf.for %scan3A_933 = %scan3A_667 to %scan3A_669 step %scan3A_670  : i32 {
      %mul3A_934 = arith.constant 16 : i32
      %mul3A_935 = arith.muli %scan3A_933, %mul3A_934 : i32
      %add3A_936 = vector.broadcast %mul3A_935 : i32 to vector<16xi32>
      %add3A_937 = arith.addi %add3A_936, %iota3A : vector<16xi32>
      %mul3A_938 = arith.constant 16 : i32
      %mul3A_939 = arith.muli %scan3A_933, %mul3A_938 : i32
      %multiple_of3A_940 = tpu.assume_multiple %mul3A_939, 16 : i32
      %get3A = arith.index_cast %multiple_of3A_940 : i32 to index
      %get3A_941 = tpu.vector_load %arg4[%get3A] {strides = array<i32>} : memref<512xi32, #tpu.memory_space<vmem>>, vector<16xi32>,
      %ge3A = arith.constant 600 : i32
      %ge3A_942 = vector.broadcast %ge3A : i32 to vector<16xi32>
      %ge3A_943 = arith.cmpi sge, %get3A_941, %ge3A_942 : vector<16xi32>
      %lt3A = arith.constant 640 : i32
      %lt3A_944 = vector.broadcast %lt3A : i32 to vector<16xi32>
      %lt3A_945 = arith.cmpi slt, %get3A_941, %lt3A_944 : vector<16xi32>
      %and3A = arith.andi %ge3A_943, %lt3A_945 : vector<16xi1>
      %sub3A = arith.constant 600 : i32
      %sub3A_946 = vector.broadcast %sub3A : i32 to vector<16xi32>
      %sub3A_947 = arith.subi %get3A_941, %sub3A_946 : vector<16xi32>
      %broadcast_in_dim3A_948 = arith.constant 0.000000e+00 : f32
      %broadcast_in_dim3A_949 = vector.broadcast %broadcast_in_dim3A_948 : f32 to vector<16xf32>
      %scatter3A = arith.constant 3 : i32
      %scatter3A_950 = arith.constant 0 : i32
      %scatter3A_951 = arith.constant 0 : i32
      %scatter3A_952 = tpu.memref_slice %arg5[%scatter3A, %scatter3A_950, %scatter3A_951] : memref<4x40x512xf32, #tpu.memory_space<vmem>> -> memref<1x40x512xf32, #tpu.memory_space<vmem>>
      %scatter3A_953 = tpu.memref_squeeze %scatter3A_952 : memref<1x40x512xf32, #tpu.memory_space<vmem>> -> memref<40x512xf32, #tpu.memory_space<vmem>>
      tpu.vector_store_idx %scatter3A_953[%sub3A_947, %add3A_937], %broadcast_in_dim3A_949 masked %and3A : memref<40x512xf32, #tpu.memory_space<vmem>>[vector<16xi32>, vector<16xi32>], vector<16xf32>, vector<16xi1>
    }
    %scan3A_671 = arith.constant 32 : i32
    %scan3A_672 = arith.constant 0 : i32
    %scan3A_673 = arith.constant 0 : i32
    %scan3A_674 = arith.constant 32 : i32
    %scan3A_675 = arith.addi %scan3A_673, %scan3A_674 : i32
    %scan3A_676 = arith.constant 1 : i32
    scf.for %scan3A_933 = %scan3A_673 to %scan3A_675 step %scan3A_676  : i32 {
      %mul3A_934 = arith.constant 16 : i32
      %mul3A_935 = arith.muli %scan3A_933, %mul3A_934 : i32
      %add3A_936 = vector.broadcast %mul3A_935 : i32 to vector<16xi32>
      %add3A_937 = arith.addi %add3A_936, %iota3A : vector<16xi32>
      %mul3A_938 = arith.constant 16 : i32
      %mul3A_939 = arith.muli %scan3A_933, %mul3A_938 : i32
      %multiple_of3A_940 = tpu.assume_multiple %mul3A_939, 16 : i32
      %get3A = arith.index_cast %multiple_of3A_940 : i32 to index
      %get3A_941 = tpu.vector_load %arg4[%get3A] {strides = array<i32>} : memref<512xi32, #tpu.memory_space<vmem>>, vector<16xi32>,
      %ge3A = arith.constant 760 : i32
      %ge3A_942 = vector.broadcast %ge3A : i32 to vector<16xi32>
      %ge3A_943 = arith.cmpi sge, %get3A_941, %ge3A_942 : vector<16xi32>
      %lt3A = arith.constant 800 : i32
      %lt3A_944 = vector.broadcast %lt3A : i32 to vector<16xi32>
      %lt3A_945 = arith.cmpi slt, %get3A_941, %lt3A_944 : vector<16xi32>
      %and3A = arith.andi %ge3A_943, %lt3A_945 : vector<16xi1>
      %sub3A = arith.constant 760 : i32
      %sub3A_946 = vector.broadcast %sub3A : i32 to vector<16xi32>
      %sub3A_947 = arith.subi %get3A_941, %sub3A_946 : vector<16xi32>
      %broadcast_in_dim3A_948 = arith.constant 1.000000e+00 : f32
      %broadcast_in_dim3A_949 = vector.broadcast %broadcast_in_dim3A_948 : f32 to vector<16xf32>
      %scatter3A = arith.constant 3 : i32
      %scatter3A_950 = arith.constant 0 : i32
      %scatter3A_951 = arith.constant 0 : i32
      %scatter3A_952 = tpu.memref_slice %arg5[%scatter3A, %scatter3A_950, %scatter3A_951] : memref<4x40x512xf32, #tpu.memory_space<vmem>> -> memref<1x40x512xf32, #tpu.memory_space<vmem>>
      %scatter3A_953 = tpu.memref_squeeze %scatter3A_952 : memref<1x40x512xf32, #tpu.memory_space<vmem>> -> memref<40x512xf32, #tpu.memory_space<vmem>>
      tpu.vector_store_idx %scatter3A_953[%sub3A_947, %add3A_937], %broadcast_in_dim3A_949 masked %and3A : memref<40x512xf32, #tpu.memory_space<vmem>>[vector<16xi32>, vector<16xi32>], vector<16xf32>, vector<16xi1>
    }
    %scan3A_677 = arith.constant 32 : i32
    %dma_start3A_678 = arith.constant 3 : i32
    %dma_start3A_679 = arith.constant 0 : i32
    %dma_start3A_680 = arith.constant 0 : i32
    %dma_start3A_681 = tpu.memref_slice %arg5[%dma_start3A_678, %dma_start3A_679, %dma_start3A_680] : memref<4x40x512xf32, #tpu.memory_space<vmem>> -> memref<1x40x512xf32, #tpu.memory_space<vmem>>
    %dma_start3A_682 = tpu.memref_squeeze %dma_start3A_681 : memref<1x40x512xf32, #tpu.memory_space<vmem>> -> memref<40x512xf32, #tpu.memory_space<vmem>>
    %dma_start3A_683 = arith.constant 760 : i32
    %dma_start3A_684 = tpu.memref_slice %arg3[%dma_start3A_683, %multiple_of3A] : memref<1000x16384xf32, #tpu.memory_space<hbm>> -> memref<40x512xf32, #tpu.memory_space<hbm>>
    %dma_start3A_685 = arith.constant 760 : i32
    %dma_start3A_686 = tpu.memref_slice %arg3[%dma_start3A_685, %multiple_of3A] : memref<1000x16384xf32, #tpu.memory_space<hbm>> -> memref<40x512xf32, #tpu.memory_space<hbm>>
    %dma_start3A_687 = arith.constant 0 : i32
    %dma_start3A_688 = arith.constant 0 : i32
    %dma_start3A_689 = tpu.memref_slice %arg5[%dma_start3A_678, %dma_start3A_687, %dma_start3A_688] : memref<4x40x512xf32, #tpu.memory_space<vmem>> -> memref<1x40x512xf32, #tpu.memory_space<vmem>>
    %dma_start3A_690 = tpu.memref_squeeze %dma_start3A_689 : memref<1x40x512xf32, #tpu.memory_space<vmem>> -> memref<40x512xf32, #tpu.memory_space<vmem>>
    tpu.enqueue_dma source(%dma_start3A_690 : memref<40x512xf32, #tpu.memory_space<vmem>>) target(%dma_start3A_686 : memref<40x512xf32, #tpu.memory_space<hbm>>) target_semaphore(%arg6 : memref<!tpu.dma_semaphore, #tpu.memory_space<semaphore_mem>>)
    %dma_wait3A_691 = arith.constant 0 : i32
    %dma_wait3A_692 = arith.constant 0 : i32
    %dma_wait3A_693 = arith.constant 0 : i32
    %dma_wait3A_694 = tpu.memref_slice %arg5[%dma_wait3A_691, %dma_wait3A_692, %dma_wait3A_693] : memref<4x40x512xf32, #tpu.memory_space<vmem>> -> memref<1x40x512xf32, #tpu.memory_space<vmem>>
    %dma_wait3A_695 = tpu.memref_squeeze %dma_wait3A_694 : memref<1x40x512xf32, #tpu.memory_space<vmem>> -> memref<40x512xf32, #tpu.memory_space<vmem>>
    %dma_wait3A_696 = arith.constant 640 : i32
    %dma_wait3A_697 = tpu.memref_slice %arg3[%dma_wait3A_696, %multiple_of3A] : memref<1000x16384xf32, #tpu.memory_space<hbm>> -> memref<40x512xf32, #tpu.memory_space<hbm>>
    %dma_wait3A_698 = arith.constant 640 : i32
    %dma_wait3A_699 = tpu.memref_slice %arg3[%dma_wait3A_698, %multiple_of3A] : memref<1000x16384xf32, #tpu.memory_space<hbm>> -> memref<40x512xf32, #tpu.memory_space<hbm>>
    %dma_wait3A_700 = arith.constant 0 : i32
    %dma_wait3A_701 = arith.constant 0 : i32
    %dma_wait3A_702 = tpu.memref_slice %arg5[%dma_wait3A_691, %dma_wait3A_700, %dma_wait3A_701] : memref<4x40x512xf32, #tpu.memory_space<vmem>> -> memref<1x40x512xf32, #tpu.memory_space<vmem>>
    %dma_wait3A_703 = tpu.memref_squeeze %dma_wait3A_702 : memref<1x40x512xf32, #tpu.memory_space<vmem>> -> memref<40x512xf32, #tpu.memory_space<vmem>>
    tpu.wait_dma2 semaphore(%arg6 : memref<!tpu.dma_semaphore, #tpu.memory_space<semaphore_mem>>) src(%dma_wait3A_703 : memref<40x512xf32, #tpu.memory_space<vmem>>) dst(%dma_wait3A_699 : memref<40x512xf32, #tpu.memory_space<hbm>>)
    %scan3A_704 = arith.constant 0 : i32
    %scan3A_705 = arith.constant 0 : i32
    %scan3A_706 = arith.constant 32 : i32
    %scan3A_707 = arith.addi %scan3A_705, %scan3A_706 : i32
    %scan3A_708 = arith.constant 1 : i32
    scf.for %scan3A_933 = %scan3A_705 to %scan3A_707 step %scan3A_708  : i32 {
      %mul3A_934 = arith.constant 16 : i32
      %mul3A_935 = arith.muli %scan3A_933, %mul3A_934 : i32
      %add3A_936 = vector.broadcast %mul3A_935 : i32 to vector<16xi32>
      %add3A_937 = arith.addi %add3A_936, %iota3A : vector<16xi32>
      %mul3A_938 = arith.constant 16 : i32
      %mul3A_939 = arith.muli %scan3A_933, %mul3A_938 : i32
      %multiple_of3A_940 = tpu.assume_multiple %mul3A_939, 16 : i32
      %get3A = arith.index_cast %multiple_of3A_940 : i32 to index
      %get3A_941 = tpu.vector_load %arg4[%get3A] {strides = array<i32>} : memref<512xi32, #tpu.memory_space<vmem>>, vector<16xi32>,
      %ge3A = arith.constant 640 : i32
      %ge3A_942 = vector.broadcast %ge3A : i32 to vector<16xi32>
      %ge3A_943 = arith.cmpi sge, %get3A_941, %ge3A_942 : vector<16xi32>
      %lt3A = arith.constant 680 : i32
      %lt3A_944 = vector.broadcast %lt3A : i32 to vector<16xi32>
      %lt3A_945 = arith.cmpi slt, %get3A_941, %lt3A_944 : vector<16xi32>
      %and3A = arith.andi %ge3A_943, %lt3A_945 : vector<16xi1>
      %sub3A = arith.constant 640 : i32
      %sub3A_946 = vector.broadcast %sub3A : i32 to vector<16xi32>
      %sub3A_947 = arith.subi %get3A_941, %sub3A_946 : vector<16xi32>
      %broadcast_in_dim3A_948 = arith.constant 0.000000e+00 : f32
      %broadcast_in_dim3A_949 = vector.broadcast %broadcast_in_dim3A_948 : f32 to vector<16xf32>
      %scatter3A = arith.constant 0 : i32
      %scatter3A_950 = arith.constant 0 : i32
      %scatter3A_951 = arith.constant 0 : i32
      %scatter3A_952 = tpu.memref_slice %arg5[%scatter3A, %scatter3A_950, %scatter3A_951] : memref<4x40x512xf32, #tpu.memory_space<vmem>> -> memref<1x40x512xf32, #tpu.memory_space<vmem>>
      %scatter3A_953 = tpu.memref_squeeze %scatter3A_952 : memref<1x40x512xf32, #tpu.memory_space<vmem>> -> memref<40x512xf32, #tpu.memory_space<vmem>>
      tpu.vector_store_idx %scatter3A_953[%sub3A_947, %add3A_937], %broadcast_in_dim3A_949 masked %and3A : memref<40x512xf32, #tpu.memory_space<vmem>>[vector<16xi32>, vector<16xi32>], vector<16xf32>, vector<16xi1>
    }
    %scan3A_709 = arith.constant 32 : i32
    %scan3A_710 = arith.constant 0 : i32
    %scan3A_711 = arith.constant 0 : i32
    %scan3A_712 = arith.constant 32 : i32
    %scan3A_713 = arith.addi %scan3A_711, %scan3A_712 : i32
    %scan3A_714 = arith.constant 1 : i32
    scf.for %scan3A_933 = %scan3A_711 to %scan3A_713 step %scan3A_714  : i32 {
      %mul3A_934 = arith.constant 16 : i32
      %mul3A_935 = arith.muli %scan3A_933, %mul3A_934 : i32
      %add3A_936 = vector.broadcast %mul3A_935 : i32 to vector<16xi32>
      %add3A_937 = arith.addi %add3A_936, %iota3A : vector<16xi32>
      %mul3A_938 = arith.constant 16 : i32
      %mul3A_939 = arith.muli %scan3A_933, %mul3A_938 : i32
      %multiple_of3A_940 = tpu.assume_multiple %mul3A_939, 16 : i32
      %get3A = arith.index_cast %multiple_of3A_940 : i32 to index
      %get3A_941 = tpu.vector_load %arg4[%get3A] {strides = array<i32>} : memref<512xi32, #tpu.memory_space<vmem>>, vector<16xi32>,
      %ge3A = arith.constant 800 : i32
      %ge3A_942 = vector.broadcast %ge3A : i32 to vector<16xi32>
      %ge3A_943 = arith.cmpi sge, %get3A_941, %ge3A_942 : vector<16xi32>
      %lt3A = arith.constant 840 : i32
      %lt3A_944 = vector.broadcast %lt3A : i32 to vector<16xi32>
      %lt3A_945 = arith.cmpi slt, %get3A_941, %lt3A_944 : vector<16xi32>
      %and3A = arith.andi %ge3A_943, %lt3A_945 : vector<16xi1>
      %sub3A = arith.constant 800 : i32
      %sub3A_946 = vector.broadcast %sub3A : i32 to vector<16xi32>
      %sub3A_947 = arith.subi %get3A_941, %sub3A_946 : vector<16xi32>
      %broadcast_in_dim3A_948 = arith.constant 1.000000e+00 : f32
      %broadcast_in_dim3A_949 = vector.broadcast %broadcast_in_dim3A_948 : f32 to vector<16xf32>
      %scatter3A = arith.constant 0 : i32
      %scatter3A_950 = arith.constant 0 : i32
      %scatter3A_951 = arith.constant 0 : i32
      %scatter3A_952 = tpu.memref_slice %arg5[%scatter3A, %scatter3A_950, %scatter3A_951] : memref<4x40x512xf32, #tpu.memory_space<vmem>> -> memref<1x40x512xf32, #tpu.memory_space<vmem>>
      %scatter3A_953 = tpu.memref_squeeze %scatter3A_952 : memref<1x40x512xf32, #tpu.memory_space<vmem>> -> memref<40x512xf32, #tpu.memory_space<vmem>>
      tpu.vector_store_idx %scatter3A_953[%sub3A_947, %add3A_937], %broadcast_in_dim3A_949 masked %and3A : memref<40x512xf32, #tpu.memory_space<vmem>>[vector<16xi32>, vector<16xi32>], vector<16xf32>, vector<16xi1>
    }
    %scan3A_715 = arith.constant 32 : i32
    %dma_start3A_716 = arith.constant 0 : i32
    %dma_start3A_717 = arith.constant 0 : i32
    %dma_start3A_718 = arith.constant 0 : i32
    %dma_start3A_719 = tpu.memref_slice %arg5[%dma_start3A_716, %dma_start3A_717, %dma_start3A_718] : memref<4x40x512xf32, #tpu.memory_space<vmem>> -> memref<1x40x512xf32, #tpu.memory_space<vmem>>
    %dma_start3A_720 = tpu.memref_squeeze %dma_start3A_719 : memref<1x40x512xf32, #tpu.memory_space<vmem>> -> memref<40x512xf32, #tpu.memory_space<vmem>>
    %dma_start3A_721 = arith.constant 800 : i32
    %dma_start3A_722 = tpu.memref_slice %arg3[%dma_start3A_721, %multiple_of3A] : memref<1000x16384xf32, #tpu.memory_space<hbm>> -> memref<40x512xf32, #tpu.memory_space<hbm>>
    %dma_start3A_723 = arith.constant 800 : i32
    %dma_start3A_724 = tpu.memref_slice %arg3[%dma_start3A_723, %multiple_of3A] : memref<1000x16384xf32, #tpu.memory_space<hbm>> -> memref<40x512xf32, #tpu.memory_space<hbm>>
    %dma_start3A_725 = arith.constant 0 : i32
    %dma_start3A_726 = arith.constant 0 : i32
    %dma_start3A_727 = tpu.memref_slice %arg5[%dma_start3A_716, %dma_start3A_725, %dma_start3A_726] : memref<4x40x512xf32, #tpu.memory_space<vmem>> -> memref<1x40x512xf32, #tpu.memory_space<vmem>>
    %dma_start3A_728 = tpu.memref_squeeze %dma_start3A_727 : memref<1x40x512xf32, #tpu.memory_space<vmem>> -> memref<40x512xf32, #tpu.memory_space<vmem>>
    tpu.enqueue_dma source(%dma_start3A_728 : memref<40x512xf32, #tpu.memory_space<vmem>>) target(%dma_start3A_724 : memref<40x512xf32, #tpu.memory_space<hbm>>) target_semaphore(%arg6 : memref<!tpu.dma_semaphore, #tpu.memory_space<semaphore_mem>>)
    %dma_wait3A_729 = arith.constant 1 : i32
    %dma_wait3A_730 = arith.constant 0 : i32
    %dma_wait3A_731 = arith.constant 0 : i32
    %dma_wait3A_732 = tpu.memref_slice %arg5[%dma_wait3A_729, %dma_wait3A_730, %dma_wait3A_731] : memref<4x40x512xf32, #tpu.memory_space<vmem>> -> memref<1x40x512xf32, #tpu.memory_space<vmem>>
    %dma_wait3A_733 = tpu.memref_squeeze %dma_wait3A_732 : memref<1x40x512xf32, #tpu.memory_space<vmem>> -> memref<40x512xf32, #tpu.memory_space<vmem>>
    %dma_wait3A_734 = arith.constant 680 : i32
    %dma_wait3A_735 = tpu.memref_slice %arg3[%dma_wait3A_734, %multiple_of3A] : memref<1000x16384xf32, #tpu.memory_space<hbm>> -> memref<40x512xf32, #tpu.memory_space<hbm>>
    %dma_wait3A_736 = arith.constant 680 : i32
    %dma_wait3A_737 = tpu.memref_slice %arg3[%dma_wait3A_736, %multiple_of3A] : memref<1000x16384xf32, #tpu.memory_space<hbm>> -> memref<40x512xf32, #tpu.memory_space<hbm>>
    %dma_wait3A_738 = arith.constant 0 : i32
    %dma_wait3A_739 = arith.constant 0 : i32
    %dma_wait3A_740 = tpu.memref_slice %arg5[%dma_wait3A_729, %dma_wait3A_738, %dma_wait3A_739] : memref<4x40x512xf32, #tpu.memory_space<vmem>> -> memref<1x40x512xf32, #tpu.memory_space<vmem>>
    %dma_wait3A_741 = tpu.memref_squeeze %dma_wait3A_740 : memref<1x40x512xf32, #tpu.memory_space<vmem>> -> memref<40x512xf32, #tpu.memory_space<vmem>>
    tpu.wait_dma2 semaphore(%arg6 : memref<!tpu.dma_semaphore, #tpu.memory_space<semaphore_mem>>) src(%dma_wait3A_741 : memref<40x512xf32, #tpu.memory_space<vmem>>) dst(%dma_wait3A_737 : memref<40x512xf32, #tpu.memory_space<hbm>>)
    %scan3A_742 = arith.constant 0 : i32
    %scan3A_743 = arith.constant 0 : i32
    %scan3A_744 = arith.constant 32 : i32
    %scan3A_745 = arith.addi %scan3A_743, %scan3A_744 : i32
    %scan3A_746 = arith.constant 1 : i32
    scf.for %scan3A_933 = %scan3A_743 to %scan3A_745 step %scan3A_746  : i32 {
      %mul3A_934 = arith.constant 16 : i32
      %mul3A_935 = arith.muli %scan3A_933, %mul3A_934 : i32
      %add3A_936 = vector.broadcast %mul3A_935 : i32 to vector<16xi32>
      %add3A_937 = arith.addi %add3A_936, %iota3A : vector<16xi32>
      %mul3A_938 = arith.constant 16 : i32
      %mul3A_939 = arith.muli %scan3A_933, %mul3A_938 : i32
      %multiple_of3A_940 = tpu.assume_multiple %mul3A_939, 16 : i32
      %get3A = arith.index_cast %multiple_of3A_940 : i32 to index
      %get3A_941 = tpu.vector_load %arg4[%get3A] {strides = array<i32>} : memref<512xi32, #tpu.memory_space<vmem>>, vector<16xi32>,
      %ge3A = arith.constant 680 : i32
      %ge3A_942 = vector.broadcast %ge3A : i32 to vector<16xi32>
      %ge3A_943 = arith.cmpi sge, %get3A_941, %ge3A_942 : vector<16xi32>
      %lt3A = arith.constant 720 : i32
      %lt3A_944 = vector.broadcast %lt3A : i32 to vector<16xi32>
      %lt3A_945 = arith.cmpi slt, %get3A_941, %lt3A_944 : vector<16xi32>
      %and3A = arith.andi %ge3A_943, %lt3A_945 : vector<16xi1>
      %sub3A = arith.constant 680 : i32
      %sub3A_946 = vector.broadcast %sub3A : i32 to vector<16xi32>
      %sub3A_947 = arith.subi %get3A_941, %sub3A_946 : vector<16xi32>
      %broadcast_in_dim3A_948 = arith.constant 0.000000e+00 : f32
      %broadcast_in_dim3A_949 = vector.broadcast %broadcast_in_dim3A_948 : f32 to vector<16xf32>
      %scatter3A = arith.constant 1 : i32
      %scatter3A_950 = arith.constant 0 : i32
      %scatter3A_951 = arith.constant 0 : i32
      %scatter3A_952 = tpu.memref_slice %arg5[%scatter3A, %scatter3A_950, %scatter3A_951] : memref<4x40x512xf32, #tpu.memory_space<vmem>> -> memref<1x40x512xf32, #tpu.memory_space<vmem>>
      %scatter3A_953 = tpu.memref_squeeze %scatter3A_952 : memref<1x40x512xf32, #tpu.memory_space<vmem>> -> memref<40x512xf32, #tpu.memory_space<vmem>>
      tpu.vector_store_idx %scatter3A_953[%sub3A_947, %add3A_937], %broadcast_in_dim3A_949 masked %and3A : memref<40x512xf32, #tpu.memory_space<vmem>>[vector<16xi32>, vector<16xi32>], vector<16xf32>, vector<16xi1>
    }
    %scan3A_747 = arith.constant 32 : i32
    %scan3A_748 = arith.constant 0 : i32
    %scan3A_749 = arith.constant 0 : i32
    %scan3A_750 = arith.constant 32 : i32
    %scan3A_751 = arith.addi %scan3A_749, %scan3A_750 : i32
    %scan3A_752 = arith.constant 1 : i32
    scf.for %scan3A_933 = %scan3A_749 to %scan3A_751 step %scan3A_752  : i32 {
      %mul3A_934 = arith.constant 16 : i32
      %mul3A_935 = arith.muli %scan3A_933, %mul3A_934 : i32
      %add3A_936 = vector.broadcast %mul3A_935 : i32 to vector<16xi32>
      %add3A_937 = arith.addi %add3A_936, %iota3A : vector<16xi32>
      %mul3A_938 = arith.constant 16 : i32
      %mul3A_939 = arith.muli %scan3A_933, %mul3A_938 : i32
      %multiple_of3A_940 = tpu.assume_multiple %mul3A_939, 16 : i32
      %get3A = arith.index_cast %multiple_of3A_940 : i32 to index
      %get3A_941 = tpu.vector_load %arg4[%get3A] {strides = array<i32>} : memref<512xi32, #tpu.memory_space<vmem>>, vector<16xi32>,
      %ge3A = arith.constant 840 : i32
      %ge3A_942 = vector.broadcast %ge3A : i32 to vector<16xi32>
      %ge3A_943 = arith.cmpi sge, %get3A_941, %ge3A_942 : vector<16xi32>
      %lt3A = arith.constant 880 : i32
      %lt3A_944 = vector.broadcast %lt3A : i32 to vector<16xi32>
      %lt3A_945 = arith.cmpi slt, %get3A_941, %lt3A_944 : vector<16xi32>
      %and3A = arith.andi %ge3A_943, %lt3A_945 : vector<16xi1>
      %sub3A = arith.constant 840 : i32
      %sub3A_946 = vector.broadcast %sub3A : i32 to vector<16xi32>
      %sub3A_947 = arith.subi %get3A_941, %sub3A_946 : vector<16xi32>
      %broadcast_in_dim3A_948 = arith.constant 1.000000e+00 : f32
      %broadcast_in_dim3A_949 = vector.broadcast %broadcast_in_dim3A_948 : f32 to vector<16xf32>
      %scatter3A = arith.constant 1 : i32
      %scatter3A_950 = arith.constant 0 : i32
      %scatter3A_951 = arith.constant 0 : i32
      %scatter3A_952 = tpu.memref_slice %arg5[%scatter3A, %scatter3A_950, %scatter3A_951] : memref<4x40x512xf32, #tpu.memory_space<vmem>> -> memref<1x40x512xf32, #tpu.memory_space<vmem>>
      %scatter3A_953 = tpu.memref_squeeze %scatter3A_952 : memref<1x40x512xf32, #tpu.memory_space<vmem>> -> memref<40x512xf32, #tpu.memory_space<vmem>>
      tpu.vector_store_idx %scatter3A_953[%sub3A_947, %add3A_937], %broadcast_in_dim3A_949 masked %and3A : memref<40x512xf32, #tpu.memory_space<vmem>>[vector<16xi32>, vector<16xi32>], vector<16xf32>, vector<16xi1>
    }
    %scan3A_753 = arith.constant 32 : i32
    %dma_start3A_754 = arith.constant 1 : i32
    %dma_start3A_755 = arith.constant 0 : i32
    %dma_start3A_756 = arith.constant 0 : i32
    %dma_start3A_757 = tpu.memref_slice %arg5[%dma_start3A_754, %dma_start3A_755, %dma_start3A_756] : memref<4x40x512xf32, #tpu.memory_space<vmem>> -> memref<1x40x512xf32, #tpu.memory_space<vmem>>
    %dma_start3A_758 = tpu.memref_squeeze %dma_start3A_757 : memref<1x40x512xf32, #tpu.memory_space<vmem>> -> memref<40x512xf32, #tpu.memory_space<vmem>>
    %dma_start3A_759 = arith.constant 840 : i32
    %dma_start3A_760 = tpu.memref_slice %arg3[%dma_start3A_759, %multiple_of3A] : memref<1000x16384xf32, #tpu.memory_space<hbm>> -> memref<40x512xf32, #tpu.memory_space<hbm>>
    %dma_start3A_761 = arith.constant 840 : i32
    %dma_start3A_762 = tpu.memref_slice %arg3[%dma_start3A_761, %multiple_of3A] : memref<1000x16384xf32, #tpu.memory_space<hbm>> -> memref<40x512xf32, #tpu.memory_space<hbm>>
    %dma_start3A_763 = arith.constant 0 : i32
    %dma_start3A_764 = arith.constant 0 : i32
    %dma_start3A_765 = tpu.memref_slice %arg5[%dma_start3A_754, %dma_start3A_763, %dma_start3A_764] : memref<4x40x512xf32, #tpu.memory_space<vmem>> -> memref<1x40x512xf32, #tpu.memory_space<vmem>>
    %dma_start3A_766 = tpu.memref_squeeze %dma_start3A_765 : memref<1x40x512xf32, #tpu.memory_space<vmem>> -> memref<40x512xf32, #tpu.memory_space<vmem>>
    tpu.enqueue_dma source(%dma_start3A_766 : memref<40x512xf32, #tpu.memory_space<vmem>>) target(%dma_start3A_762 : memref<40x512xf32, #tpu.memory_space<hbm>>) target_semaphore(%arg6 : memref<!tpu.dma_semaphore, #tpu.memory_space<semaphore_mem>>)
    %dma_wait3A_767 = arith.constant 2 : i32
    %dma_wait3A_768 = arith.constant 0 : i32
    %dma_wait3A_769 = arith.constant 0 : i32
    %dma_wait3A_770 = tpu.memref_slice %arg5[%dma_wait3A_767, %dma_wait3A_768, %dma_wait3A_769] : memref<4x40x512xf32, #tpu.memory_space<vmem>> -> memref<1x40x512xf32, #tpu.memory_space<vmem>>
    %dma_wait3A_771 = tpu.memref_squeeze %dma_wait3A_770 : memref<1x40x512xf32, #tpu.memory_space<vmem>> -> memref<40x512xf32, #tpu.memory_space<vmem>>
    %dma_wait3A_772 = arith.constant 720 : i32
    %dma_wait3A_773 = tpu.memref_slice %arg3[%dma_wait3A_772, %multiple_of3A] : memref<1000x16384xf32, #tpu.memory_space<hbm>> -> memref<40x512xf32, #tpu.memory_space<hbm>>
    %dma_wait3A_774 = arith.constant 720 : i32
    %dma_wait3A_775 = tpu.memref_slice %arg3[%dma_wait3A_774, %multiple_of3A] : memref<1000x16384xf32, #tpu.memory_space<hbm>> -> memref<40x512xf32, #tpu.memory_space<hbm>>
    %dma_wait3A_776 = arith.constant 0 : i32
    %dma_wait3A_777 = arith.constant 0 : i32
    %dma_wait3A_778 = tpu.memref_slice %arg5[%dma_wait3A_767, %dma_wait3A_776, %dma_wait3A_777] : memref<4x40x512xf32, #tpu.memory_space<vmem>> -> memref<1x40x512xf32, #tpu.memory_space<vmem>>
    %dma_wait3A_779 = tpu.memref_squeeze %dma_wait3A_778 : memref<1x40x512xf32, #tpu.memory_space<vmem>> -> memref<40x512xf32, #tpu.memory_space<vmem>>
    tpu.wait_dma2 semaphore(%arg6 : memref<!tpu.dma_semaphore, #tpu.memory_space<semaphore_mem>>) src(%dma_wait3A_779 : memref<40x512xf32, #tpu.memory_space<vmem>>) dst(%dma_wait3A_775 : memref<40x512xf32, #tpu.memory_space<hbm>>)
    %scan3A_780 = arith.constant 0 : i32
    %scan3A_781 = arith.constant 0 : i32
    %scan3A_782 = arith.constant 32 : i32
    %scan3A_783 = arith.addi %scan3A_781, %scan3A_782 : i32
    %scan3A_784 = arith.constant 1 : i32
    scf.for %scan3A_933 = %scan3A_781 to %scan3A_783 step %scan3A_784  : i32 {
      %mul3A_934 = arith.constant 16 : i32
      %mul3A_935 = arith.muli %scan3A_933, %mul3A_934 : i32
      %add3A_936 = vector.broadcast %mul3A_935 : i32 to vector<16xi32>
      %add3A_937 = arith.addi %add3A_936, %iota3A : vector<16xi32>
      %mul3A_938 = arith.constant 16 : i32
      %mul3A_939 = arith.muli %scan3A_933, %mul3A_938 : i32
      %multiple_of3A_940 = tpu.assume_multiple %mul3A_939, 16 : i32
      %get3A = arith.index_cast %multiple_of3A_940 : i32 to index
      %get3A_941 = tpu.vector_load %arg4[%get3A] {strides = array<i32>} : memref<512xi32, #tpu.memory_space<vmem>>, vector<16xi32>,
      %ge3A = arith.constant 720 : i32
      %ge3A_942 = vector.broadcast %ge3A : i32 to vector<16xi32>
      %ge3A_943 = arith.cmpi sge, %get3A_941, %ge3A_942 : vector<16xi32>
      %lt3A = arith.constant 760 : i32
      %lt3A_944 = vector.broadcast %lt3A : i32 to vector<16xi32>
      %lt3A_945 = arith.cmpi slt, %get3A_941, %lt3A_944 : vector<16xi32>
      %and3A = arith.andi %ge3A_943, %lt3A_945 : vector<16xi1>
      %sub3A = arith.constant 720 : i32
      %sub3A_946 = vector.broadcast %sub3A : i32 to vector<16xi32>
      %sub3A_947 = arith.subi %get3A_941, %sub3A_946 : vector<16xi32>
      %broadcast_in_dim3A_948 = arith.constant 0.000000e+00 : f32
      %broadcast_in_dim3A_949 = vector.broadcast %broadcast_in_dim3A_948 : f32 to vector<16xf32>
      %scatter3A = arith.constant 2 : i32
      %scatter3A_950 = arith.constant 0 : i32
      %scatter3A_951 = arith.constant 0 : i32
      %scatter3A_952 = tpu.memref_slice %arg5[%scatter3A, %scatter3A_950, %scatter3A_951] : memref<4x40x512xf32, #tpu.memory_space<vmem>> -> memref<1x40x512xf32, #tpu.memory_space<vmem>>
      %scatter3A_953 = tpu.memref_squeeze %scatter3A_952 : memref<1x40x512xf32, #tpu.memory_space<vmem>> -> memref<40x512xf32, #tpu.memory_space<vmem>>
      tpu.vector_store_idx %scatter3A_953[%sub3A_947, %add3A_937], %broadcast_in_dim3A_949 masked %and3A : memref<40x512xf32, #tpu.memory_space<vmem>>[vector<16xi32>, vector<16xi32>], vector<16xf32>, vector<16xi1>
    }
    %scan3A_785 = arith.constant 32 : i32
    %scan3A_786 = arith.constant 0 : i32
    %scan3A_787 = arith.constant 0 : i32
    %scan3A_788 = arith.constant 32 : i32
    %scan3A_789 = arith.addi %scan3A_787, %scan3A_788 : i32
    %scan3A_790 = arith.constant 1 : i32
    scf.for %scan3A_933 = %scan3A_787 to %scan3A_789 step %scan3A_790  : i32 {
      %mul3A_934 = arith.constant 16 : i32
      %mul3A_935 = arith.muli %scan3A_933, %mul3A_934 : i32
      %add3A_936 = vector.broadcast %mul3A_935 : i32 to vector<16xi32>
      %add3A_937 = arith.addi %add3A_936, %iota3A : vector<16xi32>
      %mul3A_938 = arith.constant 16 : i32
      %mul3A_939 = arith.muli %scan3A_933, %mul3A_938 : i32
      %multiple_of3A_940 = tpu.assume_multiple %mul3A_939, 16 : i32
      %get3A = arith.index_cast %multiple_of3A_940 : i32 to index
      %get3A_941 = tpu.vector_load %arg4[%get3A] {strides = array<i32>} : memref<512xi32, #tpu.memory_space<vmem>>, vector<16xi32>,
      %ge3A = arith.constant 880 : i32
      %ge3A_942 = vector.broadcast %ge3A : i32 to vector<16xi32>
      %ge3A_943 = arith.cmpi sge, %get3A_941, %ge3A_942 : vector<16xi32>
      %lt3A = arith.constant 920 : i32
      %lt3A_944 = vector.broadcast %lt3A : i32 to vector<16xi32>
      %lt3A_945 = arith.cmpi slt, %get3A_941, %lt3A_944 : vector<16xi32>
      %and3A = arith.andi %ge3A_943, %lt3A_945 : vector<16xi1>
      %sub3A = arith.constant 880 : i32
      %sub3A_946 = vector.broadcast %sub3A : i32 to vector<16xi32>
      %sub3A_947 = arith.subi %get3A_941, %sub3A_946 : vector<16xi32>
      %broadcast_in_dim3A_948 = arith.constant 1.000000e+00 : f32
      %broadcast_in_dim3A_949 = vector.broadcast %broadcast_in_dim3A_948 : f32 to vector<16xf32>
      %scatter3A = arith.constant 2 : i32
      %scatter3A_950 = arith.constant 0 : i32
      %scatter3A_951 = arith.constant 0 : i32
      %scatter3A_952 = tpu.memref_slice %arg5[%scatter3A, %scatter3A_950, %scatter3A_951] : memref<4x40x512xf32, #tpu.memory_space<vmem>> -> memref<1x40x512xf32, #tpu.memory_space<vmem>>
      %scatter3A_953 = tpu.memref_squeeze %scatter3A_952 : memref<1x40x512xf32, #tpu.memory_space<vmem>> -> memref<40x512xf32, #tpu.memory_space<vmem>>
      tpu.vector_store_idx %scatter3A_953[%sub3A_947, %add3A_937], %broadcast_in_dim3A_949 masked %and3A : memref<40x512xf32, #tpu.memory_space<vmem>>[vector<16xi32>, vector<16xi32>], vector<16xf32>, vector<16xi1>
    }
    %scan3A_791 = arith.constant 32 : i32
    %dma_start3A_792 = arith.constant 2 : i32
    %dma_start3A_793 = arith.constant 0 : i32
    %dma_start3A_794 = arith.constant 0 : i32
    %dma_start3A_795 = tpu.memref_slice %arg5[%dma_start3A_792, %dma_start3A_793, %dma_start3A_794] : memref<4x40x512xf32, #tpu.memory_space<vmem>> -> memref<1x40x512xf32, #tpu.memory_space<vmem>>
    %dma_start3A_796 = tpu.memref_squeeze %dma_start3A_795 : memref<1x40x512xf32, #tpu.memory_space<vmem>> -> memref<40x512xf32, #tpu.memory_space<vmem>>
    %dma_start3A_797 = arith.constant 880 : i32
    %dma_start3A_798 = tpu.memref_slice %arg3[%dma_start3A_797, %multiple_of3A] : memref<1000x16384xf32, #tpu.memory_space<hbm>> -> memref<40x512xf32, #tpu.memory_space<hbm>>
    %dma_start3A_799 = arith.constant 880 : i32
    %dma_start3A_800 = tpu.memref_slice %arg3[%dma_start3A_799, %multiple_of3A] : memref<1000x16384xf32, #tpu.memory_space<hbm>> -> memref<40x512xf32, #tpu.memory_space<hbm>>
    %dma_start3A_801 = arith.constant 0 : i32
    %dma_start3A_802 = arith.constant 0 : i32
    %dma_start3A_803 = tpu.memref_slice %arg5[%dma_start3A_792, %dma_start3A_801, %dma_start3A_802] : memref<4x40x512xf32, #tpu.memory_space<vmem>> -> memref<1x40x512xf32, #tpu.memory_space<vmem>>
    %dma_start3A_804 = tpu.memref_squeeze %dma_start3A_803 : memref<1x40x512xf32, #tpu.memory_space<vmem>> -> memref<40x512xf32, #tpu.memory_space<vmem>>
    tpu.enqueue_dma source(%dma_start3A_804 : memref<40x512xf32, #tpu.memory_space<vmem>>) target(%dma_start3A_800 : memref<40x512xf32, #tpu.memory_space<hbm>>) target_semaphore(%arg6 : memref<!tpu.dma_semaphore, #tpu.memory_space<semaphore_mem>>)
    %dma_wait3A_805 = arith.constant 3 : i32
    %dma_wait3A_806 = arith.constant 0 : i32
    %dma_wait3A_807 = arith.constant 0 : i32
    %dma_wait3A_808 = tpu.memref_slice %arg5[%dma_wait3A_805, %dma_wait3A_806, %dma_wait3A_807] : memref<4x40x512xf32, #tpu.memory_space<vmem>> -> memref<1x40x512xf32, #tpu.memory_space<vmem>>
    %dma_wait3A_809 = tpu.memref_squeeze %dma_wait3A_808 : memref<1x40x512xf32, #tpu.memory_space<vmem>> -> memref<40x512xf32, #tpu.memory_space<vmem>>
    %dma_wait3A_810 = arith.constant 760 : i32
    %dma_wait3A_811 = tpu.memref_slice %arg3[%dma_wait3A_810, %multiple_of3A] : memref<1000x16384xf32, #tpu.memory_space<hbm>> -> memref<40x512xf32, #tpu.memory_space<hbm>>
    %dma_wait3A_812 = arith.constant 760 : i32
    %dma_wait3A_813 = tpu.memref_slice %arg3[%dma_wait3A_812, %multiple_of3A] : memref<1000x16384xf32, #tpu.memory_space<hbm>> -> memref<40x512xf32, #tpu.memory_space<hbm>>
    %dma_wait3A_814 = arith.constant 0 : i32
    %dma_wait3A_815 = arith.constant 0 : i32
    %dma_wait3A_816 = tpu.memref_slice %arg5[%dma_wait3A_805, %dma_wait3A_814, %dma_wait3A_815] : memref<4x40x512xf32, #tpu.memory_space<vmem>> -> memref<1x40x512xf32, #tpu.memory_space<vmem>>
    %dma_wait3A_817 = tpu.memref_squeeze %dma_wait3A_816 : memref<1x40x512xf32, #tpu.memory_space<vmem>> -> memref<40x512xf32, #tpu.memory_space<vmem>>
    tpu.wait_dma2 semaphore(%arg6 : memref<!tpu.dma_semaphore, #tpu.memory_space<semaphore_mem>>) src(%dma_wait3A_817 : memref<40x512xf32, #tpu.memory_space<vmem>>) dst(%dma_wait3A_813 : memref<40x512xf32, #tpu.memory_space<hbm>>)
    %scan3A_818 = arith.constant 0 : i32
    %scan3A_819 = arith.constant 0 : i32
    %scan3A_820 = arith.constant 32 : i32
    %scan3A_821 = arith.addi %scan3A_819, %scan3A_820 : i32
    %scan3A_822 = arith.constant 1 : i32
    scf.for %scan3A_933 = %scan3A_819 to %scan3A_821 step %scan3A_822  : i32 {
      %mul3A_934 = arith.constant 16 : i32
      %mul3A_935 = arith.muli %scan3A_933, %mul3A_934 : i32
      %add3A_936 = vector.broadcast %mul3A_935 : i32 to vector<16xi32>
      %add3A_937 = arith.addi %add3A_936, %iota3A : vector<16xi32>
      %mul3A_938 = arith.constant 16 : i32
      %mul3A_939 = arith.muli %scan3A_933, %mul3A_938 : i32
      %multiple_of3A_940 = tpu.assume_multiple %mul3A_939, 16 : i32
      %get3A = arith.index_cast %multiple_of3A_940 : i32 to index
      %get3A_941 = tpu.vector_load %arg4[%get3A] {strides = array<i32>} : memref<512xi32, #tpu.memory_space<vmem>>, vector<16xi32>,
      %ge3A = arith.constant 760 : i32
      %ge3A_942 = vector.broadcast %ge3A : i32 to vector<16xi32>
      %ge3A_943 = arith.cmpi sge, %get3A_941, %ge3A_942 : vector<16xi32>
      %lt3A = arith.constant 800 : i32
      %lt3A_944 = vector.broadcast %lt3A : i32 to vector<16xi32>
      %lt3A_945 = arith.cmpi slt, %get3A_941, %lt3A_944 : vector<16xi32>
      %and3A = arith.andi %ge3A_943, %lt3A_945 : vector<16xi1>
      %sub3A = arith.constant 760 : i32
      %sub3A_946 = vector.broadcast %sub3A : i32 to vector<16xi32>
      %sub3A_947 = arith.subi %get3A_941, %sub3A_946 : vector<16xi32>
      %broadcast_in_dim3A_948 = arith.constant 0.000000e+00 : f32
      %broadcast_in_dim3A_949 = vector.broadcast %broadcast_in_dim3A_948 : f32 to vector<16xf32>
      %scatter3A = arith.constant 3 : i32
      %scatter3A_950 = arith.constant 0 : i32
      %scatter3A_951 = arith.constant 0 : i32
      %scatter3A_952 = tpu.memref_slice %arg5[%scatter3A, %scatter3A_950, %scatter3A_951] : memref<4x40x512xf32, #tpu.memory_space<vmem>> -> memref<1x40x512xf32, #tpu.memory_space<vmem>>
      %scatter3A_953 = tpu.memref_squeeze %scatter3A_952 : memref<1x40x512xf32, #tpu.memory_space<vmem>> -> memref<40x512xf32, #tpu.memory_space<vmem>>
      tpu.vector_store_idx %scatter3A_953[%sub3A_947, %add3A_937], %broadcast_in_dim3A_949 masked %and3A : memref<40x512xf32, #tpu.memory_space<vmem>>[vector<16xi32>, vector<16xi32>], vector<16xf32>, vector<16xi1>
    }
    %scan3A_823 = arith.constant 32 : i32
    %scan3A_824 = arith.constant 0 : i32
    %scan3A_825 = arith.constant 0 : i32
    %scan3A_826 = arith.constant 32 : i32
    %scan3A_827 = arith.addi %scan3A_825, %scan3A_826 : i32
    %scan3A_828 = arith.constant 1 : i32
    scf.for %scan3A_933 = %scan3A_825 to %scan3A_827 step %scan3A_828  : i32 {
      %mul3A_934 = arith.constant 16 : i32
      %mul3A_935 = arith.muli %scan3A_933, %mul3A_934 : i32
      %add3A_936 = vector.broadcast %mul3A_935 : i32 to vector<16xi32>
      %add3A_937 = arith.addi %add3A_936, %iota3A : vector<16xi32>
      %mul3A_938 = arith.constant 16 : i32
      %mul3A_939 = arith.muli %scan3A_933, %mul3A_938 : i32
      %multiple_of3A_940 = tpu.assume_multiple %mul3A_939, 16 : i32
      %get3A = arith.index_cast %multiple_of3A_940 : i32 to index
      %get3A_941 = tpu.vector_load %arg4[%get3A] {strides = array<i32>} : memref<512xi32, #tpu.memory_space<vmem>>, vector<16xi32>,
      %ge3A = arith.constant 920 : i32
      %ge3A_942 = vector.broadcast %ge3A : i32 to vector<16xi32>
      %ge3A_943 = arith.cmpi sge, %get3A_941, %ge3A_942 : vector<16xi32>
      %lt3A = arith.constant 960 : i32
      %lt3A_944 = vector.broadcast %lt3A : i32 to vector<16xi32>
      %lt3A_945 = arith.cmpi slt, %get3A_941, %lt3A_944 : vector<16xi32>
      %and3A = arith.andi %ge3A_943, %lt3A_945 : vector<16xi1>
      %sub3A = arith.constant 920 : i32
      %sub3A_946 = vector.broadcast %sub3A : i32 to vector<16xi32>
      %sub3A_947 = arith.subi %get3A_941, %sub3A_946 : vector<16xi32>
      %broadcast_in_dim3A_948 = arith.constant 1.000000e+00 : f32
      %broadcast_in_dim3A_949 = vector.broadcast %broadcast_in_dim3A_948 : f32 to vector<16xf32>
      %scatter3A = arith.constant 3 : i32
      %scatter3A_950 = arith.constant 0 : i32
      %scatter3A_951 = arith.constant 0 : i32
      %scatter3A_952 = tpu.memref_slice %arg5[%scatter3A, %scatter3A_950, %scatter3A_951] : memref<4x40x512xf32, #tpu.memory_space<vmem>> -> memref<1x40x512xf32, #tpu.memory_space<vmem>>
      %scatter3A_953 = tpu.memref_squeeze %scatter3A_952 : memref<1x40x512xf32, #tpu.memory_space<vmem>> -> memref<40x512xf32, #tpu.memory_space<vmem>>
      tpu.vector_store_idx %scatter3A_953[%sub3A_947, %add3A_937], %broadcast_in_dim3A_949 masked %and3A : memref<40x512xf32, #tpu.memory_space<vmem>>[vector<16xi32>, vector<16xi32>], vector<16xf32>, vector<16xi1>
    }
    %scan3A_829 = arith.constant 32 : i32
    %dma_start3A_830 = arith.constant 3 : i32
    %dma_start3A_831 = arith.constant 0 : i32
    %dma_start3A_832 = arith.constant 0 : i32
    %dma_start3A_833 = tpu.memref_slice %arg5[%dma_start3A_830, %dma_start3A_831, %dma_start3A_832] : memref<4x40x512xf32, #tpu.memory_space<vmem>> -> memref<1x40x512xf32, #tpu.memory_space<vmem>>
    %dma_start3A_834 = tpu.memref_squeeze %dma_start3A_833 : memref<1x40x512xf32, #tpu.memory_space<vmem>> -> memref<40x512xf32, #tpu.memory_space<vmem>>
    %dma_start3A_835 = arith.constant 920 : i32
    %dma_start3A_836 = tpu.memref_slice %arg3[%dma_start3A_835, %multiple_of3A] : memref<1000x16384xf32, #tpu.memory_space<hbm>> -> memref<40x512xf32, #tpu.memory_space<hbm>>
    %dma_start3A_837 = arith.constant 920 : i32
    %dma_start3A_838 = tpu.memref_slice %arg3[%dma_start3A_837, %multiple_of3A] : memref<1000x16384xf32, #tpu.memory_space<hbm>> -> memref<40x512xf32, #tpu.memory_space<hbm>>
    %dma_start3A_839 = arith.constant 0 : i32
    %dma_start3A_840 = arith.constant 0 : i32
    %dma_start3A_841 = tpu.memref_slice %arg5[%dma_start3A_830, %dma_start3A_839, %dma_start3A_840] : memref<4x40x512xf32, #tpu.memory_space<vmem>> -> memref<1x40x512xf32, #tpu.memory_space<vmem>>
    %dma_start3A_842 = tpu.memref_squeeze %dma_start3A_841 : memref<1x40x512xf32, #tpu.memory_space<vmem>> -> memref<40x512xf32, #tpu.memory_space<vmem>>
    tpu.enqueue_dma source(%dma_start3A_842 : memref<40x512xf32, #tpu.memory_space<vmem>>) target(%dma_start3A_838 : memref<40x512xf32, #tpu.memory_space<hbm>>) target_semaphore(%arg6 : memref<!tpu.dma_semaphore, #tpu.memory_space<semaphore_mem>>)
    %dma_wait3A_843 = arith.constant 0 : i32
    %dma_wait3A_844 = arith.constant 0 : i32
    %dma_wait3A_845 = arith.constant 0 : i32
    %dma_wait3A_846 = tpu.memref_slice %arg5[%dma_wait3A_843, %dma_wait3A_844, %dma_wait3A_845] : memref<4x40x512xf32, #tpu.memory_space<vmem>> -> memref<1x40x512xf32, #tpu.memory_space<vmem>>
    %dma_wait3A_847 = tpu.memref_squeeze %dma_wait3A_846 : memref<1x40x512xf32, #tpu.memory_space<vmem>> -> memref<40x512xf32, #tpu.memory_space<vmem>>
    %dma_wait3A_848 = arith.constant 800 : i32
    %dma_wait3A_849 = tpu.memref_slice %arg3[%dma_wait3A_848, %multiple_of3A] : memref<1000x16384xf32, #tpu.memory_space<hbm>> -> memref<40x512xf32, #tpu.memory_space<hbm>>
    %dma_wait3A_850 = arith.constant 800 : i32
    %dma_wait3A_851 = tpu.memref_slice %arg3[%dma_wait3A_850, %multiple_of3A] : memref<1000x16384xf32, #tpu.memory_space<hbm>> -> memref<40x512xf32, #tpu.memory_space<hbm>>
    %dma_wait3A_852 = arith.constant 0 : i32
    %dma_wait3A_853 = arith.constant 0 : i32
    %dma_wait3A_854 = tpu.memref_slice %arg5[%dma_wait3A_843, %dma_wait3A_852, %dma_wait3A_853] : memref<4x40x512xf32, #tpu.memory_space<vmem>> -> memref<1x40x512xf32, #tpu.memory_space<vmem>>
    %dma_wait3A_855 = tpu.memref_squeeze %dma_wait3A_854 : memref<1x40x512xf32, #tpu.memory_space<vmem>> -> memref<40x512xf32, #tpu.memory_space<vmem>>
    tpu.wait_dma2 semaphore(%arg6 : memref<!tpu.dma_semaphore, #tpu.memory_space<semaphore_mem>>) src(%dma_wait3A_855 : memref<40x512xf32, #tpu.memory_space<vmem>>) dst(%dma_wait3A_851 : memref<40x512xf32, #tpu.memory_space<hbm>>)
    %scan3A_856 = arith.constant 0 : i32
    %scan3A_857 = arith.constant 0 : i32
    %scan3A_858 = arith.constant 32 : i32
    %scan3A_859 = arith.addi %scan3A_857, %scan3A_858 : i32
    %scan3A_860 = arith.constant 1 : i32
    scf.for %scan3A_933 = %scan3A_857 to %scan3A_859 step %scan3A_860  : i32 {
      %mul3A_934 = arith.constant 16 : i32
      %mul3A_935 = arith.muli %scan3A_933, %mul3A_934 : i32
      %add3A_936 = vector.broadcast %mul3A_935 : i32 to vector<16xi32>
      %add3A_937 = arith.addi %add3A_936, %iota3A : vector<16xi32>
      %mul3A_938 = arith.constant 16 : i32
      %mul3A_939 = arith.muli %scan3A_933, %mul3A_938 : i32
      %multiple_of3A_940 = tpu.assume_multiple %mul3A_939, 16 : i32
      %get3A = arith.index_cast %multiple_of3A_940 : i32 to index
      %get3A_941 = tpu.vector_load %arg4[%get3A] {strides = array<i32>} : memref<512xi32, #tpu.memory_space<vmem>>, vector<16xi32>,
      %ge3A = arith.constant 800 : i32
      %ge3A_942 = vector.broadcast %ge3A : i32 to vector<16xi32>
      %ge3A_943 = arith.cmpi sge, %get3A_941, %ge3A_942 : vector<16xi32>
      %lt3A = arith.constant 840 : i32
      %lt3A_944 = vector.broadcast %lt3A : i32 to vector<16xi32>
      %lt3A_945 = arith.cmpi slt, %get3A_941, %lt3A_944 : vector<16xi32>
      %and3A = arith.andi %ge3A_943, %lt3A_945 : vector<16xi1>
      %sub3A = arith.constant 800 : i32
      %sub3A_946 = vector.broadcast %sub3A : i32 to vector<16xi32>
      %sub3A_947 = arith.subi %get3A_941, %sub3A_946 : vector<16xi32>
      %broadcast_in_dim3A_948 = arith.constant 0.000000e+00 : f32
      %broadcast_in_dim3A_949 = vector.broadcast %broadcast_in_dim3A_948 : f32 to vector<16xf32>
      %scatter3A = arith.constant 0 : i32
      %scatter3A_950 = arith.constant 0 : i32
      %scatter3A_951 = arith.constant 0 : i32
      %scatter3A_952 = tpu.memref_slice %arg5[%scatter3A, %scatter3A_950, %scatter3A_951] : memref<4x40x512xf32, #tpu.memory_space<vmem>> -> memref<1x40x512xf32, #tpu.memory_space<vmem>>
      %scatter3A_953 = tpu.memref_squeeze %scatter3A_952 : memref<1x40x512xf32, #tpu.memory_space<vmem>> -> memref<40x512xf32, #tpu.memory_space<vmem>>
      tpu.vector_store_idx %scatter3A_953[%sub3A_947, %add3A_937], %broadcast_in_dim3A_949 masked %and3A : memref<40x512xf32, #tpu.memory_space<vmem>>[vector<16xi32>, vector<16xi32>], vector<16xf32>, vector<16xi1>
    }
    %scan3A_861 = arith.constant 32 : i32
    %scan3A_862 = arith.constant 0 : i32
    %scan3A_863 = arith.constant 0 : i32
    %scan3A_864 = arith.constant 32 : i32
    %scan3A_865 = arith.addi %scan3A_863, %scan3A_864 : i32
    %scan3A_866 = arith.constant 1 : i32
    scf.for %scan3A_933 = %scan3A_863 to %scan3A_865 step %scan3A_866  : i32 {
      %mul3A_934 = arith.constant 16 : i32
      %mul3A_935 = arith.muli %scan3A_933, %mul3A_934 : i32
      %add3A_936 = vector.broadcast %mul3A_935 : i32 to vector<16xi32>
      %add3A_937 = arith.addi %add3A_936, %iota3A : vector<16xi32>
      %mul3A_938 = arith.constant 16 : i32
      %mul3A_939 = arith.muli %scan3A_933, %mul3A_938 : i32
      %multiple_of3A_940 = tpu.assume_multiple %mul3A_939, 16 : i32
      %get3A = arith.index_cast %multiple_of3A_940 : i32 to index
      %get3A_941 = tpu.vector_load %arg4[%get3A] {strides = array<i32>} : memref<512xi32, #tpu.memory_space<vmem>>, vector<16xi32>,
      %ge3A = arith.constant 960 : i32
      %ge3A_942 = vector.broadcast %ge3A : i32 to vector<16xi32>
      %ge3A_943 = arith.cmpi sge, %get3A_941, %ge3A_942 : vector<16xi32>
      %lt3A = arith.constant 1000 : i32
      %lt3A_944 = vector.broadcast %lt3A : i32 to vector<16xi32>
      %lt3A_945 = arith.cmpi slt, %get3A_941, %lt3A_944 : vector<16xi32>
      %and3A = arith.andi %ge3A_943, %lt3A_945 : vector<16xi1>
      %sub3A = arith.constant 960 : i32
      %sub3A_946 = vector.broadcast %sub3A : i32 to vector<16xi32>
      %sub3A_947 = arith.subi %get3A_941, %sub3A_946 : vector<16xi32>
      %broadcast_in_dim3A_948 = arith.constant 1.000000e+00 : f32
      %broadcast_in_dim3A_949 = vector.broadcast %broadcast_in_dim3A_948 : f32 to vector<16xf32>
      %scatter3A = arith.constant 0 : i32
      %scatter3A_950 = arith.constant 0 : i32
      %scatter3A_951 = arith.constant 0 : i32
      %scatter3A_952 = tpu.memref_slice %arg5[%scatter3A, %scatter3A_950, %scatter3A_951] : memref<4x40x512xf32, #tpu.memory_space<vmem>> -> memref<1x40x512xf32, #tpu.memory_space<vmem>>
      %scatter3A_953 = tpu.memref_squeeze %scatter3A_952 : memref<1x40x512xf32, #tpu.memory_space<vmem>> -> memref<40x512xf32, #tpu.memory_space<vmem>>
      tpu.vector_store_idx %scatter3A_953[%sub3A_947, %add3A_937], %broadcast_in_dim3A_949 masked %and3A : memref<40x512xf32, #tpu.memory_space<vmem>>[vector<16xi32>, vector<16xi32>], vector<16xf32>, vector<16xi1>
    }
    %scan3A_867 = arith.constant 32 : i32
    %dma_start3A_868 = arith.constant 0 : i32
    %dma_start3A_869 = arith.constant 0 : i32
    %dma_start3A_870 = arith.constant 0 : i32
    %dma_start3A_871 = tpu.memref_slice %arg5[%dma_start3A_868, %dma_start3A_869, %dma_start3A_870] : memref<4x40x512xf32, #tpu.memory_space<vmem>> -> memref<1x40x512xf32, #tpu.memory_space<vmem>>
    %dma_start3A_872 = tpu.memref_squeeze %dma_start3A_871 : memref<1x40x512xf32, #tpu.memory_space<vmem>> -> memref<40x512xf32, #tpu.memory_space<vmem>>
    %dma_start3A_873 = arith.constant 960 : i32
    %dma_start3A_874 = tpu.memref_slice %arg3[%dma_start3A_873, %multiple_of3A] : memref<1000x16384xf32, #tpu.memory_space<hbm>> -> memref<40x512xf32, #tpu.memory_space<hbm>>
    %dma_start3A_875 = arith.constant 960 : i32
    %dma_start3A_876 = tpu.memref_slice %arg3[%dma_start3A_875, %multiple_of3A] : memref<1000x16384xf32, #tpu.memory_space<hbm>> -> memref<40x512xf32, #tpu.memory_space<hbm>>
    %dma_start3A_877 = arith.constant 0 : i32
    %dma_start3A_878 = arith.constant 0 : i32
    %dma_start3A_879 = tpu.memref_slice %arg5[%dma_start3A_868, %dma_start3A_877, %dma_start3A_878] : memref<4x40x512xf32, #tpu.memory_space<vmem>> -> memref<1x40x512xf32, #tpu.memory_space<vmem>>
    %dma_start3A_880 = tpu.memref_squeeze %dma_start3A_879 : memref<1x40x512xf32, #tpu.memory_space<vmem>> -> memref<40x512xf32, #tpu.memory_space<vmem>>
    tpu.enqueue_dma source(%dma_start3A_880 : memref<40x512xf32, #tpu.memory_space<vmem>>) target(%dma_start3A_876 : memref<40x512xf32, #tpu.memory_space<hbm>>) target_semaphore(%arg6 : memref<!tpu.dma_semaphore, #tpu.memory_space<semaphore_mem>>)
    %dma_wait3A_881 = arith.constant 1 : i32
    %dma_wait3A_882 = arith.constant 0 : i32
    %dma_wait3A_883 = arith.constant 0 : i32
    %dma_wait3A_884 = tpu.memref_slice %arg5[%dma_wait3A_881, %dma_wait3A_882, %dma_wait3A_883] : memref<4x40x512xf32, #tpu.memory_space<vmem>> -> memref<1x40x512xf32, #tpu.memory_space<vmem>>
    %dma_wait3A_885 = tpu.memref_squeeze %dma_wait3A_884 : memref<1x40x512xf32, #tpu.memory_space<vmem>> -> memref<40x512xf32, #tpu.memory_space<vmem>>
    %dma_wait3A_886 = arith.constant 840 : i32
    %dma_wait3A_887 = tpu.memref_slice %arg3[%dma_wait3A_886, %multiple_of3A] : memref<1000x16384xf32, #tpu.memory_space<hbm>> -> memref<40x512xf32, #tpu.memory_space<hbm>>
    %dma_wait3A_888 = arith.constant 840 : i32
    %dma_wait3A_889 = tpu.memref_slice %arg3[%dma_wait3A_888, %multiple_of3A] : memref<1000x16384xf32, #tpu.memory_space<hbm>> -> memref<40x512xf32, #tpu.memory_space<hbm>>
    %dma_wait3A_890 = arith.constant 0 : i32
    %dma_wait3A_891 = arith.constant 0 : i32
    %dma_wait3A_892 = tpu.memref_slice %arg5[%dma_wait3A_881, %dma_wait3A_890, %dma_wait3A_891] : memref<4x40x512xf32, #tpu.memory_space<vmem>> -> memref<1x40x512xf32, #tpu.memory_space<vmem>>
    %dma_wait3A_893 = tpu.memref_squeeze %dma_wait3A_892 : memref<1x40x512xf32, #tpu.memory_space<vmem>> -> memref<40x512xf32, #tpu.memory_space<vmem>>
    tpu.wait_dma2 semaphore(%arg6 : memref<!tpu.dma_semaphore, #tpu.memory_space<semaphore_mem>>) src(%dma_wait3A_893 : memref<40x512xf32, #tpu.memory_space<vmem>>) dst(%dma_wait3A_889 : memref<40x512xf32, #tpu.memory_space<hbm>>)
    %dma_wait3A_894 = arith.constant 2 : i32
    %dma_wait3A_895 = arith.constant 0 : i32
    %dma_wait3A_896 = arith.constant 0 : i32
    %dma_wait3A_897 = tpu.memref_slice %arg5[%dma_wait3A_894, %dma_wait3A_895, %dma_wait3A_896] : memref<4x40x512xf32, #tpu.memory_space<vmem>> -> memref<1x40x512xf32, #tpu.memory_space<vmem>>
    %dma_wait3A_898 = tpu.memref_squeeze %dma_wait3A_897 : memref<1x40x512xf32, #tpu.memory_space<vmem>> -> memref<40x512xf32, #tpu.memory_space<vmem>>
    %dma_wait3A_899 = arith.constant 880 : i32
    %dma_wait3A_900 = tpu.memref_slice %arg3[%dma_wait3A_899, %multiple_of3A] : memref<1000x16384xf32, #tpu.memory_space<hbm>> -> memref<40x512xf32, #tpu.memory_space<hbm>>
    %dma_wait3A_901 = arith.constant 880 : i32
    %dma_wait3A_902 = tpu.memref_slice %arg3[%dma_wait3A_901, %multiple_of3A] : memref<1000x16384xf32, #tpu.memory_space<hbm>> -> memref<40x512xf32, #tpu.memory_space<hbm>>
    %dma_wait3A_903 = arith.constant 0 : i32
    %dma_wait3A_904 = arith.constant 0 : i32
    %dma_wait3A_905 = tpu.memref_slice %arg5[%dma_wait3A_894, %dma_wait3A_903, %dma_wait3A_904] : memref<4x40x512xf32, #tpu.memory_space<vmem>> -> memref<1x40x512xf32, #tpu.memory_space<vmem>>
    %dma_wait3A_906 = tpu.memref_squeeze %dma_wait3A_905 : memref<1x40x512xf32, #tpu.memory_space<vmem>> -> memref<40x512xf32, #tpu.memory_space<vmem>>
    tpu.wait_dma2 semaphore(%arg6 : memref<!tpu.dma_semaphore, #tpu.memory_space<semaphore_mem>>) src(%dma_wait3A_906 : memref<40x512xf32, #tpu.memory_space<vmem>>) dst(%dma_wait3A_902 : memref<40x512xf32, #tpu.memory_space<hbm>>)
    %dma_wait3A_907 = arith.constant 3 : i32
    %dma_wait3A_908 = arith.constant 0 : i32
    %dma_wait3A_909 = arith.constant 0 : i32
    %dma_wait3A_910 = tpu.memref_slice %arg5[%dma_wait3A_907, %dma_wait3A_908, %dma_wait3A_909] : memref<4x40x512xf32, #tpu.memory_space<vmem>> -> memref<1x40x512xf32, #tpu.memory_space<vmem>>
    %dma_wait3A_911 = tpu.memref_squeeze %dma_wait3A_910 : memref<1x40x512xf32, #tpu.memory_space<vmem>> -> memref<40x512xf32, #tpu.memory_space<vmem>>
    %dma_wait3A_912 = arith.constant 920 : i32
    %dma_wait3A_913 = tpu.memref_slice %arg3[%dma_wait3A_912, %multiple_of3A] : memref<1000x16384xf32, #tpu.memory_space<hbm>> -> memref<40x512xf32, #tpu.memory_space<hbm>>
    %dma_wait3A_914 = arith.constant 920 : i32
    %dma_wait3A_915 = tpu.memref_slice %arg3[%dma_wait3A_914, %multiple_of3A] : memref<1000x16384xf32, #tpu.memory_space<hbm>> -> memref<40x512xf32, #tpu.memory_space<hbm>>
    %dma_wait3A_916 = arith.constant 0 : i32
    %dma_wait3A_917 = arith.constant 0 : i32
    %dma_wait3A_918 = tpu.memref_slice %arg5[%dma_wait3A_907, %dma_wait3A_916, %dma_wait3A_917] : memref<4x40x512xf32, #tpu.memory_space<vmem>> -> memref<1x40x512xf32, #tpu.memory_space<vmem>>
    %dma_wait3A_919 = tpu.memref_squeeze %dma_wait3A_918 : memref<1x40x512xf32, #tpu.memory_space<vmem>> -> memref<40x512xf32, #tpu.memory_space<vmem>>
    tpu.wait_dma2 semaphore(%arg6 : memref<!tpu.dma_semaphore, #tpu.memory_space<semaphore_mem>>) src(%dma_wait3A_919 : memref<40x512xf32, #tpu.memory_space<vmem>>) dst(%dma_wait3A_915 : memref<40x512xf32, #tpu.memory_space<hbm>>)
    %dma_wait3A_920 = arith.constant 0 : i32
    %dma_wait3A_921 = arith.constant 0 : i32
    %dma_wait3A_922 = arith.constant 0 : i32
    %dma_wait3A_923 = tpu.memref_slice %arg5[%dma_wait3A_920, %dma_wait3A_921, %dma_wait3A_922] : memref<4x40x512xf32, #tpu.memory_space<vmem>> -> memref<1x40x512xf32, #tpu.memory_space<vmem>>
    %dma_wait3A_924 = tpu.memref_squeeze %dma_wait3A_923 : memref<1x40x512xf32, #tpu.memory_space<vmem>> -> memref<40x512xf32, #tpu.memory_space<vmem>>
    %dma_wait3A_925 = arith.constant 960 : i32
    %dma_wait3A_926 = tpu.memref_slice %arg3[%dma_wait3A_925, %multiple_of3A] : memref<1000x16384xf32, #tpu.memory_space<hbm>> -> memref<40x512xf32, #tpu.memory_space<hbm>>
    %dma_wait3A_927 = arith.constant 960 : i32
    %dma_wait3A_928 = tpu.memref_slice %arg3[%dma_wait3A_927, %multiple_of3A] : memref<1000x16384xf32, #tpu.memory_space<hbm>> -> memref<40x512xf32, #tpu.memory_space<hbm>>
    %dma_wait3A_929 = arith.constant 0 : i32
    %dma_wait3A_930 = arith.constant 0 : i32
    %dma_wait3A_931 = tpu.memref_slice %arg5[%dma_wait3A_920, %dma_wait3A_929, %dma_wait3A_930] : memref<4x40x512xf32, #tpu.memory_space<vmem>> -> memref<1x40x512xf32, #tpu.memory_space<vmem>>
    %dma_wait3A_932 = tpu.memref_squeeze %dma_wait3A_931 : memref<1x40x512xf32, #tpu.memory_space<vmem>> -> memref<40x512xf32, #tpu.memory_space<vmem>>
    tpu.wait_dma2 semaphore(%arg6 : memref<!tpu.dma_semaphore, #tpu.memory_space<semaphore_mem>>) src(%dma_wait3A_932 : memref<40x512xf32, #tpu.memory_space<vmem>>) dst(%dma_wait3A_928 : memref<40x512xf32, #tpu.memory_space<hbm>>)
    return
  }
}

</mosaic_0001>

<sc_bundles>
// kernel: _one_hot_sc.3.cloned.1.call-start
scs
__scs_entry_jumppad:
0x0: {  	(pc) =	sbr.rel $0x88, $3  }
0x1: {  	(tag) =	ssettag $0x0;
	lr =	simm.s32 $0x1  }
0x2: {  	[smem:$0x3FA0] =	sst lr;
	_ =	strace $0xD0000000  }
0x3: {  	_ = 	snop  }
0x4: {  	_ = 	snop  }
0x5: {  	_ = 	snop  }
0x6: {  	_ = 	snop  }
0x7: {  	_ = 	snop  }
__scs_overlays_trampoline_lowered:
0x8: {  	[smem:$0x3FAF] =	sst s0  }
0x9: {  	[smem:$0x3FB0] =	sst s1  }
0xa: {  	[smem:$0x3FB1] =	sst s2  }
0xb: {  	[smem:$0x3FB2] =	sst s3  }
0xc: {  	[smem:$0x3FB3] =	sst s4  }
0xd: {  	[smem:$0x3FB4] =	sst s5  }
0xe: {  	[smem:$0x3FB5] =	sst s6  }
0xf: {  	[smem:$0x3FB6] =	sst s7  }
0x10: {  	[smem:$0x3FB7] =	sst s8  }
0x11: {  	[smem:$0x3FB8] =	sst s9;
	s0 =	simm.s32 @!p0 $0x0  }
0x12: {  	s1 =	sld [smem:$0x3F9E];
	s0 =	simm.s32 @p0 $0x1  }
0x13: {  	[smem:$0x3FB9] =	sst s0;
	s0 =	simm.s32 @!p1 $0x0  }
0x14: {  	s2 =	sld [smem:$0x3F9D];
	s0 =	simm.s32 @p1 $0x1  }
0x15: {  	[smem:$0x3FBA] =	sst s0;
	s0 =	simm.s32 @!p2 $0x0  }
0x16: {  	s3 =	sld [smem:$0x3FDB];
	s0 =	simm.s32 @p2 $0x1  }
0x17: {  	s4 =	simm.s32 $0x1BF5;
	[smem:$0x3FBC] =	sst s0  }
0x18: {  	s0 =	sld [smem:$0x3F9F];
	_ =	swait.ge [sflag:s4], $0x0  }
0x19: {  	s7 =	sld [smem:$0x3FA0]  }
0x1a: {  	s8 =	sadd.s32 $0xFFFFE003, lr  }
0x1b: {  	s9 =	sadd.s32 $0xFFFFFEF7, lr;
	s5 =	simm.s32 $0xFFFFFFFF;
	p2 =	slt.u32 s8, $0xFFFFF086  }
0x1c: {  	p1 =	slt.u32 s9, $0xF7A;
	s5 =	simm.s32 @!p2 $0x0  }
0x1d: {  	s5 =	simm.s32 @p1 $0x1;
	p0 =	seq.s32 s7, s2  }
0x1e: {  	s7 =	smul.u32 @!p0 $0xF7A, s2;
	p2 =	seq.s32 @!p0 s5, $0x0  }
0x1f: {  	s9 =	smul.u32 $0xF7A, s1;
	s8 =	simm.s32 @!p0 $0x1BF5;
	p2 =	por !p2, p0  }
0x20: {  	[sflag:s8] =	ssyncset.s32 @!p0 $0xFFFFF086;
	s6 =	sadd.s32 @!p0 s3, s7;
	s7 =	simm.s32 @!p0 $0x108  }
0x21: {  	s3 =	sadd.s32 s3, s9;
	s6 =	sadd.s32 @!p0 $0x88, s6;
	s7 =	simm.s32 @p2 $0x1082  }
0x22: {  	[simem:s7], [sflag:s8] =	dma.local @!p0 [hbm:s6], $0xF7A  }
0x23: {  	s9 =	sor.u32 $0xD0000000, s2;
	s6 =	simm.s32 $0x108;
	_ =	swait.ge @!p0 [sflag:s8], $0x0  }
0x24: {  	s3 =	sadd.s32 $0x88, s3;
	s6 =	simm.s32 @!p1 $0x1082;
	[sflag:s4] =	ssyncset.s32 $0xFFFFF086  }
0x25: {  	[simem:s6], [sflag:s4] =	dma.local [hbm:s3], $0xF7A  }
0x26: {  	[smem:$0x3FA0] =	sst s1;
	(tag) =	ssettag s2;
	_ =	strace s9  }
0x27: {  	s1 =	sld [smem:$0x3FB0]  }
0x28: {  	s2 =	sld [smem:$0x3FB1]  }
0x29: {  	s4 =	sld [smem:$0x3FB3]  }
0x2a: {  	p0 =	seq.s32 s5, $0x0;
	s5 =	sld [smem:$0x3FB4]  }
0x2b: {  	s6 =	sld [smem:$0x3FB5]  }
0x2c: {  	s7 =	sld [smem:$0x3FB6]  }
0x2d: {  	s3 =	simm.s32 $0x108;
	s8 =	sld [smem:$0x3FB7]  }
0x2e: {  	s3 =	simm.s32 @!p0 $0x1082;
	s9 =	sld [smem:$0x3FB8]  }
0x2f: {  	lr =	sadd.s32 s0, s3;
	s0 =	sld [smem:$0x3FAF]  }
0x30: {  	s3 =	sld [smem:$0x3FB2]  }
0x31: {  	[smem:$0x3FBB] =	sst s10  }
0x32: {  	s10 =	sld [smem:$0x3FB9];
	_ =	sdelay $0x3  }
0x33: {  	p0 =	seq.s32 s10, $0x1;
	s10 =	sld [smem:$0x3FBB];
	_ =	sdelay $0x3  }
0x34: {  	[smem:$0x3FBB] =	sst s10  }
0x35: {  	s10 =	sld [smem:$0x3FBA];
	_ =	sdelay $0x3  }
0x36: {  	p1 =	seq.s32 s10, $0x1;
	s10 =	sld [smem:$0x3FBB];
	_ =	sdelay $0x3  }
0x37: {  	[smem:$0x3FBB] =	sst s10  }
0x38: {  	s10 =	sld [smem:$0x3FBC]  }
0x39: {  	_ = 	snop;
	(pc) =	sbr.ind lr, $3  }
0x3a: {  	_ = 	snop  }
0x3b: {  	_ = 	snop  }
0x3c: {  	p2 =	seq.s32 s10, $0x1;
	s10 =	sld [smem:$0x3FBB]  }
0x3d: {  	_ =	shalt  }
0x3e: {  	_ =	shalt  }
0x3f: {  	_ =	shalt  }
0x40: {  	_ =	shalt  }
0x41: {  	_ =	shalt  }
0x42: {  	_ =	shalt  }
0x43: {  	_ =	shalt  }
0x44: {  	_ =	shalt  }
0x45: {  	_ =	shalt  }
0x46: {  	_ =	shalt  }
0x47: {  	_ =	shalt  }
0x48: {  	_ =	shalt  }
0x49: {  	_ =	shalt  }
0x4a: {  	_ =	shalt  }
0x4b: {  	_ =	shalt  }
0x4c: {  	_ =	shalt  }
0x4d: {  	_ =	shalt  }
0x4e: {  	_ =	shalt  }
0x4f: {  	_ =	shalt  }
0x50: {  	_ =	shalt  }
0x51: {  	_ =	shalt  }
0x52: {  	_ =	shalt  }
0x53: {  	_ =	shalt  }
0x54: {  	_ =	shalt  }
0x55: {  	_ =	shalt  }
0x56: {  	_ =	shalt  }
0x57: {  	_ =	shalt  }
0x58: {  	_ =	shalt  }
0x59: {  	_ =	shalt  }
0x5a: {  	_ =	shalt  }
0x5b: {  	_ =	shalt  }
0x5c: {  	_ =	shalt  }
0x5d: {  	_ =	shalt  }
0x5e: {  	_ =	shalt  }
0x5f: {  	_ =	shalt  }
0x60: {  	_ =	shalt  }
0x61: {  	_ =	shalt  }
0x62: {  	_ =	shalt  }
0x63: {  	_ =	shalt  }
0x64: {  	_ =	shalt  }
0x65: {  	_ =	shalt  }
0x66: {  	_ =	shalt  }
0x67: {  	_ =	shalt  }
0x68: {  	_ =	shalt  }
0x69: {  	_ =	shalt  }
0x6a: {  	_ =	shalt  }
0x6b: {  	_ =	shalt  }
0x6c: {  	_ =	shalt  }
0x6d: {  	_ =	shalt  }
0x6e: {  	_ =	shalt  }
0x6f: {  	_ =	shalt  }
0x70: {  	_ =	shalt  }
0x71: {  	_ =	shalt  }
0x72: {  	_ =	shalt  }
0x73: {  	_ =	shalt  }
0x74: {  	_ =	shalt  }
0x75: {  	_ =	shalt  }
0x76: {  	_ =	shalt  }
0x77: {  	_ =	shalt  }
0x78: {  	_ =	shalt  }
0x79: {  	_ =	shalt  }
0x7a: {  	_ =	shalt  }
0x7b: {  	_ =	shalt  }
0x7c: {  	_ =	shalt  }
0x7d: {  	_ =	shalt  }
0x7e: {  	_ =	shalt  }
0x7f: {  	_ =	shalt  }
0x80: {  	_ =	shalt  }
0x81: {  	_ =	shalt  }
0x82: {  	_ =	shalt  }
0x83: {  	_ =	shalt  }
0x84: {  	_ =	shalt  }
0x85: {  	_ =	shalt  }
0x86: {  	_ =	shalt  }
0x87: {  	_ =	shalt  }
.Lfunc_end0:
.L_simem_size_0:
called_computation_lowered:
.L_overlay_start_0:
0x88: {  	s2 =	sld [smem:$0x3FD9]  }
0x89: {  	s3 =	sld [smem:$0x3FFE];
	_ =	sdelay $0x1  }
0x8a: {  	s1 =	srdreg.scid  }
0x8b: {  	s0 =	sand.u32 $0x1, s1  }
0x8c: {  	s17 =	sshll.u32 s0, $0xA;
	s2 =	sadd.s32 s3, s2  }
0x8d: {  	s2 =	sadd.s32 s2, s17  }
0x8e: {  	[smem:$0x3FC7] =	sst s2  }
0x8f: {  	_ = 	snop  }
0x90: {  	s2 =	sld [smem:$0x3FC9];
	(tm) =	ssettm $0x1  }
0x91: {  	s18 =	sld [smem:$0x3FFB];
	_ =	sdelay $0x3  }
0x92: {  	_ =	strace s18  }
0x93: {  	s3 =	sld [smem:$0x3FFC];
	_ =	sdelay $0x3  }
0x94: {  	_ =	strace s3  }
0x95: {  	s3 =	sld [smem:$0x3FFD];
	_ =	sdelay $0x3  }
0x96: {  	_ =	strace s3  }
0x97: {  	_ =	strace $0x8FFFFFFF  }
0x98: {  	s19 =	sld [smem:$0x3FDB];
	_ =	sdelay $0x1  }
0x99: {  	s4 =	simm.s32 $_scs_section_size  }
0x9a: {  	s5 =	simm.s32 $_size__tile_overlayer_lowered;
	s6 =	simm.s32 $_tile_overlayer_lowered  }
0x9b: {  	s22 =	simm.s32 $0x1BFF;
	s21 =	sshll.u32 s6, $0x1;
	s3 =	sadd.s32 s4, s19  }
0x9c: {  	s7 =	simm.s32 $0x0;
	s20 =	sshll.u32 s5, $0x1;
	s5 =	sadd.s32 s21, s3  }
0x9d: {  	[timem:s7], [sflag:s22] =	dma.local [hbm:s5], s20  }
0x9e: {  	_ =	swait.ge [sflag:s22], s20  }
0x9f: {  	s4 =	ssub.s32 $0x0, s20;
	[sflag:s22] =	ssyncset.done $0x0  }
0xa0: {  	[sflag:s22] =	ssyncadd.s32 s4;
	_ =	sdelay $0x1  }
0xa1: {  	s23 =	simm.s32 $0x1B8B  }
0xa2: {  	_ =	swait.ge [sflag:s23], $0x1  }
0xa3: {  	[sflag:s23] =	ssyncset.done $0x0  }
0xa4: {  	s25 =	simm.s32 $0x1B8E;
	s24 =	sld [smem:$0x3FFE];
	[sflag:s23] =	ssyncadd.s32 $0xFFFFFFFF  }
0xa5: {  	s26 =	simm.s32 $execute0_lowered;
	[smem:$0x3FD2] =	sst s25  }
0xa6: {  	s5 =	sshll.u32 s26, $0x1;
	_ =	strace $0x80000046;
	[dreg:$0x1] =	wrdreg $0xFFFFFFFF  }
0xa7: {  	s28 =	simm.s32 $_size_execute0_lowered;
	s3 =	sadd.s32 s3, s5;
	[dreg:$0x0] =	wrdreg $0x0  }
0xa8: {  	s5 =	sshll.u32 s28, $0x1;
	[dreg:$0x2] =	wrdreg s3  }
0xa9: {  	[dreg:$0x3] =	wrdreg s5  }
0xaa: {  	[dreg:$0x4] =	wrdreg $0xC0  }
0xab: {  	_ =	task [dreg:s7], $0x5FFFF  }
0xac: {  	[dreg:$0x1] =	wrdreg $0xFFFFFFFF  }
0xad: {  	[dreg:$0x0] =	wrdreg $0x60  }
0xae: {  	[dreg:$0x2] =	wrdreg s2  }
0xaf: {  	[dreg:$0x3] =	wrdreg s24  }
0xb0: {  	[dreg:$0x4] =	wrdreg $0x9  }
0xb1: {  	_ =	task.clear_ibuf [dreg:s7], $0x5FFFF;
	_ =	strace $0x90000046  }
0xb2: {  	s29 =	simm.s32 $0x9;
	_ =	strace $0x80000048  }
0xb3: {  	_ =	swait.ge [sflag:s29], $0x1  }
0xb4: {  	[sflag:s29] =	ssyncadd.s32 $0xFFFFFFFF  }
0xb5: {  	_ =	strace $0x90000048  }
0xb6: {  	_ =	sfence  }
0xb7: {  	s30 =	sld [smem:$0x0];
	_ =	sdelay $0x2  }
0xb8: {  	s31 =	sshll.u32 s1, $0xD;
	s1 =	sshrl.u32 s1, $0x2  }
0xb9: {  	s3 =	sand.u32 $0x4000, s31;
	s1 =	sadd.s32 s1, s30  }
0xba: {  	s0 =	sor.u32 s3, s0;
	s1 =	sshll.u32 s1, $0x11  }
0xbb: {  	s0 =	sor.u32 s1, s0  }
0xbc: {  	s0 =	sadd.s32 $0x8F2B, s0  }
0xbd: {  	[sflag:s0] =	ssyncadd.remote.s32 $0x1  }
0xbe: {  	_ =	sfence.sel $0xFFFF  }
0xbf: {  	[dreg:$0x0] =	wrdreg $0xFFFFFFFF;
	(pc) =	sbr.abs _section_cstart, $3  }
0xc0: {  	[dreg:$0x1] =	wrdreg $0xFFFFFFFF  }
0xc1: {  	_ =	task.clear_ibuf [dreg:s7], $0x2FFFF;
	_ =	strace $0x9FFFFFFF  }
0xc2: {  	(tm) =	ssettm $0x7FFFFFFF  }
0xc3: {  	_ =	shalt  }
tec
execute0_lowered:
.L_overlay_start_1:
0x0: {  	(tag) =	ssettag $0x1  }
0x1: {  	s0 =	srdreg.scid;
	s1 =	rddreg [dreg:$0x0]  }
0x2: {  	s3 =	stileid.u32;
	s2 =	rddreg [dreg:$0x1]  }
0x3: {  	s5 =	simm.s32 $0x0;
	s31 =	simm.s32 $0x2;
	s6 =	simm.s32 $0x0  }
0x4: {  	s0 =	sand.u32 $0x1, s0;
	s3 =	sshll.u32 s3, $0x7;
	[smem:$0x7FF] =	sst s5  }
0x5: {  	s5 =	simm.s32 $0x1;
	s4 =	sshll.u32 s0, $0x6;
	s0 =	ssub.s32 $0x2, s0  }
0x6: {  	_ =	strace $0x80000047;
	s3 =	sor.u32 s4, s3;
	s26 =	sshrl.u32 s0, $0x1  }
0x7: {  	v2 =	vlaneseq.u32;
	s4 =	simm.s32 $0xF200;
	s2 =	sadd.s32 s3, s2;
	s0 =	ssub.s32 s0, s26  }
0x8: {  	v0 =	vshrl.u32 v2, $0x3;
	s18 =	sadd.s32 $0x14400, s2;
	s19 =	sadd.s32 $0x28400, s2;
	s20 =	sadd.s32 $0x3C400, s2  }
0x9: {  	v0 =	vmul.u32 $0x8, v0;
	s21 =	sadd.s32 $0x50400, s2;
	s22 =	sadd.s32 $0x64400, s2;
	s23 =	sadd.s32 $0x78400, s2  }
0xa: {  	s24 =	sadd.s32 $0x8C400, s2;
	s25 =	sadd.s32 $0xA0400, s2;
	[dreg:$0x3] =	wrdreg s18  }
0xb: {  	v3 =	vor.u32 $0xFFFFB000, v0;
	v4 =	vor.u32 $0xFFFF6000, v0;
	s11 =	sadd.s32 $0x104400, s2;
	s12 =	sadd.s32 $0x118400, s2;
	[dreg:$0x4] =	wrdreg s19  }
0xc: {  	v5 =	vor.u32 $0xFFFF1000, v0;
	v6 =	vor.u32 $0xFFFEC000, v0;
	s13 =	sadd.s32 $0x12C400, s2;
	s14 =	sadd.s32 $0x140400, s2;
	[dreg:$0x5] =	wrdreg s20  }
0xd: {  	v7 =	vor.u32 $0xFFFE7000, v0;
	v8 =	vor.u32 $0xFFFE2000, v0;
	s15 =	sadd.s32 $0x154400, s2;
	s16 =	sadd.s32 $0x168400, s2;
	[dreg:$0x6] =	wrdreg s21  }
0xe: {  	v9 =	vor.u32 $0xFFFDD000, v0;
	v10 =	vor.u32 $0xFFFD8000, v0;
	v11 =	vor.u32 $0xFFFD3000, v0;
	s17 =	sadd.s32 $0xB4400, s2;
	s26 =	sadd.s32 $0x400, s2;
	[dreg:$0x7] =	wrdreg s22  }
0xf: {  	v12 =	vor.u32 $0xFFFCE000, v0;
	v14 =	vor.u32 $0xFFFC9000, v0;
	v15 =	vor.u32 $0xFFFC4000, v0;
	s28 =	sadd.s32 $0xF0400, s2;
	s29 =	sadd.s32 $0x1E0400, s2;
	[dreg:$0x8] =	wrdreg s23  }
0x10: {  	v16 =	vor.u32 $0xFFFBF000, v0;
	v17 =	vor.u32 $0xFFFBA000, v0;
	v18 =	vor.u32 $0xFFFB5000, v0;
	s30 =	smax.u32 s0, $0x1;
	s0 =	simm.s32 $0x4000;
	[dreg:$0x9] =	wrdreg s24  }
0x11: {  	v1 =	vimm.f32 $0.0e+00;
	v19 =	vor.u32 $0xFFFB0000, v0;
	v20 =	vor.u32 $0xFFFAB000, v0;
	[dreg:$0xa] =	wrdreg s25;
	s18 =	sadd.s32 $0x17C400, s2;
	s20 =	sadd.s32 $0x190400, s2  }
0x12: {  	v13 =	vimm.f32 $1.000000000e+00;
	v21 =	vor.u32 $0xFFFA6000, v0;
	v22 =	vor.u32 $0xFFFA1000, v0;
	s19 =	sadd.s32 $0xC8400, s2;
	s21 =	sadd.s32 $0xDC400, s2;
	s22 =	sadd.s32 $0x1A4400, s2  }
0x13: {  	v2 =	vand.u32 $0x7, v2;
	v23 =	vor.u32 $0xFFF9C000, v0;
	v24 =	vor.u32 $0xFFF97000, v0;
	s23 =	sadd.s32 s1, s3;
	s24 =	sadd.s32 $0x1B8400, s2;
	s25 =	sadd.s32 $0x1CC400, s2  }
0x14: {  	v25 =	vor.u32 $0xFFF92000, v0;
	v26 =	vor.u32 $0xFFF8D000, v0;
	v27 =	vor.u32 $0xFFF88000, v0;
	s1 =	simm.s32 $0x200;
	s2 =	simm.s32 $0x5200;
	s3 =	simm.s32 $0xA200  }
.LBB2_1:
0x15: {  	s7 =	simm.s32 $0x0  }
0x16: {  	s8 =	simm.s32 $0x10;
	s7 =	sand.u32 $0x7FF0, s7  }
.LBB2_2:
0x17: {  	p0 =	sne.s32 s8, $0x4FF0;
	[tilespmem:s7+$0xF200] =	vst v1;
	s9 =	smov.u32 s8;
	s8 =	sadd.s32 $0x10, s8  }
.Ltmp0:
0x18: {  	[tilespmem:s7+$0xA200] =	vst v1;
	(pc) =	sbr.rel @p0 .LBB2_2-.Ltmp0, $3  }
0x19: {  	[tilespmem:s7+$0x200] =	vst v1  }
0x1a: {  	[tilespmem:s7+$0x5200] =	vst v1;
	_ =	sdelay $0x1  }
0x1b: {  	s7 =	sand.u32 $0x7FF0, s9  }
0x1c: {  	[tilespmem:s7+$0xF200] =	vst v1  }
0x1d: {  	[tilespmem:s7+$0xA200] =	vst v1  }
0x1e: {  	[tilespmem:s7+$0x200] =	vst v1  }
0x1f: {  	[tilespmem:s7+$0x5200] =	vst v1;
	s7 =	simm.s32 $0x0  }
0x20: {  	[tilespmem:s7], [sflag:$0x2] =	stream.linear.gather [hbm4b:s23+s7], $0x200, $0x38;
	[tilespmem:$0x14200] =	vst v63  }
0x21: {  	_ =	swait.ge [sflag:s31], $0x200  }
0x22: {  	[sflag:s31] =	ssyncset.done $0x0  }
0x23: {  	[sflag:s31] =	ssyncadd.s32 $0xFFFFFE00  }
0x24: {  	s8 =	simm.s32 $0x10;
	s9 =	simm.s32 $0x0;
	v28 =	vld [tilespmem:s7+$0x0]  }
.LBB2_4:
0x25: {  	p0 =	sne.s32 s8, $0x1F0;
	_ =	sdelay $0x3  }
0x26: {  	v29 =	vshll.u32 v28, $0x9  }
0x27: {  	v29 =	vadd.s32 s7, v29;
	s7 =	smov.u32 s8  }
0x28: {  	vm0 =	vlt.u32 v28, $0x28;
	v28 =	vadd.s32 v2, v29  }
0x29: {  	v28 =	vadd.s32 v0, v28;
	_ =	sdelay $0x1  }
.Ltmp1:
0x2a: {  	(pc) =	sbr.rel @p0 .LBB2_4-.Ltmp1, $3  }
0x2b: {  	_ =	sdelay $0x1  }
0x2c: {  	s9 =	sadd.s32 $0x10, s9;
	[tilespmem:v28+s1+$0x0] =	vst.idx.msk vm0, v13  }
0x2d: {  	s8 =	sadd.s32 $0x10, s8;
	v28 =	vld [tilespmem:s9+$0x0]  }
0x2e: {  	_ =	sdelay $0x3  }
0x2f: {  	v29 =	vshll.u32 v28, $0x9  }
0x30: {  	v29 =	vadd.s32 s7, v29  }
0x31: {  	vm0 =	vlt.u32 v28, $0x28;
	v28 =	vadd.s32 v2, v29  }
0x32: {  	v28 =	vadd.s32 v0, v28;
	_ =	sdelay $0x4  }
0x33: {  	s7 =	simm.s32 $0x0;
	[tilespmem:v28+s1+$0x0] =	vst.idx.msk vm0, v13  }
0x34: {  	[hbm4b:s26+s1] =	stream.strided.scatter [tilespmem:s1], [sflag:$0x1], $0x5000, s0, s1, $0x38;
	[tilespmem:$0x14200] =	vst v63  }
0x35: {  	s8 =	simm.s32 $0x10;
	s9 =	simm.s32 $0x0;
	v28 =	vld [tilespmem:s7+$0x0]  }
.LBB2_6:
0x36: {  	p0 =	sne.s32 s8, $0x1F0;
	_ =	sdelay $0x3  }
0x37: {  	v29 =	vshll.u32 v28, $0x9  }
0x38: {  	v28 =	vadd.s32 $0xFFFFFFD8, v28;
	v29 =	vadd.s32 s7, v29;
	s7 =	smov.u32 s8  }
0x39: {  	vm0 =	vlt.u32 v28, $0x28;
	v28 =	vadd.s32 v3, v29  }
0x3a: {  	v28 =	vor.u32 v2, v28;
	_ =	sdelay $0x1  }
.Ltmp2:
0x3b: {  	(pc) =	sbr.rel @p0 .LBB2_6-.Ltmp2, $3  }
0x3c: {  	_ =	sdelay $0x1  }
0x3d: {  	s9 =	sadd.s32 $0x10, s9;
	[tilespmem:v28+s2+$0x0] =	vst.idx.msk vm0, v13  }
0x3e: {  	s8 =	sadd.s32 $0x10, s8;
	v28 =	vld [tilespmem:s9+$0x0]  }
0x3f: {  	_ =	sdelay $0x3  }
0x40: {  	v29 =	vshll.u32 v28, $0x9  }
0x41: {  	v28 =	vadd.s32 $0xFFFFFFD8, v28;
	v29 =	vadd.s32 s7, v29  }
0x42: {  	vm0 =	vlt.u32 v28, $0x28;
	v28 =	vadd.s32 v3, v29  }
0x43: {  	v28 =	vor.u32 v2, v28;
	_ =	sdelay $0x4  }
0x44: {  	s10 =	rddreg [dreg:$0x3];
	s7 =	simm.s32 $0x0;
	[tilespmem:v28+s2+$0x0] =	vst.idx.msk vm0, v13  }
0x45: {  	[hbm4b:s10+s1] =	stream.strided.scatter [tilespmem:s2], [sflag:$0x1], $0x5000, s0, s1, $0x38;
	[tilespmem:$0x14200] =	vst v63  }
0x46: {  	s8 =	simm.s32 $0x10;
	s9 =	simm.s32 $0x0;
	v28 =	vld [tilespmem:s7+$0x0]  }
.LBB2_8:
0x47: {  	p0 =	sne.s32 s8, $0x1F0;
	_ =	sdelay $0x3  }
0x48: {  	v29 =	vshll.u32 v28, $0x9  }
0x49: {  	v28 =	vadd.s32 $0xFFFFFFB0, v28;
	v29 =	vadd.s32 s7, v29;
	s7 =	smov.u32 s8  }
0x4a: {  	vm0 =	vlt.u32 v28, $0x28;
	v28 =	vadd.s32 v4, v29  }
0x4b: {  	v28 =	vor.u32 v2, v28;
	_ =	sdelay $0x1  }
.Ltmp3:
0x4c: {  	(pc) =	sbr.rel @p0 .LBB2_8-.Ltmp3, $3  }
0x4d: {  	_ =	sdelay $0x1  }
0x4e: {  	s9 =	sadd.s32 $0x10, s9;
	[tilespmem:v28+s3+$0x0] =	vst.idx.msk vm0, v13  }
0x4f: {  	s8 =	sadd.s32 $0x10, s8;
	v28 =	vld [tilespmem:s9+$0x0]  }
0x50: {  	_ =	sdelay $0x3  }
0x51: {  	v29 =	vshll.u32 v28, $0x9  }
0x52: {  	v28 =	vadd.s32 $0xFFFFFFB0, v28;
	v29 =	vadd.s32 s7, v29  }
0x53: {  	vm0 =	vlt.u32 v28, $0x28;
	v28 =	vadd.s32 v4, v29  }
0x54: {  	v28 =	vor.u32 v2, v28;
	_ =	sdelay $0x4  }
0x55: {  	s10 =	rddreg [dreg:$0x4];
	s7 =	simm.s32 $0x0;
	[tilespmem:v28+s3+$0x0] =	vst.idx.msk vm0, v13  }
0x56: {  	[hbm4b:s10+s1] =	stream.strided.scatter [tilespmem:s3], [sflag:$0x1], $0x5000, s0, s1, $0x38;
	[tilespmem:$0x14200] =	vst v63  }
0x57: {  	s8 =	simm.s32 $0x10;
	s9 =	simm.s32 $0x0;
	v28 =	vld [tilespmem:s7+$0x0]  }
.LBB2_10:
0x58: {  	p0 =	sne.s32 s8, $0x1F0;
	_ =	sdelay $0x3  }
0x59: {  	v29 =	vshll.u32 v28, $0x9  }
0x5a: {  	v28 =	vadd.s32 $0xFFFFFF88, v28;
	v29 =	vadd.s32 s7, v29;
	s7 =	smov.u32 s8  }
0x5b: {  	vm0 =	vlt.u32 v28, $0x28;
	v28 =	vadd.s32 v5, v29  }
0x5c: {  	v28 =	vor.u32 v2, v28;
	_ =	sdelay $0x1  }
.Ltmp4:
0x5d: {  	(pc) =	sbr.rel @p0 .LBB2_10-.Ltmp4, $3  }
0x5e: {  	_ =	sdelay $0x1  }
0x5f: {  	s9 =	sadd.s32 $0x10, s9;
	[tilespmem:v28+s4+$0x0] =	vst.idx.msk vm0, v13  }
0x60: {  	s8 =	sadd.s32 $0x10, s8;
	v28 =	vld [tilespmem:s9+$0x0]  }
0x61: {  	_ =	sdelay $0x3  }
0x62: {  	v29 =	vshll.u32 v28, $0x9  }
0x63: {  	v28 =	vadd.s32 $0xFFFFFF88, v28;
	v29 =	vadd.s32 s7, v29  }
0x64: {  	vm0 =	vlt.u32 v28, $0x28;
	v28 =	vadd.s32 v5, v29  }
0x65: {  	v28 =	vor.u32 v2, v28;
	_ =	sdelay $0x4  }
0x66: {  	s10 =	rddreg [dreg:$0x5];
	[tilespmem:v28+s4+$0x0] =	vst.idx.msk vm0, v13  }
0x67: {  	[hbm4b:s10+s1] =	stream.strided.scatter [tilespmem:s4], [sflag:$0x1], $0x5000, s0, s1, $0x38;
	[tilespmem:$0x14200] =	vst v63  }
0x68: {  	_ =	swait.ge [sflag:s5], $0x5000  }
0x69: {  	[sflag:s5] =	ssyncset.done $0x0  }
0x6a: {  	s7 =	simm.s32 $0x0;
	[sflag:s5] =	ssyncadd.s32 $0xFFFFB000  }
0x6b: {  	s9 =	simm.s32 $0x10;
	s8 =	simm.s32 $0x0;
	s10 =	simm.s32 $0x0;
	v28 =	vld [tilespmem:s7+$0x0]  }
.LBB2_12:
0x6c: {  	p0 =	sne.s32 s9, $0x1F0;
	_ =	sdelay $0x3  }
0x6d: {  	v29 =	vshll.u32 v28, $0x9  }
0x6e: {  	v29 =	vadd.s32 s8, v29;
	s8 =	smov.u32 s9  }
0x6f: {  	vm0 =	vlt.u32 v28, $0x28;
	v28 =	vadd.s32 v2, v29  }
0x70: {  	v28 =	vadd.s32 v0, v28;
	_ =	sdelay $0x1  }
.Ltmp5:
0x71: {  	(pc) =	sbr.rel @p0 .LBB2_12-.Ltmp5, $3  }
0x72: {  	_ =	sdelay $0x1  }
0x73: {  	s10 =	sadd.s32 $0x10, s10;
	[tilespmem:v28+s1+$0x0] =	vst.idx.msk vm0, v1  }
0x74: {  	s9 =	sadd.s32 $0x10, s9;
	v28 =	vld [tilespmem:s10+$0x0]  }
0x75: {  	_ =	sdelay $0x3  }
0x76: {  	v29 =	vshll.u32 v28, $0x9  }
0x77: {  	v29 =	vadd.s32 s8, v29  }
0x78: {  	vm0 =	vlt.u32 v28, $0x28;
	v28 =	vadd.s32 v2, v29  }
0x79: {  	v28 =	vadd.s32 v0, v28;
	_ =	sdelay $0x4  }
0x7a: {  	[tilespmem:v28+s1+$0x0] =	vst.idx.msk vm0, v1  }
0x7b: {  	s9 =	simm.s32 $0x0;
	s8 =	simm.s32 $0x10;
	v28 =	vld [tilespmem:s7+$0x0]  }
.LBB2_14:
0x7c: {  	p0 =	sne.s32 s8, $0x1F0;
	_ =	sdelay $0x3  }
0x7d: {  	v29 =	vshll.u32 v28, $0x9  }
0x7e: {  	v28 =	vadd.s32 $0xFFFFFF60, v28;
	v29 =	vadd.s32 s7, v29;
	s7 =	smov.u32 s8  }
0x7f: {  	vm0 =	vlt.u32 v28, $0x28;
	v28 =	vadd.s32 v6, v29  }
0x80: {  	v28 =	vor.u32 v2, v28;
	_ =	sdelay $0x1  }
.Ltmp6:
0x81: {  	(pc) =	sbr.rel @p0 .LBB2_14-.Ltmp6, $3  }
0x82: {  	_ =	sdelay $0x1  }
0x83: {  	s9 =	sadd.s32 $0x10, s9;
	[tilespmem:v28+s1+$0x0] =	vst.idx.msk vm0, v13  }
0x84: {  	s8 =	sadd.s32 $0x10, s8;
	v28 =	vld [tilespmem:s9+$0x0]  }
0x85: {  	_ =	sdelay $0x3  }
0x86: {  	v29 =	vshll.u32 v28, $0x9  }
0x87: {  	v28 =	vadd.s32 $0xFFFFFF60, v28;
	v29 =	vadd.s32 s7, v29  }
0x88: {  	vm0 =	vlt.u32 v28, $0x28;
	v28 =	vadd.s32 v6, v29  }
0x89: {  	v28 =	vor.u32 v2, v28;
	_ =	sdelay $0x4  }
0x8a: {  	s10 =	rddreg [dreg:$0x6];
	[tilespmem:v28+s1+$0x0] =	vst.idx.msk vm0, v13  }
0x8b: {  	[hbm4b:s10+s1] =	stream.strided.scatter [tilespmem:s1], [sflag:$0x1], $0x5000, s0, s1, $0x38;
	[tilespmem:$0x14200] =	vst v63  }
0x8c: {  	_ =	swait.ge [sflag:s5], $0x5000  }
0x8d: {  	[sflag:s5] =	ssyncset.done $0x0  }
0x8e: {  	s7 =	simm.s32 $0x0;
	[sflag:s5] =	ssyncadd.s32 $0xFFFFB000  }
0x8f: {  	s9 =	simm.s32 $0x10;
	s8 =	simm.s32 $0x0;
	s10 =	simm.s32 $0x0;
	v28 =	vld [tilespmem:s7+$0x0]  }
.LBB2_16:
0x90: {  	p0 =	sne.s32 s9, $0x1F0;
	_ =	sdelay $0x3  }
0x91: {  	v29 =	vshll.u32 v28, $0x9  }
0x92: {  	v28 =	vadd.s32 $0xFFFFFFD8, v28;
	v29 =	vadd.s32 s8, v29;
	s8 =	smov.u32 s9  }
0x93: {  	vm0 =	vlt.u32 v28, $0x28;
	v28 =	vadd.s32 v3, v29  }
0x94: {  	v28 =	vor.u32 v2, v28;
	_ =	sdelay $0x1  }
.Ltmp7:
0x95: {  	(pc) =	sbr.rel @p0 .LBB2_16-.Ltmp7, $3  }
0x96: {  	_ =	sdelay $0x1  }
0x97: {  	s10 =	sadd.s32 $0x10, s10;
	[tilespmem:v28+s2+$0x0] =	vst.idx.msk vm0, v1  }
0x98: {  	s9 =	sadd.s32 $0x10, s9;
	v28 =	vld [tilespmem:s10+$0x0]  }
0x99: {  	_ =	sdelay $0x3  }
0x9a: {  	v29 =	vshll.u32 v28, $0x9  }
0x9b: {  	v28 =	vadd.s32 $0xFFFFFFD8, v28;
	v29 =	vadd.s32 s8, v29  }
0x9c: {  	vm0 =	vlt.u32 v28, $0x28;
	v28 =	vadd.s32 v3, v29  }
0x9d: {  	v28 =	vor.u32 v2, v28;
	_ =	sdelay $0x4  }
0x9e: {  	[tilespmem:v28+s2+$0x0] =	vst.idx.msk vm0, v1  }
0x9f: {  	s9 =	simm.s32 $0x0;
	s8 =	simm.s32 $0x10;
	v28 =	vld [tilespmem:s7+$0x0]  }
.LBB2_18:
0xa0: {  	p0 =	sne.s32 s8, $0x1F0;
	_ =	sdelay $0x3  }
0xa1: {  	v29 =	vshll.u32 v28, $0x9  }
0xa2: {  	v28 =	vadd.s32 $0xFFFFFF38, v28;
	v29 =	vadd.s32 s7, v29;
	s7 =	smov.u32 s8  }
0xa3: {  	vm0 =	vlt.u32 v28, $0x28;
	v28 =	vadd.s32 v7, v29  }
0xa4: {  	v28 =	vor.u32 v2, v28;
	_ =	sdelay $0x1  }
.Ltmp8:
0xa5: {  	(pc) =	sbr.rel @p0 .LBB2_18-.Ltmp8, $3  }
0xa6: {  	_ =	sdelay $0x1  }
0xa7: {  	s9 =	sadd.s32 $0x10, s9;
	[tilespmem:v28+s2+$0x0] =	vst.idx.msk vm0, v13  }
0xa8: {  	s8 =	sadd.s32 $0x10, s8;
	v28 =	vld [tilespmem:s9+$0x0]  }
0xa9: {  	_ =	sdelay $0x3  }
0xaa: {  	v29 =	vshll.u32 v28, $0x9  }
0xab: {  	v28 =	vadd.s32 $0xFFFFFF38, v28;
	v29 =	vadd.s32 s7, v29  }
0xac: {  	vm0 =	vlt.u32 v28, $0x28;
	v28 =	vadd.s32 v7, v29  }
0xad: {  	v28 =	vor.u32 v2, v28;
	_ =	sdelay $0x4  }
0xae: {  	s10 =	rddreg [dreg:$0x7];
	[tilespmem:v28+s2+$0x0] =	vst.idx.msk vm0, v13  }
0xaf: {  	[hbm4b:s10+s1] =	stream.strided.scatter [tilespmem:s2], [sflag:$0x1], $0x5000, s0, s1, $0x38;
	[tilespmem:$0x14200] =	vst v63  }
0xb0: {  	_ =	swait.ge [sflag:s5], $0x5000  }
0xb1: {  	[sflag:s5] =	ssyncset.done $0x0  }
0xb2: {  	s7 =	simm.s32 $0x0;
	[sflag:s5] =	ssyncadd.s32 $0xFFFFB000  }
0xb3: {  	s9 =	simm.s32 $0x10;
	s8 =	simm.s32 $0x0;
	s10 =	simm.s32 $0x0;
	v28 =	vld [tilespmem:s7+$0x0]  }
.LBB2_20:
0xb4: {  	p0 =	sne.s32 s9, $0x1F0;
	_ =	sdelay $0x3  }
0xb5: {  	v29 =	vshll.u32 v28, $0x9  }
0xb6: {  	v28 =	vadd.s32 $0xFFFFFFB0, v28;
	v29 =	vadd.s32 s8, v29;
	s8 =	smov.u32 s9  }
0xb7: {  	vm0 =	vlt.u32 v28, $0x28;
	v28 =	vadd.s32 v4, v29  }
0xb8: {  	v28 =	vor.u32 v2, v28;
	_ =	sdelay $0x1  }
.Ltmp9:
0xb9: {  	(pc) =	sbr.rel @p0 .LBB2_20-.Ltmp9, $3  }
0xba: {  	_ =	sdelay $0x1  }
0xbb: {  	s10 =	sadd.s32 $0x10, s10;
	[tilespmem:v28+s3+$0x0] =	vst.idx.msk vm0, v1  }
0xbc: {  	s9 =	sadd.s32 $0x10, s9;
	v28 =	vld [tilespmem:s10+$0x0]  }
0xbd: {  	_ =	sdelay $0x3  }
0xbe: {  	v29 =	vshll.u32 v28, $0x9  }
0xbf: {  	v28 =	vadd.s32 $0xFFFFFFB0, v28;
	v29 =	vadd.s32 s8, v29  }
0xc0: {  	vm0 =	vlt.u32 v28, $0x28;
	v28 =	vadd.s32 v4, v29  }
0xc1: {  	v28 =	vor.u32 v2, v28;
	_ =	sdelay $0x4  }
0xc2: {  	[tilespmem:v28+s3+$0x0] =	vst.idx.msk vm0, v1  }
0xc3: {  	s9 =	simm.s32 $0x0;
	s8 =	simm.s32 $0x10;
	v28 =	vld [tilespmem:s7+$0x0]  }
.LBB2_22:
0xc4: {  	p0 =	sne.s32 s8, $0x1F0;
	_ =	sdelay $0x3  }
0xc5: {  	v29 =	vshll.u32 v28, $0x9  }
0xc6: {  	v28 =	vadd.s32 $0xFFFFFF10, v28;
	v29 =	vadd.s32 s7, v29;
	s7 =	smov.u32 s8  }
0xc7: {  	vm0 =	vlt.u32 v28, $0x28;
	v28 =	vadd.s32 v8, v29  }
0xc8: {  	v28 =	vor.u32 v2, v28;
	_ =	sdelay $0x1  }
.Ltmp10:
0xc9: {  	(pc) =	sbr.rel @p0 .LBB2_22-.Ltmp10, $3  }
0xca: {  	_ =	sdelay $0x1  }
0xcb: {  	s9 =	sadd.s32 $0x10, s9;
	[tilespmem:v28+s3+$0x0] =	vst.idx.msk vm0, v13  }
0xcc: {  	s8 =	sadd.s32 $0x10, s8;
	v28 =	vld [tilespmem:s9+$0x0]  }
0xcd: {  	_ =	sdelay $0x3  }
0xce: {  	v29 =	vshll.u32 v28, $0x9  }
0xcf: {  	v28 =	vadd.s32 $0xFFFFFF10, v28;
	v29 =	vadd.s32 s7, v29  }
0xd0: {  	vm0 =	vlt.u32 v28, $0x28;
	v28 =	vadd.s32 v8, v29  }
0xd1: {  	v28 =	vor.u32 v2, v28;
	_ =	sdelay $0x4  }
0xd2: {  	s10 =	rddreg [dreg:$0x8];
	[tilespmem:v28+s3+$0x0] =	vst.idx.msk vm0, v13  }
0xd3: {  	[hbm4b:s10+s1] =	stream.strided.scatter [tilespmem:s3], [sflag:$0x1], $0x5000, s0, s1, $0x38;
	[tilespmem:$0x14200] =	vst v63  }
0xd4: {  	_ =	swait.ge [sflag:s5], $0x5000  }
0xd5: {  	[sflag:s5] =	ssyncset.done $0x0  }
0xd6: {  	s7 =	simm.s32 $0x0;
	[sflag:s5] =	ssyncadd.s32 $0xFFFFB000  }
0xd7: {  	s9 =	simm.s32 $0x10;
	s8 =	simm.s32 $0x0;
	s10 =	simm.s32 $0x0;
	v28 =	vld [tilespmem:s7+$0x0]  }
.LBB2_24:
0xd8: {  	p0 =	sne.s32 s9, $0x1F0;
	_ =	sdelay $0x3  }
0xd9: {  	v29 =	vshll.u32 v28, $0x9  }
0xda: {  	v28 =	vadd.s32 $0xFFFFFF88, v28;
	v29 =	vadd.s32 s8, v29;
	s8 =	smov.u32 s9  }
0xdb: {  	vm0 =	vlt.u32 v28, $0x28;
	v28 =	vadd.s32 v5, v29  }
0xdc: {  	v28 =	vor.u32 v2, v28;
	_ =	sdelay $0x1  }
.Ltmp11:
0xdd: {  	(pc) =	sbr.rel @p0 .LBB2_24-.Ltmp11, $3  }
0xde: {  	_ =	sdelay $0x1  }
0xdf: {  	s10 =	sadd.s32 $0x10, s10;
	[tilespmem:v28+s4+$0x0] =	vst.idx.msk vm0, v1  }
0xe0: {  	s9 =	sadd.s32 $0x10, s9;
	v28 =	vld [tilespmem:s10+$0x0]  }
0xe1: {  	_ =	sdelay $0x3  }
0xe2: {  	v29 =	vshll.u32 v28, $0x9  }
0xe3: {  	v28 =	vadd.s32 $0xFFFFFF88, v28;
	v29 =	vadd.s32 s8, v29  }
0xe4: {  	vm0 =	vlt.u32 v28, $0x28;
	v28 =	vadd.s32 v5, v29  }
0xe5: {  	v28 =	vor.u32 v2, v28;
	_ =	sdelay $0x4  }
0xe6: {  	[tilespmem:v28+s4+$0x0] =	vst.idx.msk vm0, v1  }
0xe7: {  	s9 =	simm.s32 $0x0;
	s8 =	simm.s32 $0x10;
	v28 =	vld [tilespmem:s7+$0x0]  }
.LBB2_26:
0xe8: {  	p0 =	sne.s32 s8, $0x1F0;
	_ =	sdelay $0x3  }
0xe9: {  	v29 =	vshll.u32 v28, $0x9  }
0xea: {  	v28 =	vadd.s32 $0xFFFFFEE8, v28;
	v29 =	vadd.s32 s7, v29;
	s7 =	smov.u32 s8  }
0xeb: {  	vm0 =	vlt.u32 v28, $0x28;
	v28 =	vadd.s32 v9, v29  }
0xec: {  	v28 =	vor.u32 v2, v28;
	_ =	sdelay $0x1  }
.Ltmp12:
0xed: {  	(pc) =	sbr.rel @p0 .LBB2_26-.Ltmp12, $3  }
0xee: {  	_ =	sdelay $0x1  }
0xef: {  	s9 =	sadd.s32 $0x10, s9;
	[tilespmem:v28+s4+$0x0] =	vst.idx.msk vm0, v13  }
0xf0: {  	s8 =	sadd.s32 $0x10, s8;
	v28 =	vld [tilespmem:s9+$0x0]  }
0xf1: {  	_ =	sdelay $0x3  }
0xf2: {  	v29 =	vshll.u32 v28, $0x9  }
0xf3: {  	v28 =	vadd.s32 $0xFFFFFEE8, v28;
	v29 =	vadd.s32 s7, v29  }
0xf4: {  	vm0 =	vlt.u32 v28, $0x28;
	v28 =	vadd.s32 v9, v29  }
0xf5: {  	v28 =	vor.u32 v2, v28;
	_ =	sdelay $0x4  }
0xf6: {  	s10 =	rddreg [dreg:$0x9];
	[tilespmem:v28+s4+$0x0] =	vst.idx.msk vm0, v13  }
0xf7: {  	[hbm4b:s10+s1] =	stream.strided.scatter [tilespmem:s4], [sflag:$0x1], $0x5000, s0, s1, $0x38;
	[tilespmem:$0x14200] =	vst v63  }
0xf8: {  	_ =	swait.ge [sflag:s5], $0x5000  }
0xf9: {  	[sflag:s5] =	ssyncset.done $0x0  }
0xfa: {  	s7 =	simm.s32 $0x0;
	[sflag:s5] =	ssyncadd.s32 $0xFFFFB000  }
0xfb: {  	s9 =	simm.s32 $0x10;
	s8 =	simm.s32 $0x0;
	s10 =	simm.s32 $0x0;
	v28 =	vld [tilespmem:s7+$0x0]  }
.LBB2_28:
0xfc: {  	p0 =	sne.s32 s9, $0x1F0;
	_ =	sdelay $0x3  }
0xfd: {  	v29 =	vshll.u32 v28, $0x9  }
0xfe: {  	v28 =	vadd.s32 $0xFFFFFF60, v28;
	v29 =	vadd.s32 s8, v29;
	s8 =	smov.u32 s9  }
0xff: {  	vm0 =	vlt.u32 v28, $0x28;
	v28 =	vadd.s32 v6, v29  }
0x100: {  	v28 =	vor.u32 v2, v28;
	_ =	sdelay $0x1  }
.Ltmp13:
0x101: {  	(pc) =	sbr.rel @p0 .LBB2_28-.Ltmp13, $3  }
0x102: {  	_ =	sdelay $0x1  }
0x103: {  	s10 =	sadd.s32 $0x10, s10;
	[tilespmem:v28+s1+$0x0] =	vst.idx.msk vm0, v1  }
0x104: {  	s9 =	sadd.s32 $0x10, s9;
	v28 =	vld [tilespmem:s10+$0x0]  }
0x105: {  	_ =	sdelay $0x3  }
0x106: {  	v29 =	vshll.u32 v28, $0x9  }
0x107: {  	v28 =	vadd.s32 $0xFFFFFF60, v28;
	v29 =	vadd.s32 s8, v29  }
0x108: {  	vm0 =	vlt.u32 v28, $0x28;
	v28 =	vadd.s32 v6, v29  }
0x109: {  	v28 =	vor.u32 v2, v28;
	_ =	sdelay $0x4  }
0x10a: {  	[tilespmem:v28+s1+$0x0] =	vst.idx.msk vm0, v1  }
0x10b: {  	s9 =	simm.s32 $0x0;
	s8 =	simm.s32 $0x10;
	v28 =	vld [tilespmem:s7+$0x0]  }
.LBB2_30:
0x10c: {  	p0 =	sne.s32 s8, $0x1F0;
	_ =	sdelay $0x3  }
0x10d: {  	v29 =	vshll.u32 v28, $0x9  }
0x10e: {  	v28 =	vadd.s32 $0xFFFFFEC0, v28;
	v29 =	vadd.s32 s7, v29;
	s7 =	smov.u32 s8  }
0x10f: {  	vm0 =	vlt.u32 v28, $0x28;
	v28 =	vadd.s32 v10, v29  }
0x110: {  	v28 =	vor.u32 v2, v28;
	_ =	sdelay $0x1  }
.Ltmp14:
0x111: {  	(pc) =	sbr.rel @p0 .LBB2_30-.Ltmp14, $3  }
0x112: {  	_ =	sdelay $0x1  }
0x113: {  	s9 =	sadd.s32 $0x10, s9;
	[tilespmem:v28+s1+$0x0] =	vst.idx.msk vm0, v13  }
0x114: {  	s8 =	sadd.s32 $0x10, s8;
	v28 =	vld [tilespmem:s9+$0x0]  }
0x115: {  	_ =	sdelay $0x3  }
0x116: {  	v29 =	vshll.u32 v28, $0x9  }
0x117: {  	v28 =	vadd.s32 $0xFFFFFEC0, v28;
	v29 =	vadd.s32 s7, v29  }
0x118: {  	vm0 =	vlt.u32 v28, $0x28;
	v28 =	vadd.s32 v10, v29  }
0x119: {  	v28 =	vor.u32 v2, v28;
	_ =	sdelay $0x4  }
0x11a: {  	s10 =	rddreg [dreg:$0xa];
	[tilespmem:v28+s1+$0x0] =	vst.idx.msk vm0, v13  }
0x11b: {  	[hbm4b:s10+s1] =	stream.strided.scatter [tilespmem:s1], [sflag:$0x1], $0x5000, s0, s1, $0x38;
	[tilespmem:$0x14200] =	vst v63  }
0x11c: {  	_ =	swait.ge [sflag:s5], $0x5000  }
0x11d: {  	[sflag:s5] =	ssyncset.done $0x0  }
0x11e: {  	s7 =	simm.s32 $0x0;
	[sflag:s5] =	ssyncadd.s32 $0xFFFFB000  }
0x11f: {  	s9 =	simm.s32 $0x10;
	s8 =	simm.s32 $0x0;
	s10 =	simm.s32 $0x0;
	v28 =	vld [tilespmem:s7+$0x0]  }
.LBB2_32:
0x120: {  	p0 =	sne.s32 s9, $0x1F0;
	_ =	sdelay $0x3  }
0x121: {  	v29 =	vshll.u32 v28, $0x9  }
0x122: {  	v28 =	vadd.s32 $0xFFFFFF38, v28;
	v29 =	vadd.s32 s8, v29;
	s8 =	smov.u32 s9  }
0x123: {  	vm0 =	vlt.u32 v28, $0x28;
	v28 =	vadd.s32 v7, v29  }
0x124: {  	v28 =	vor.u32 v2, v28;
	_ =	sdelay $0x1  }
.Ltmp15:
0x125: {  	(pc) =	sbr.rel @p0 .LBB2_32-.Ltmp15, $3  }
0x126: {  	_ =	sdelay $0x1  }
0x127: {  	s10 =	sadd.s32 $0x10, s10;
	[tilespmem:v28+s2+$0x0] =	vst.idx.msk vm0, v1  }
0x128: {  	s9 =	sadd.s32 $0x10, s9;
	v28 =	vld [tilespmem:s10+$0x0]  }
0x129: {  	_ =	sdelay $0x3  }
0x12a: {  	v29 =	vshll.u32 v28, $0x9  }
0x12b: {  	v28 =	vadd.s32 $0xFFFFFF38, v28;
	v29 =	vadd.s32 s8, v29  }
0x12c: {  	vm0 =	vlt.u32 v28, $0x28;
	v28 =	vadd.s32 v7, v29  }
0x12d: {  	v28 =	vor.u32 v2, v28;
	_ =	sdelay $0x4  }
0x12e: {  	[tilespmem:v28+s2+$0x0] =	vst.idx.msk vm0, v1  }
0x12f: {  	s9 =	simm.s32 $0x0;
	s8 =	simm.s32 $0x10;
	v28 =	vld [tilespmem:s7+$0x0]  }
.LBB2_34:
0x130: {  	p0 =	sne.s32 s8, $0x1F0;
	_ =	sdelay $0x3  }
0x131: {  	v29 =	vshll.u32 v28, $0x9  }
0x132: {  	v28 =	vadd.s32 $0xFFFFFE98, v28;
	v29 =	vadd.s32 s7, v29;
	s7 =	smov.u32 s8  }
0x133: {  	vm0 =	vlt.u32 v28, $0x28;
	v28 =	vadd.s32 v11, v29  }
0x134: {  	v28 =	vor.u32 v2, v28;
	_ =	sdelay $0x1  }
.Ltmp16:
0x135: {  	(pc) =	sbr.rel @p0 .LBB2_34-.Ltmp16, $3  }
0x136: {  	_ =	sdelay $0x1  }
0x137: {  	s9 =	sadd.s32 $0x10, s9;
	[tilespmem:v28+s2+$0x0] =	vst.idx.msk vm0, v13  }
0x138: {  	s8 =	sadd.s32 $0x10, s8;
	v28 =	vld [tilespmem:s9+$0x0]  }
0x139: {  	_ =	sdelay $0x3  }
0x13a: {  	v29 =	vshll.u32 v28, $0x9  }
0x13b: {  	v28 =	vadd.s32 $0xFFFFFE98, v28;
	v29 =	vadd.s32 s7, v29  }
0x13c: {  	vm0 =	vlt.u32 v28, $0x28;
	v28 =	vadd.s32 v11, v29  }
0x13d: {  	v28 =	vor.u32 v2, v28;
	_ =	sdelay $0x4  }
0x13e: {  	[tilespmem:v28+s2+$0x0] =	vst.idx.msk vm0, v13  }
0x13f: {  	[hbm4b:s17+s1] =	stream.strided.scatter [tilespmem:s2], [sflag:$0x1], $0x5000, s0, s1, $0x38;
	[tilespmem:$0x14200] =	vst v63  }
0x140: {  	_ =	swait.ge [sflag:s5], $0x5000  }
0x141: {  	[sflag:s5] =	ssyncset.done $0x0  }
0x142: {  	s7 =	simm.s32 $0x0;
	[sflag:s5] =	ssyncadd.s32 $0xFFFFB000  }
0x143: {  	s9 =	simm.s32 $0x10;
	s8 =	simm.s32 $0x0;
	s10 =	simm.s32 $0x0;
	v28 =	vld [tilespmem:s7+$0x0]  }
.LBB2_36:
0x144: {  	p0 =	sne.s32 s9, $0x1F0;
	_ =	sdelay $0x3  }
0x145: {  	v29 =	vshll.u32 v28, $0x9  }
0x146: {  	v28 =	vadd.s32 $0xFFFFFF10, v28;
	v29 =	vadd.s32 s8, v29;
	s8 =	smov.u32 s9  }
0x147: {  	vm0 =	vlt.u32 v28, $0x28;
	v28 =	vadd.s32 v8, v29  }
0x148: {  	v28 =	vor.u32 v2, v28;
	_ =	sdelay $0x1  }
.Ltmp17:
0x149: {  	(pc) =	sbr.rel @p0 .LBB2_36-.Ltmp17, $3  }
0x14a: {  	_ =	sdelay $0x1  }
0x14b: {  	s10 =	sadd.s32 $0x10, s10;
	[tilespmem:v28+s3+$0x0] =	vst.idx.msk vm0, v1  }
0x14c: {  	s9 =	sadd.s32 $0x10, s9;
	v28 =	vld [tilespmem:s10+$0x0]  }
0x14d: {  	_ =	sdelay $0x3  }
0x14e: {  	v29 =	vshll.u32 v28, $0x9  }
0x14f: {  	v28 =	vadd.s32 $0xFFFFFF10, v28;
	v29 =	vadd.s32 s8, v29  }
0x150: {  	vm0 =	vlt.u32 v28, $0x28;
	v28 =	vadd.s32 v8, v29  }
0x151: {  	v28 =	vor.u32 v2, v28;
	_ =	sdelay $0x4  }
0x152: {  	[tilespmem:v28+s3+$0x0] =	vst.idx.msk vm0, v1  }
0x153: {  	s9 =	simm.s32 $0x0;
	s8 =	simm.s32 $0x10;
	v28 =	vld [tilespmem:s7+$0x0]  }
.LBB2_38:
0x154: {  	p0 =	sne.s32 s8, $0x1F0;
	_ =	sdelay $0x3  }
0x155: {  	v29 =	vshll.u32 v28, $0x9  }
0x156: {  	v28 =	vadd.s32 $0xFFFFFE70, v28;
	v29 =	vadd.s32 s7, v29;
	s7 =	smov.u32 s8  }
0x157: {  	vm0 =	vlt.u32 v28, $0x28;
	v28 =	vadd.s32 v12, v29  }
0x158: {  	v28 =	vor.u32 v2, v28;
	_ =	sdelay $0x1  }
.Ltmp18:
0x159: {  	(pc) =	sbr.rel @p0 .LBB2_38-.Ltmp18, $3  }
0x15a: {  	_ =	sdelay $0x1  }
0x15b: {  	s9 =	sadd.s32 $0x10, s9;
	[tilespmem:v28+s3+$0x0] =	vst.idx.msk vm0, v13  }
0x15c: {  	s8 =	sadd.s32 $0x10, s8;
	v28 =	vld [tilespmem:s9+$0x0]  }
0x15d: {  	_ =	sdelay $0x3  }
0x15e: {  	v29 =	vshll.u32 v28, $0x9  }
0x15f: {  	v28 =	vadd.s32 $0xFFFFFE70, v28;
	v29 =	vadd.s32 s7, v29  }
0x160: {  	vm0 =	vlt.u32 v28, $0x28;
	v28 =	vadd.s32 v12, v29  }
0x161: {  	v28 =	vor.u32 v2, v28;
	_ =	sdelay $0x4  }
0x162: {  	[tilespmem:v28+s3+$0x0] =	vst.idx.msk vm0, v13  }
0x163: {  	[hbm4b:s19+s1] =	stream.strided.scatter [tilespmem:s3], [sflag:$0x1], $0x5000, s0, s1, $0x38;
	[tilespmem:$0x14200] =	vst v63  }
0x164: {  	_ =	swait.ge [sflag:s5], $0x5000  }
0x165: {  	[sflag:s5] =	ssyncset.done $0x0  }
0x166: {  	s7 =	simm.s32 $0x0;
	[sflag:s5] =	ssyncadd.s32 $0xFFFFB000  }
0x167: {  	s9 =	simm.s32 $0x10;
	s8 =	simm.s32 $0x0;
	s10 =	simm.s32 $0x0;
	v28 =	vld [tilespmem:s7+$0x0]  }
.LBB2_40:
0x168: {  	p0 =	sne.s32 s9, $0x1F0;
	_ =	sdelay $0x3  }
0x169: {  	v29 =	vshll.u32 v28, $0x9  }
0x16a: {  	v28 =	vadd.s32 $0xFFFFFEE8, v28;
	v29 =	vadd.s32 s8, v29;
	s8 =	smov.u32 s9  }
0x16b: {  	vm0 =	vlt.u32 v28, $0x28;
	v28 =	vadd.s32 v9, v29  }
0x16c: {  	v28 =	vor.u32 v2, v28;
	_ =	sdelay $0x1  }
.Ltmp19:
0x16d: {  	(pc) =	sbr.rel @p0 .LBB2_40-.Ltmp19, $3  }
0x16e: {  	_ =	sdelay $0x1  }
0x16f: {  	s10 =	sadd.s32 $0x10, s10;
	[tilespmem:v28+s4+$0x0] =	vst.idx.msk vm0, v1  }
0x170: {  	s9 =	sadd.s32 $0x10, s9;
	v28 =	vld [tilespmem:s10+$0x0]  }
0x171: {  	_ =	sdelay $0x3  }
0x172: {  	v29 =	vshll.u32 v28, $0x9  }
0x173: {  	v28 =	vadd.s32 $0xFFFFFEE8, v28;
	v29 =	vadd.s32 s8, v29  }
0x174: {  	vm0 =	vlt.u32 v28, $0x28;
	v28 =	vadd.s32 v9, v29  }
0x175: {  	v28 =	vor.u32 v2, v28;
	_ =	sdelay $0x4  }
0x176: {  	[tilespmem:v28+s4+$0x0] =	vst.idx.msk vm0, v1  }
0x177: {  	s9 =	simm.s32 $0x0;
	s8 =	simm.s32 $0x10;
	v28 =	vld [tilespmem:s7+$0x0]  }
.LBB2_42:
0x178: {  	p0 =	sne.s32 s8, $0x1F0;
	_ =	sdelay $0x3  }
0x179: {  	v29 =	vshll.u32 v28, $0x9  }
0x17a: {  	v28 =	vadd.s32 $0xFFFFFE48, v28;
	v29 =	vadd.s32 s7, v29;
	s7 =	smov.u32 s8  }
0x17b: {  	vm0 =	vlt.u32 v28, $0x28;
	v28 =	vadd.s32 v14, v29  }
0x17c: {  	v28 =	vor.u32 v2, v28;
	_ =	sdelay $0x1  }
.Ltmp20:
0x17d: {  	(pc) =	sbr.rel @p0 .LBB2_42-.Ltmp20, $3  }
0x17e: {  	_ =	sdelay $0x1  }
0x17f: {  	s9 =	sadd.s32 $0x10, s9;
	[tilespmem:v28+s4+$0x0] =	vst.idx.msk vm0, v13  }
0x180: {  	s8 =	sadd.s32 $0x10, s8;
	v28 =	vld [tilespmem:s9+$0x0]  }
0x181: {  	_ =	sdelay $0x3  }
0x182: {  	v29 =	vshll.u32 v28, $0x9  }
0x183: {  	v28 =	vadd.s32 $0xFFFFFE48, v28;
	v29 =	vadd.s32 s7, v29  }
0x184: {  	vm0 =	vlt.u32 v28, $0x28;
	v28 =	vadd.s32 v14, v29  }
0x185: {  	v28 =	vor.u32 v2, v28;
	_ =	sdelay $0x4  }
0x186: {  	[tilespmem:v28+s4+$0x0] =	vst.idx.msk vm0, v13  }
0x187: {  	[hbm4b:s21+s1] =	stream.strided.scatter [tilespmem:s4], [sflag:$0x1], $0x5000, s0, s1, $0x38;
	[tilespmem:$0x14200] =	vst v63  }
0x188: {  	_ =	swait.ge [sflag:s5], $0x5000  }
0x189: {  	[sflag:s5] =	ssyncset.done $0x0  }
0x18a: {  	s7 =	simm.s32 $0x0;
	[sflag:s5] =	ssyncadd.s32 $0xFFFFB000  }
0x18b: {  	s9 =	simm.s32 $0x10;
	s8 =	simm.s32 $0x0;
	s10 =	simm.s32 $0x0;
	v28 =	vld [tilespmem:s7+$0x0]  }
.LBB2_44:
0x18c: {  	p0 =	sne.s32 s9, $0x1F0;
	_ =	sdelay $0x3  }
0x18d: {  	v29 =	vshll.u32 v28, $0x9  }
0x18e: {  	v28 =	vadd.s32 $0xFFFFFEC0, v28;
	v29 =	vadd.s32 s8, v29;
	s8 =	smov.u32 s9  }
0x18f: {  	vm0 =	vlt.u32 v28, $0x28;
	v28 =	vadd.s32 v10, v29  }
0x190: {  	v28 =	vor.u32 v2, v28;
	_ =	sdelay $0x1  }
.Ltmp21:
0x191: {  	(pc) =	sbr.rel @p0 .LBB2_44-.Ltmp21, $3  }
0x192: {  	_ =	sdelay $0x1  }
0x193: {  	s10 =	sadd.s32 $0x10, s10;
	[tilespmem:v28+s1+$0x0] =	vst.idx.msk vm0, v1  }
0x194: {  	s9 =	sadd.s32 $0x10, s9;
	v28 =	vld [tilespmem:s10+$0x0]  }
0x195: {  	_ =	sdelay $0x3  }
0x196: {  	v29 =	vshll.u32 v28, $0x9  }
0x197: {  	v28 =	vadd.s32 $0xFFFFFEC0, v28;
	v29 =	vadd.s32 s8, v29  }
0x198: {  	vm0 =	vlt.u32 v28, $0x28;
	v28 =	vadd.s32 v10, v29  }
0x199: {  	v28 =	vor.u32 v2, v28;
	_ =	sdelay $0x4  }
0x19a: {  	[tilespmem:v28+s1+$0x0] =	vst.idx.msk vm0, v1  }
0x19b: {  	s9 =	simm.s32 $0x0;
	s8 =	simm.s32 $0x10;
	v28 =	vld [tilespmem:s7+$0x0]  }
.LBB2_46:
0x19c: {  	p0 =	sne.s32 s8, $0x1F0;
	_ =	sdelay $0x3  }
0x19d: {  	v29 =	vshll.u32 v28, $0x9  }
0x19e: {  	v28 =	vadd.s32 $0xFFFFFE20, v28;
	v29 =	vadd.s32 s7, v29;
	s7 =	smov.u32 s8  }
0x19f: {  	vm0 =	vlt.u32 v28, $0x28;
	v28 =	vadd.s32 v15, v29  }
0x1a0: {  	v28 =	vor.u32 v2, v28;
	_ =	sdelay $0x1  }
.Ltmp22:
0x1a1: {  	(pc) =	sbr.rel @p0 .LBB2_46-.Ltmp22, $3  }
0x1a2: {  	_ =	sdelay $0x1  }
0x1a3: {  	s9 =	sadd.s32 $0x10, s9;
	[tilespmem:v28+s1+$0x0] =	vst.idx.msk vm0, v13  }
0x1a4: {  	s8 =	sadd.s32 $0x10, s8;
	v28 =	vld [tilespmem:s9+$0x0]  }
0x1a5: {  	_ =	sdelay $0x3  }
0x1a6: {  	v29 =	vshll.u32 v28, $0x9  }
0x1a7: {  	v28 =	vadd.s32 $0xFFFFFE20, v28;
	v29 =	vadd.s32 s7, v29  }
0x1a8: {  	vm0 =	vlt.u32 v28, $0x28;
	v28 =	vadd.s32 v15, v29  }
0x1a9: {  	v28 =	vor.u32 v2, v28;
	_ =	sdelay $0x4  }
0x1aa: {  	[tilespmem:v28+s1+$0x0] =	vst.idx.msk vm0, v13  }
0x1ab: {  	[hbm4b:s28+s1] =	stream.strided.scatter [tilespmem:s1], [sflag:$0x1], $0x5000, s0, s1, $0x38;
	[tilespmem:$0x14200] =	vst v63  }
0x1ac: {  	_ =	swait.ge [sflag:s5], $0x5000  }
0x1ad: {  	[sflag:s5] =	ssyncset.done $0x0  }
0x1ae: {  	s7 =	simm.s32 $0x0;
	[sflag:s5] =	ssyncadd.s32 $0xFFFFB000  }
0x1af: {  	s9 =	simm.s32 $0x10;
	s8 =	simm.s32 $0x0;
	s10 =	simm.s32 $0x0;
	v28 =	vld [tilespmem:s7+$0x0]  }
.LBB2_48:
0x1b0: {  	p0 =	sne.s32 s9, $0x1F0;
	_ =	sdelay $0x3  }
0x1b1: {  	v29 =	vshll.u32 v28, $0x9  }
0x1b2: {  	v28 =	vadd.s32 $0xFFFFFE98, v28;
	v29 =	vadd.s32 s8, v29;
	s8 =	smov.u32 s9  }
0x1b3: {  	vm0 =	vlt.u32 v28, $0x28;
	v28 =	vadd.s32 v11, v29  }
0x1b4: {  	v28 =	vor.u32 v2, v28;
	_ =	sdelay $0x1  }
.Ltmp23:
0x1b5: {  	(pc) =	sbr.rel @p0 .LBB2_48-.Ltmp23, $3  }
0x1b6: {  	_ =	sdelay $0x1  }
0x1b7: {  	s10 =	sadd.s32 $0x10, s10;
	[tilespmem:v28+s2+$0x0] =	vst.idx.msk vm0, v1  }
0x1b8: {  	s9 =	sadd.s32 $0x10, s9;
	v28 =	vld [tilespmem:s10+$0x0]  }
0x1b9: {  	_ =	sdelay $0x3  }
0x1ba: {  	v29 =	vshll.u32 v28, $0x9  }
0x1bb: {  	v28 =	vadd.s32 $0xFFFFFE98, v28;
	v29 =	vadd.s32 s8, v29  }
0x1bc: {  	vm0 =	vlt.u32 v28, $0x28;
	v28 =	vadd.s32 v11, v29  }
0x1bd: {  	v28 =	vor.u32 v2, v28;
	_ =	sdelay $0x4  }
0x1be: {  	[tilespmem:v28+s2+$0x0] =	vst.idx.msk vm0, v1  }
0x1bf: {  	s9 =	simm.s32 $0x0;
	s8 =	simm.s32 $0x10;
	v28 =	vld [tilespmem:s7+$0x0]  }
.LBB2_50:
0x1c0: {  	p0 =	sne.s32 s8, $0x1F0;
	_ =	sdelay $0x3  }
0x1c1: {  	v29 =	vshll.u32 v28, $0x9  }
0x1c2: {  	v28 =	vadd.s32 $0xFFFFFDF8, v28;
	v29 =	vadd.s32 s7, v29;
	s7 =	smov.u32 s8  }
0x1c3: {  	vm0 =	vlt.u32 v28, $0x28;
	v28 =	vadd.s32 v16, v29  }
0x1c4: {  	v28 =	vor.u32 v2, v28;
	_ =	sdelay $0x1  }
.Ltmp24:
0x1c5: {  	(pc) =	sbr.rel @p0 .LBB2_50-.Ltmp24, $3  }
0x1c6: {  	_ =	sdelay $0x1  }
0x1c7: {  	s9 =	sadd.s32 $0x10, s9;
	[tilespmem:v28+s2+$0x0] =	vst.idx.msk vm0, v13  }
0x1c8: {  	s8 =	sadd.s32 $0x10, s8;
	v28 =	vld [tilespmem:s9+$0x0]  }
0x1c9: {  	_ =	sdelay $0x3  }
0x1ca: {  	v29 =	vshll.u32 v28, $0x9  }
0x1cb: {  	v28 =	vadd.s32 $0xFFFFFDF8, v28;
	v29 =	vadd.s32 s7, v29  }
0x1cc: {  	vm0 =	vlt.u32 v28, $0x28;
	v28 =	vadd.s32 v16, v29  }
0x1cd: {  	v28 =	vor.u32 v2, v28;
	_ =	sdelay $0x4  }
0x1ce: {  	[tilespmem:v28+s2+$0x0] =	vst.idx.msk vm0, v13  }
0x1cf: {  	[hbm4b:s11+s1] =	stream.strided.scatter [tilespmem:s2], [sflag:$0x1], $0x5000, s0, s1, $0x38;
	[tilespmem:$0x14200] =	vst v63  }
0x1d0: {  	_ =	swait.ge [sflag:s5], $0x5000  }
0x1d1: {  	[sflag:s5] =	ssyncset.done $0x0  }
0x1d2: {  	s7 =	simm.s32 $0x0;
	[sflag:s5] =	ssyncadd.s32 $0xFFFFB000  }
0x1d3: {  	s9 =	simm.s32 $0x10;
	s8 =	simm.s32 $0x0;
	s10 =	simm.s32 $0x0;
	v28 =	vld [tilespmem:s7+$0x0]  }
.LBB2_52:
0x1d4: {  	p0 =	sne.s32 s9, $0x1F0;
	_ =	sdelay $0x3  }
0x1d5: {  	v29 =	vshll.u32 v28, $0x9  }
0x1d6: {  	v28 =	vadd.s32 $0xFFFFFE70, v28;
	v29 =	vadd.s32 s8, v29;
	s8 =	smov.u32 s9  }
0x1d7: {  	vm0 =	vlt.u32 v28, $0x28;
	v28 =	vadd.s32 v12, v29  }
0x1d8: {  	v28 =	vor.u32 v2, v28;
	_ =	sdelay $0x1  }
.Ltmp25:
0x1d9: {  	(pc) =	sbr.rel @p0 .LBB2_52-.Ltmp25, $3  }
0x1da: {  	_ =	sdelay $0x1  }
0x1db: {  	s10 =	sadd.s32 $0x10, s10;
	[tilespmem:v28+s3+$0x0] =	vst.idx.msk vm0, v1  }
0x1dc: {  	s9 =	sadd.s32 $0x10, s9;
	v28 =	vld [tilespmem:s10+$0x0]  }
0x1dd: {  	_ =	sdelay $0x3  }
0x1de: {  	v29 =	vshll.u32 v28, $0x9  }
0x1df: {  	v28 =	vadd.s32 $0xFFFFFE70, v28;
	v29 =	vadd.s32 s8, v29  }
0x1e0: {  	vm0 =	vlt.u32 v28, $0x28;
	v28 =	vadd.s32 v12, v29  }
0x1e1: {  	v28 =	vor.u32 v2, v28;
	_ =	sdelay $0x4  }
0x1e2: {  	[tilespmem:v28+s3+$0x0] =	vst.idx.msk vm0, v1  }
0x1e3: {  	s9 =	simm.s32 $0x0;
	s8 =	simm.s32 $0x10;
	v28 =	vld [tilespmem:s7+$0x0]  }
.LBB2_54:
0x1e4: {  	p0 =	sne.s32 s8, $0x1F0;
	_ =	sdelay $0x3  }
0x1e5: {  	v29 =	vshll.u32 v28, $0x9  }
0x1e6: {  	v28 =	vadd.s32 $0xFFFFFDD0, v28;
	v29 =	vadd.s32 s7, v29;
	s7 =	smov.u32 s8  }
0x1e7: {  	vm0 =	vlt.u32 v28, $0x28;
	v28 =	vadd.s32 v17, v29  }
0x1e8: {  	v28 =	vor.u32 v2, v28;
	_ =	sdelay $0x1  }
.Ltmp26:
0x1e9: {  	(pc) =	sbr.rel @p0 .LBB2_54-.Ltmp26, $3  }
0x1ea: {  	_ =	sdelay $0x1  }
0x1eb: {  	s9 =	sadd.s32 $0x10, s9;
	[tilespmem:v28+s3+$0x0] =	vst.idx.msk vm0, v13  }
0x1ec: {  	s8 =	sadd.s32 $0x10, s8;
	v28 =	vld [tilespmem:s9+$0x0]  }
0x1ed: {  	_ =	sdelay $0x3  }
0x1ee: {  	v29 =	vshll.u32 v28, $0x9  }
0x1ef: {  	v28 =	vadd.s32 $0xFFFFFDD0, v28;
	v29 =	vadd.s32 s7, v29  }
0x1f0: {  	vm0 =	vlt.u32 v28, $0x28;
	v28 =	vadd.s32 v17, v29  }
0x1f1: {  	v28 =	vor.u32 v2, v28;
	_ =	sdelay $0x4  }
0x1f2: {  	[tilespmem:v28+s3+$0x0] =	vst.idx.msk vm0, v13  }
0x1f3: {  	[hbm4b:s12+s1] =	stream.strided.scatter [tilespmem:s3], [sflag:$0x1], $0x5000, s0, s1, $0x38;
	[tilespmem:$0x14200] =	vst v63  }
0x1f4: {  	_ =	swait.ge [sflag:s5], $0x5000  }
0x1f5: {  	[sflag:s5] =	ssyncset.done $0x0  }
0x1f6: {  	s7 =	simm.s32 $0x0;
	[sflag:s5] =	ssyncadd.s32 $0xFFFFB000  }
0x1f7: {  	s9 =	simm.s32 $0x10;
	s8 =	simm.s32 $0x0;
	s10 =	simm.s32 $0x0;
	v28 =	vld [tilespmem:s7+$0x0]  }
.LBB2_56:
0x1f8: {  	p0 =	sne.s32 s9, $0x1F0;
	_ =	sdelay $0x3  }
0x1f9: {  	v29 =	vshll.u32 v28, $0x9  }
0x1fa: {  	v28 =	vadd.s32 $0xFFFFFE48, v28;
	v29 =	vadd.s32 s8, v29;
	s8 =	smov.u32 s9  }
0x1fb: {  	vm0 =	vlt.u32 v28, $0x28;
	v28 =	vadd.s32 v14, v29  }
0x1fc: {  	v28 =	vor.u32 v2, v28;
	_ =	sdelay $0x1  }
.Ltmp27:
0x1fd: {  	(pc) =	sbr.rel @p0 .LBB2_56-.Ltmp27, $3  }
0x1fe: {  	_ =	sdelay $0x1  }
0x1ff: {  	s10 =	sadd.s32 $0x10, s10;
	[tilespmem:v28+s4+$0x0] =	vst.idx.msk vm0, v1  }
0x200: {  	s9 =	sadd.s32 $0x10, s9;
	v28 =	vld [tilespmem:s10+$0x0]  }
0x201: {  	_ =	sdelay $0x3  }
0x202: {  	v29 =	vshll.u32 v28, $0x9  }
0x203: {  	v28 =	vadd.s32 $0xFFFFFE48, v28;
	v29 =	vadd.s32 s8, v29  }
0x204: {  	vm0 =	vlt.u32 v28, $0x28;
	v28 =	vadd.s32 v14, v29  }
0x205: {  	v28 =	vor.u32 v2, v28;
	_ =	sdelay $0x4  }
0x206: {  	[tilespmem:v28+s4+$0x0] =	vst.idx.msk vm0, v1  }
0x207: {  	s9 =	simm.s32 $0x0;
	s8 =	simm.s32 $0x10;
	v28 =	vld [tilespmem:s7+$0x0]  }
.LBB2_58:
0x208: {  	p0 =	sne.s32 s8, $0x1F0;
	_ =	sdelay $0x3  }
0x209: {  	v29 =	vshll.u32 v28, $0x9  }
0x20a: {  	v28 =	vadd.s32 $0xFFFFFDA8, v28;
	v29 =	vadd.s32 s7, v29;
	s7 =	smov.u32 s8  }
0x20b: {  	vm0 =	vlt.u32 v28, $0x28;
	v28 =	vadd.s32 v18, v29  }
0x20c: {  	v28 =	vor.u32 v2, v28;
	_ =	sdelay $0x1  }
.Ltmp28:
0x20d: {  	(pc) =	sbr.rel @p0 .LBB2_58-.Ltmp28, $3  }
0x20e: {  	_ =	sdelay $0x1  }
0x20f: {  	s9 =	sadd.s32 $0x10, s9;
	[tilespmem:v28+s4+$0x0] =	vst.idx.msk vm0, v13  }
0x210: {  	s8 =	sadd.s32 $0x10, s8;
	v28 =	vld [tilespmem:s9+$0x0]  }
0x211: {  	_ =	sdelay $0x3  }
0x212: {  	v29 =	vshll.u32 v28, $0x9  }
0x213: {  	v28 =	vadd.s32 $0xFFFFFDA8, v28;
	v29 =	vadd.s32 s7, v29  }
0x214: {  	vm0 =	vlt.u32 v28, $0x28;
	v28 =	vadd.s32 v18, v29  }
0x215: {  	v28 =	vor.u32 v2, v28;
	_ =	sdelay $0x4  }
0x216: {  	[tilespmem:v28+s4+$0x0] =	vst.idx.msk vm0, v13  }
0x217: {  	[hbm4b:s13+s1] =	stream.strided.scatter [tilespmem:s4], [sflag:$0x1], $0x5000, s0, s1, $0x38;
	[tilespmem:$0x14200] =	vst v63  }
0x218: {  	_ =	swait.ge [sflag:s5], $0x5000  }
0x219: {  	[sflag:s5] =	ssyncset.done $0x0  }
0x21a: {  	s7 =	simm.s32 $0x0;
	[sflag:s5] =	ssyncadd.s32 $0xFFFFB000  }
0x21b: {  	s9 =	simm.s32 $0x10;
	s8 =	simm.s32 $0x0;
	s10 =	simm.s32 $0x0;
	v28 =	vld [tilespmem:s7+$0x0]  }
.LBB2_60:
0x21c: {  	p0 =	sne.s32 s9, $0x1F0;
	_ =	sdelay $0x3  }
0x21d: {  	v29 =	vshll.u32 v28, $0x9  }
0x21e: {  	v28 =	vadd.s32 $0xFFFFFE20, v28;
	v29 =	vadd.s32 s8, v29;
	s8 =	smov.u32 s9  }
0x21f: {  	vm0 =	vlt.u32 v28, $0x28;
	v28 =	vadd.s32 v15, v29  }
0x220: {  	v28 =	vor.u32 v2, v28;
	_ =	sdelay $0x1  }
.Ltmp29:
0x221: {  	(pc) =	sbr.rel @p0 .LBB2_60-.Ltmp29, $3  }
0x222: {  	_ =	sdelay $0x1  }
0x223: {  	s10 =	sadd.s32 $0x10, s10;
	[tilespmem:v28+s1+$0x0] =	vst.idx.msk vm0, v1  }
0x224: {  	s9 =	sadd.s32 $0x10, s9;
	v28 =	vld [tilespmem:s10+$0x0]  }
0x225: {  	_ =	sdelay $0x3  }
0x226: {  	v29 =	vshll.u32 v28, $0x9  }
0x227: {  	v28 =	vadd.s32 $0xFFFFFE20, v28;
	v29 =	vadd.s32 s8, v29  }
0x228: {  	vm0 =	vlt.u32 v28, $0x28;
	v28 =	vadd.s32 v15, v29  }
0x229: {  	v28 =	vor.u32 v2, v28;
	_ =	sdelay $0x4  }
0x22a: {  	[tilespmem:v28+s1+$0x0] =	vst.idx.msk vm0, v1  }
0x22b: {  	s9 =	simm.s32 $0x0;
	s8 =	simm.s32 $0x10;
	v28 =	vld [tilespmem:s7+$0x0]  }
.LBB2_62:
0x22c: {  	p0 =	sne.s32 s8, $0x1F0;
	_ =	sdelay $0x3  }
0x22d: {  	v29 =	vshll.u32 v28, $0x9  }
0x22e: {  	v28 =	vadd.s32 $0xFFFFFD80, v28;
	v29 =	vadd.s32 s7, v29;
	s7 =	smov.u32 s8  }
0x22f: {  	vm0 =	vlt.u32 v28, $0x28;
	v28 =	vadd.s32 v19, v29  }
0x230: {  	v28 =	vor.u32 v2, v28;
	_ =	sdelay $0x1  }
.Ltmp30:
0x231: {  	(pc) =	sbr.rel @p0 .LBB2_62-.Ltmp30, $3  }
0x232: {  	_ =	sdelay $0x1  }
0x233: {  	s9 =	sadd.s32 $0x10, s9;
	[tilespmem:v28+s1+$0x0] =	vst.idx.msk vm0, v13  }
0x234: {  	s8 =	sadd.s32 $0x10, s8;
	v28 =	vld [tilespmem:s9+$0x0]  }
0x235: {  	_ =	sdelay $0x3  }
0x236: {  	v29 =	vshll.u32 v28, $0x9  }
0x237: {  	v28 =	vadd.s32 $0xFFFFFD80, v28;
	v29 =	vadd.s32 s7, v29  }
0x238: {  	vm0 =	vlt.u32 v28, $0x28;
	v28 =	vadd.s32 v19, v29  }
0x239: {  	v28 =	vor.u32 v2, v28;
	_ =	sdelay $0x4  }
0x23a: {  	[tilespmem:v28+s1+$0x0] =	vst.idx.msk vm0, v13  }
0x23b: {  	[hbm4b:s14+s1] =	stream.strided.scatter [tilespmem:s1], [sflag:$0x1], $0x5000, s0, s1, $0x38;
	[tilespmem:$0x14200] =	vst v63  }
0x23c: {  	_ =	swait.ge [sflag:s5], $0x5000  }
0x23d: {  	[sflag:s5] =	ssyncset.done $0x0  }
0x23e: {  	s7 =	simm.s32 $0x0;
	[sflag:s5] =	ssyncadd.s32 $0xFFFFB000  }
0x23f: {  	s9 =	simm.s32 $0x10;
	s8 =	simm.s32 $0x0;
	s10 =	simm.s32 $0x0;
	v28 =	vld [tilespmem:s7+$0x0]  }
.LBB2_64:
0x240: {  	p0 =	sne.s32 s9, $0x1F0;
	_ =	sdelay $0x3  }
0x241: {  	v29 =	vshll.u32 v28, $0x9  }
0x242: {  	v28 =	vadd.s32 $0xFFFFFDF8, v28;
	v29 =	vadd.s32 s8, v29;
	s8 =	smov.u32 s9  }
0x243: {  	vm0 =	vlt.u32 v28, $0x28;
	v28 =	vadd.s32 v16, v29  }
0x244: {  	v28 =	vor.u32 v2, v28;
	_ =	sdelay $0x1  }
.Ltmp31:
0x245: {  	(pc) =	sbr.rel @p0 .LBB2_64-.Ltmp31, $3  }
0x246: {  	_ =	sdelay $0x1  }
0x247: {  	s10 =	sadd.s32 $0x10, s10;
	[tilespmem:v28+s2+$0x0] =	vst.idx.msk vm0, v1  }
0x248: {  	s9 =	sadd.s32 $0x10, s9;
	v28 =	vld [tilespmem:s10+$0x0]  }
0x249: {  	_ =	sdelay $0x3  }
0x24a: {  	v29 =	vshll.u32 v28, $0x9  }
0x24b: {  	v28 =	vadd.s32 $0xFFFFFDF8, v28;
	v29 =	vadd.s32 s8, v29  }
0x24c: {  	vm0 =	vlt.u32 v28, $0x28;
	v28 =	vadd.s32 v16, v29  }
0x24d: {  	v28 =	vor.u32 v2, v28;
	_ =	sdelay $0x4  }
0x24e: {  	[tilespmem:v28+s2+$0x0] =	vst.idx.msk vm0, v1  }
0x24f: {  	s9 =	simm.s32 $0x0;
	s8 =	simm.s32 $0x10;
	v28 =	vld [tilespmem:s7+$0x0]  }
.LBB2_66:
0x250: {  	p0 =	sne.s32 s8, $0x1F0;
	_ =	sdelay $0x3  }
0x251: {  	v29 =	vshll.u32 v28, $0x9  }
0x252: {  	v28 =	vadd.s32 $0xFFFFFD58, v28;
	v29 =	vadd.s32 s7, v29;
	s7 =	smov.u32 s8  }
0x253: {  	vm0 =	vlt.u32 v28, $0x28;
	v28 =	vadd.s32 v20, v29  }
0x254: {  	v28 =	vor.u32 v2, v28;
	_ =	sdelay $0x1  }
.Ltmp32:
0x255: {  	(pc) =	sbr.rel @p0 .LBB2_66-.Ltmp32, $3  }
0x256: {  	_ =	sdelay $0x1  }
0x257: {  	s9 =	sadd.s32 $0x10, s9;
	[tilespmem:v28+s2+$0x0] =	vst.idx.msk vm0, v13  }
0x258: {  	s8 =	sadd.s32 $0x10, s8;
	v28 =	vld [tilespmem:s9+$0x0]  }
0x259: {  	_ =	sdelay $0x3  }
0x25a: {  	v29 =	vshll.u32 v28, $0x9  }
0x25b: {  	v28 =	vadd.s32 $0xFFFFFD58, v28;
	v29 =	vadd.s32 s7, v29  }
0x25c: {  	vm0 =	vlt.u32 v28, $0x28;
	v28 =	vadd.s32 v20, v29  }
0x25d: {  	v28 =	vor.u32 v2, v28;
	_ =	sdelay $0x4  }
0x25e: {  	[tilespmem:v28+s2+$0x0] =	vst.idx.msk vm0, v13  }
0x25f: {  	[hbm4b:s15+s1] =	stream.strided.scatter [tilespmem:s2], [sflag:$0x1], $0x5000, s0, s1, $0x38;
	[tilespmem:$0x14200] =	vst v63  }
0x260: {  	_ =	swait.ge [sflag:s5], $0x5000  }
0x261: {  	[sflag:s5] =	ssyncset.done $0x0  }
0x262: {  	s7 =	simm.s32 $0x0;
	[sflag:s5] =	ssyncadd.s32 $0xFFFFB000  }
0x263: {  	s9 =	simm.s32 $0x10;
	s8 =	simm.s32 $0x0;
	s10 =	simm.s32 $0x0;
	v28 =	vld [tilespmem:s7+$0x0]  }
.LBB2_68:
0x264: {  	p0 =	sne.s32 s9, $0x1F0;
	_ =	sdelay $0x3  }
0x265: {  	v29 =	vshll.u32 v28, $0x9  }
0x266: {  	v28 =	vadd.s32 $0xFFFFFDD0, v28;
	v29 =	vadd.s32 s8, v29;
	s8 =	smov.u32 s9  }
0x267: {  	vm0 =	vlt.u32 v28, $0x28;
	v28 =	vadd.s32 v17, v29  }
0x268: {  	v28 =	vor.u32 v2, v28;
	_ =	sdelay $0x1  }
.Ltmp33:
0x269: {  	(pc) =	sbr.rel @p0 .LBB2_68-.Ltmp33, $3  }
0x26a: {  	_ =	sdelay $0x1  }
0x26b: {  	s10 =	sadd.s32 $0x10, s10;
	[tilespmem:v28+s3+$0x0] =	vst.idx.msk vm0, v1  }
0x26c: {  	s9 =	sadd.s32 $0x10, s9;
	v28 =	vld [tilespmem:s10+$0x0]  }
0x26d: {  	_ =	sdelay $0x3  }
0x26e: {  	v29 =	vshll.u32 v28, $0x9  }
0x26f: {  	v28 =	vadd.s32 $0xFFFFFDD0, v28;
	v29 =	vadd.s32 s8, v29  }
0x270: {  	vm0 =	vlt.u32 v28, $0x28;
	v28 =	vadd.s32 v17, v29  }
0x271: {  	v28 =	vor.u32 v2, v28;
	_ =	sdelay $0x4  }
0x272: {  	[tilespmem:v28+s3+$0x0] =	vst.idx.msk vm0, v1  }
0x273: {  	s9 =	simm.s32 $0x0;
	s8 =	simm.s32 $0x10;
	v28 =	vld [tilespmem:s7+$0x0]  }
.LBB2_70:
0x274: {  	p0 =	sne.s32 s8, $0x1F0;
	_ =	sdelay $0x3  }
0x275: {  	v29 =	vshll.u32 v28, $0x9  }
0x276: {  	v28 =	vadd.s32 $0xFFFFFD30, v28;
	v29 =	vadd.s32 s7, v29;
	s7 =	smov.u32 s8  }
0x277: {  	vm0 =	vlt.u32 v28, $0x28;
	v28 =	vadd.s32 v21, v29  }
0x278: {  	v28 =	vor.u32 v2, v28;
	_ =	sdelay $0x1  }
.Ltmp34:
0x279: {  	(pc) =	sbr.rel @p0 .LBB2_70-.Ltmp34, $3  }
0x27a: {  	_ =	sdelay $0x1  }
0x27b: {  	s9 =	sadd.s32 $0x10, s9;
	[tilespmem:v28+s3+$0x0] =	vst.idx.msk vm0, v13  }
0x27c: {  	s8 =	sadd.s32 $0x10, s8;
	v28 =	vld [tilespmem:s9+$0x0]  }
0x27d: {  	_ =	sdelay $0x3  }
0x27e: {  	v29 =	vshll.u32 v28, $0x9  }
0x27f: {  	v28 =	vadd.s32 $0xFFFFFD30, v28;
	v29 =	vadd.s32 s7, v29  }
0x280: {  	vm0 =	vlt.u32 v28, $0x28;
	v28 =	vadd.s32 v21, v29  }
0x281: {  	v28 =	vor.u32 v2, v28;
	_ =	sdelay $0x4  }
0x282: {  	[tilespmem:v28+s3+$0x0] =	vst.idx.msk vm0, v13  }
0x283: {  	[hbm4b:s16+s1] =	stream.strided.scatter [tilespmem:s3], [sflag:$0x1], $0x5000, s0, s1, $0x38;
	[tilespmem:$0x14200] =	vst v63  }
0x284: {  	_ =	swait.ge [sflag:s5], $0x5000  }
0x285: {  	[sflag:s5] =	ssyncset.done $0x0  }
0x286: {  	s7 =	simm.s32 $0x0;
	[sflag:s5] =	ssyncadd.s32 $0xFFFFB000  }
0x287: {  	s9 =	simm.s32 $0x10;
	s8 =	simm.s32 $0x0;
	s10 =	simm.s32 $0x0;
	v28 =	vld [tilespmem:s7+$0x0]  }
.LBB2_72:
0x288: {  	p0 =	sne.s32 s9, $0x1F0;
	_ =	sdelay $0x3  }
0x289: {  	v29 =	vshll.u32 v28, $0x9  }
0x28a: {  	v28 =	vadd.s32 $0xFFFFFDA8, v28;
	v29 =	vadd.s32 s8, v29;
	s8 =	smov.u32 s9  }
0x28b: {  	vm0 =	vlt.u32 v28, $0x28;
	v28 =	vadd.s32 v18, v29  }
0x28c: {  	v28 =	vor.u32 v2, v28;
	_ =	sdelay $0x1  }
.Ltmp35:
0x28d: {  	(pc) =	sbr.rel @p0 .LBB2_72-.Ltmp35, $3  }
0x28e: {  	_ =	sdelay $0x1  }
0x28f: {  	s10 =	sadd.s32 $0x10, s10;
	[tilespmem:v28+s4+$0x0] =	vst.idx.msk vm0, v1  }
0x290: {  	s9 =	sadd.s32 $0x10, s9;
	v28 =	vld [tilespmem:s10+$0x0]  }
0x291: {  	_ =	sdelay $0x3  }
0x292: {  	v29 =	vshll.u32 v28, $0x9  }
0x293: {  	v28 =	vadd.s32 $0xFFFFFDA8, v28;
	v29 =	vadd.s32 s8, v29  }
0x294: {  	vm0 =	vlt.u32 v28, $0x28;
	v28 =	vadd.s32 v18, v29  }
0x295: {  	v28 =	vor.u32 v2, v28;
	_ =	sdelay $0x4  }
0x296: {  	[tilespmem:v28+s4+$0x0] =	vst.idx.msk vm0, v1  }
0x297: {  	s9 =	simm.s32 $0x0;
	s8 =	simm.s32 $0x10;
	v28 =	vld [tilespmem:s7+$0x0]  }
.LBB2_74:
0x298: {  	p0 =	sne.s32 s8, $0x1F0;
	_ =	sdelay $0x3  }
0x299: {  	v29 =	vshll.u32 v28, $0x9  }
0x29a: {  	v28 =	vadd.s32 $0xFFFFFD08, v28;
	v29 =	vadd.s32 s7, v29;
	s7 =	smov.u32 s8  }
0x29b: {  	vm0 =	vlt.u32 v28, $0x28;
	v28 =	vadd.s32 v22, v29  }
0x29c: {  	v28 =	vor.u32 v2, v28;
	_ =	sdelay $0x1  }
.Ltmp36:
0x29d: {  	(pc) =	sbr.rel @p0 .LBB2_74-.Ltmp36, $3  }
0x29e: {  	_ =	sdelay $0x1  }
0x29f: {  	s9 =	sadd.s32 $0x10, s9;
	[tilespmem:v28+s4+$0x0] =	vst.idx.msk vm0, v13  }
0x2a0: {  	s8 =	sadd.s32 $0x10, s8;
	v28 =	vld [tilespmem:s9+$0x0]  }
0x2a1: {  	_ =	sdelay $0x3  }
0x2a2: {  	v29 =	vshll.u32 v28, $0x9  }
0x2a3: {  	v28 =	vadd.s32 $0xFFFFFD08, v28;
	v29 =	vadd.s32 s7, v29  }
0x2a4: {  	vm0 =	vlt.u32 v28, $0x28;
	v28 =	vadd.s32 v22, v29  }
0x2a5: {  	v28 =	vor.u32 v2, v28;
	_ =	sdelay $0x4  }
0x2a6: {  	[tilespmem:v28+s4+$0x0] =	vst.idx.msk vm0, v13  }
0x2a7: {  	[hbm4b:s18+s1] =	stream.strided.scatter [tilespmem:s4], [sflag:$0x1], $0x5000, s0, s1, $0x38;
	[tilespmem:$0x14200] =	vst v63  }
0x2a8: {  	_ =	swait.ge [sflag:s5], $0x5000  }
0x2a9: {  	[sflag:s5] =	ssyncset.done $0x0  }
0x2aa: {  	s7 =	simm.s32 $0x0;
	[sflag:s5] =	ssyncadd.s32 $0xFFFFB000  }
0x2ab: {  	s9 =	simm.s32 $0x10;
	s8 =	simm.s32 $0x0;
	s10 =	simm.s32 $0x0;
	v28 =	vld [tilespmem:s7+$0x0]  }
.LBB2_76:
0x2ac: {  	p0 =	sne.s32 s9, $0x1F0;
	_ =	sdelay $0x3  }
0x2ad: {  	v29 =	vshll.u32 v28, $0x9  }
0x2ae: {  	v28 =	vadd.s32 $0xFFFFFD80, v28;
	v29 =	vadd.s32 s8, v29;
	s8 =	smov.u32 s9  }
0x2af: {  	vm0 =	vlt.u32 v28, $0x28;
	v28 =	vadd.s32 v19, v29  }
0x2b0: {  	v28 =	vor.u32 v2, v28;
	_ =	sdelay $0x1  }
.Ltmp37:
0x2b1: {  	(pc) =	sbr.rel @p0 .LBB2_76-.Ltmp37, $3  }
0x2b2: {  	_ =	sdelay $0x1  }
0x2b3: {  	s10 =	sadd.s32 $0x10, s10;
	[tilespmem:v28+s1+$0x0] =	vst.idx.msk vm0, v1  }
0x2b4: {  	s9 =	sadd.s32 $0x10, s9;
	v28 =	vld [tilespmem:s10+$0x0]  }
0x2b5: {  	_ =	sdelay $0x3  }
0x2b6: {  	v29 =	vshll.u32 v28, $0x9  }
0x2b7: {  	v28 =	vadd.s32 $0xFFFFFD80, v28;
	v29 =	vadd.s32 s8, v29  }
0x2b8: {  	vm0 =	vlt.u32 v28, $0x28;
	v28 =	vadd.s32 v19, v29  }
0x2b9: {  	v28 =	vor.u32 v2, v28;
	_ =	sdelay $0x4  }
0x2ba: {  	[tilespmem:v28+s1+$0x0] =	vst.idx.msk vm0, v1  }
0x2bb: {  	s9 =	simm.s32 $0x0;
	s8 =	simm.s32 $0x10;
	v28 =	vld [tilespmem:s7+$0x0]  }
.LBB2_78:
0x2bc: {  	p0 =	sne.s32 s8, $0x1F0;
	_ =	sdelay $0x3  }
0x2bd: {  	v29 =	vshll.u32 v28, $0x9  }
0x2be: {  	v28 =	vadd.s32 $0xFFFFFCE0, v28;
	v29 =	vadd.s32 s7, v29;
	s7 =	smov.u32 s8  }
0x2bf: {  	vm0 =	vlt.u32 v28, $0x28;
	v28 =	vadd.s32 v23, v29  }
0x2c0: {  	v28 =	vor.u32 v2, v28;
	_ =	sdelay $0x1  }
.Ltmp38:
0x2c1: {  	(pc) =	sbr.rel @p0 .LBB2_78-.Ltmp38, $3  }
0x2c2: {  	_ =	sdelay $0x1  }
0x2c3: {  	s9 =	sadd.s32 $0x10, s9;
	[tilespmem:v28+s1+$0x0] =	vst.idx.msk vm0, v13  }
0x2c4: {  	s8 =	sadd.s32 $0x10, s8;
	v28 =	vld [tilespmem:s9+$0x0]  }
0x2c5: {  	_ =	sdelay $0x3  }
0x2c6: {  	v29 =	vshll.u32 v28, $0x9  }
0x2c7: {  	v28 =	vadd.s32 $0xFFFFFCE0, v28;
	v29 =	vadd.s32 s7, v29  }
0x2c8: {  	vm0 =	vlt.u32 v28, $0x28;
	v28 =	vadd.s32 v23, v29  }
0x2c9: {  	v28 =	vor.u32 v2, v28;
	_ =	sdelay $0x4  }
0x2ca: {  	[tilespmem:v28+s1+$0x0] =	vst.idx.msk vm0, v13  }
0x2cb: {  	[hbm4b:s20+s1] =	stream.strided.scatter [tilespmem:s1], [sflag:$0x1], $0x5000, s0, s1, $0x38;
	[tilespmem:$0x14200] =	vst v63  }
0x2cc: {  	_ =	swait.ge [sflag:s5], $0x5000  }
0x2cd: {  	[sflag:s5] =	ssyncset.done $0x0  }
0x2ce: {  	s7 =	simm.s32 $0x0;
	[sflag:s5] =	ssyncadd.s32 $0xFFFFB000  }
0x2cf: {  	s9 =	simm.s32 $0x10;
	s8 =	simm.s32 $0x0;
	s10 =	simm.s32 $0x0;
	v28 =	vld [tilespmem:s7+$0x0]  }
.LBB2_80:
0x2d0: {  	p0 =	sne.s32 s9, $0x1F0;
	_ =	sdelay $0x3  }
0x2d1: {  	v29 =	vshll.u32 v28, $0x9  }
0x2d2: {  	v28 =	vadd.s32 $0xFFFFFD58, v28;
	v29 =	vadd.s32 s8, v29;
	s8 =	smov.u32 s9  }
0x2d3: {  	vm0 =	vlt.u32 v28, $0x28;
	v28 =	vadd.s32 v20, v29  }
0x2d4: {  	v28 =	vor.u32 v2, v28;
	_ =	sdelay $0x1  }
.Ltmp39:
0x2d5: {  	(pc) =	sbr.rel @p0 .LBB2_80-.Ltmp39, $3  }
0x2d6: {  	_ =	sdelay $0x1  }
0x2d7: {  	s10 =	sadd.s32 $0x10, s10;
	[tilespmem:v28+s2+$0x0] =	vst.idx.msk vm0, v1  }
0x2d8: {  	s9 =	sadd.s32 $0x10, s9;
	v28 =	vld [tilespmem:s10+$0x0]  }
0x2d9: {  	_ =	sdelay $0x3  }
0x2da: {  	v29 =	vshll.u32 v28, $0x9  }
0x2db: {  	v28 =	vadd.s32 $0xFFFFFD58, v28;
	v29 =	vadd.s32 s8, v29  }
0x2dc: {  	vm0 =	vlt.u32 v28, $0x28;
	v28 =	vadd.s32 v20, v29  }
0x2dd: {  	v28 =	vor.u32 v2, v28;
	_ =	sdelay $0x4  }
0x2de: {  	[tilespmem:v28+s2+$0x0] =	vst.idx.msk vm0, v1  }
0x2df: {  	s9 =	simm.s32 $0x0;
	s8 =	simm.s32 $0x10;
	v28 =	vld [tilespmem:s7+$0x0]  }
.LBB2_82:
0x2e0: {  	p0 =	sne.s32 s8, $0x1F0;
	_ =	sdelay $0x3  }
0x2e1: {  	v29 =	vshll.u32 v28, $0x9  }
0x2e2: {  	v28 =	vadd.s32 $0xFFFFFCB8, v28;
	v29 =	vadd.s32 s7, v29;
	s7 =	smov.u32 s8  }
0x2e3: {  	vm0 =	vlt.u32 v28, $0x28;
	v28 =	vadd.s32 v24, v29  }
0x2e4: {  	v28 =	vor.u32 v2, v28;
	_ =	sdelay $0x1  }
.Ltmp40:
0x2e5: {  	(pc) =	sbr.rel @p0 .LBB2_82-.Ltmp40, $3  }
0x2e6: {  	_ =	sdelay $0x1  }
0x2e7: {  	s9 =	sadd.s32 $0x10, s9;
	[tilespmem:v28+s2+$0x0] =	vst.idx.msk vm0, v13  }
0x2e8: {  	s8 =	sadd.s32 $0x10, s8;
	v28 =	vld [tilespmem:s9+$0x0]  }
0x2e9: {  	_ =	sdelay $0x3  }
0x2ea: {  	v29 =	vshll.u32 v28, $0x9  }
0x2eb: {  	v28 =	vadd.s32 $0xFFFFFCB8, v28;
	v29 =	vadd.s32 s7, v29  }
0x2ec: {  	vm0 =	vlt.u32 v28, $0x28;
	v28 =	vadd.s32 v24, v29  }
0x2ed: {  	v28 =	vor.u32 v2, v28;
	_ =	sdelay $0x4  }
0x2ee: {  	[tilespmem:v28+s2+$0x0] =	vst.idx.msk vm0, v13  }
0x2ef: {  	[hbm4b:s22+s1] =	stream.strided.scatter [tilespmem:s2], [sflag:$0x1], $0x5000, s0, s1, $0x38;
	[tilespmem:$0x14200] =	vst v63  }
0x2f0: {  	_ =	swait.ge [sflag:s5], $0x5000  }
0x2f1: {  	[sflag:s5] =	ssyncset.done $0x0  }
0x2f2: {  	s7 =	simm.s32 $0x0;
	[sflag:s5] =	ssyncadd.s32 $0xFFFFB000  }
0x2f3: {  	s9 =	simm.s32 $0x10;
	s8 =	simm.s32 $0x0;
	s10 =	simm.s32 $0x0;
	v28 =	vld [tilespmem:s7+$0x0]  }
.LBB2_84:
0x2f4: {  	p0 =	sne.s32 s9, $0x1F0;
	_ =	sdelay $0x3  }
0x2f5: {  	v29 =	vshll.u32 v28, $0x9  }
0x2f6: {  	v28 =	vadd.s32 $0xFFFFFD30, v28;
	v29 =	vadd.s32 s8, v29;
	s8 =	smov.u32 s9  }
0x2f7: {  	vm0 =	vlt.u32 v28, $0x28;
	v28 =	vadd.s32 v21, v29  }
0x2f8: {  	v28 =	vor.u32 v2, v28;
	_ =	sdelay $0x1  }
.Ltmp41:
0x2f9: {  	(pc) =	sbr.rel @p0 .LBB2_84-.Ltmp41, $3  }
0x2fa: {  	_ =	sdelay $0x1  }
0x2fb: {  	s10 =	sadd.s32 $0x10, s10;
	[tilespmem:v28+s3+$0x0] =	vst.idx.msk vm0, v1  }
0x2fc: {  	s9 =	sadd.s32 $0x10, s9;
	v28 =	vld [tilespmem:s10+$0x0]  }
0x2fd: {  	_ =	sdelay $0x3  }
0x2fe: {  	v29 =	vshll.u32 v28, $0x9  }
0x2ff: {  	v28 =	vadd.s32 $0xFFFFFD30, v28;
	v29 =	vadd.s32 s8, v29  }
0x300: {  	vm0 =	vlt.u32 v28, $0x28;
	v28 =	vadd.s32 v21, v29  }
0x301: {  	v28 =	vor.u32 v2, v28;
	_ =	sdelay $0x4  }
0x302: {  	[tilespmem:v28+s3+$0x0] =	vst.idx.msk vm0, v1  }
0x303: {  	s9 =	simm.s32 $0x0;
	s8 =	simm.s32 $0x10;
	v28 =	vld [tilespmem:s7+$0x0]  }
.LBB2_86:
0x304: {  	p0 =	sne.s32 s8, $0x1F0;
	_ =	sdelay $0x3  }
0x305: {  	v29 =	vshll.u32 v28, $0x9  }
0x306: {  	v28 =	vadd.s32 $0xFFFFFC90, v28;
	v29 =	vadd.s32 s7, v29;
	s7 =	smov.u32 s8  }
0x307: {  	vm0 =	vlt.u32 v28, $0x28;
	v28 =	vadd.s32 v25, v29  }
0x308: {  	v28 =	vor.u32 v2, v28;
	_ =	sdelay $0x1  }
.Ltmp42:
0x309: {  	(pc) =	sbr.rel @p0 .LBB2_86-.Ltmp42, $3  }
0x30a: {  	_ =	sdelay $0x1  }
0x30b: {  	s9 =	sadd.s32 $0x10, s9;
	[tilespmem:v28+s3+$0x0] =	vst.idx.msk vm0, v13  }
0x30c: {  	s8 =	sadd.s32 $0x10, s8;
	v28 =	vld [tilespmem:s9+$0x0]  }
0x30d: {  	_ =	sdelay $0x3  }
0x30e: {  	v29 =	vshll.u32 v28, $0x9  }
0x30f: {  	v28 =	vadd.s32 $0xFFFFFC90, v28;
	v29 =	vadd.s32 s7, v29  }
0x310: {  	vm0 =	vlt.u32 v28, $0x28;
	v28 =	vadd.s32 v25, v29  }
0x311: {  	v28 =	vor.u32 v2, v28;
	_ =	sdelay $0x4  }
0x312: {  	[tilespmem:v28+s3+$0x0] =	vst.idx.msk vm0, v13  }
0x313: {  	[hbm4b:s24+s1] =	stream.strided.scatter [tilespmem:s3], [sflag:$0x1], $0x5000, s0, s1, $0x38;
	[tilespmem:$0x14200] =	vst v63  }
0x314: {  	_ =	swait.ge [sflag:s5], $0x5000  }
0x315: {  	[sflag:s5] =	ssyncset.done $0x0  }
0x316: {  	s7 =	simm.s32 $0x0;
	[sflag:s5] =	ssyncadd.s32 $0xFFFFB000  }
0x317: {  	s9 =	simm.s32 $0x10;
	s8 =	simm.s32 $0x0;
	s10 =	simm.s32 $0x0;
	v28 =	vld [tilespmem:s7+$0x0]  }
.LBB2_88:
0x318: {  	p0 =	sne.s32 s9, $0x1F0;
	_ =	sdelay $0x3  }
0x319: {  	v29 =	vshll.u32 v28, $0x9  }
0x31a: {  	v28 =	vadd.s32 $0xFFFFFD08, v28;
	v29 =	vadd.s32 s8, v29;
	s8 =	smov.u32 s9  }
0x31b: {  	vm0 =	vlt.u32 v28, $0x28;
	v28 =	vadd.s32 v22, v29  }
0x31c: {  	v28 =	vor.u32 v2, v28;
	_ =	sdelay $0x1  }
.Ltmp43:
0x31d: {  	(pc) =	sbr.rel @p0 .LBB2_88-.Ltmp43, $3  }
0x31e: {  	_ =	sdelay $0x1  }
0x31f: {  	s10 =	sadd.s32 $0x10, s10;
	[tilespmem:v28+s4+$0x0] =	vst.idx.msk vm0, v1  }
0x320: {  	s9 =	sadd.s32 $0x10, s9;
	v28 =	vld [tilespmem:s10+$0x0]  }
0x321: {  	_ =	sdelay $0x3  }
0x322: {  	v29 =	vshll.u32 v28, $0x9  }
0x323: {  	v28 =	vadd.s32 $0xFFFFFD08, v28;
	v29 =	vadd.s32 s8, v29  }
0x324: {  	vm0 =	vlt.u32 v28, $0x28;
	v28 =	vadd.s32 v22, v29  }
0x325: {  	v28 =	vor.u32 v2, v28;
	_ =	sdelay $0x4  }
0x326: {  	[tilespmem:v28+s4+$0x0] =	vst.idx.msk vm0, v1  }
0x327: {  	s9 =	simm.s32 $0x0;
	s8 =	simm.s32 $0x10;
	v28 =	vld [tilespmem:s7+$0x0]  }
.LBB2_90:
0x328: {  	p0 =	sne.s32 s8, $0x1F0;
	_ =	sdelay $0x3  }
0x329: {  	v29 =	vshll.u32 v28, $0x9  }
0x32a: {  	v28 =	vadd.s32 $0xFFFFFC68, v28;
	v29 =	vadd.s32 s7, v29;
	s7 =	smov.u32 s8  }
0x32b: {  	vm0 =	vlt.u32 v28, $0x28;
	v28 =	vadd.s32 v26, v29  }
0x32c: {  	v28 =	vor.u32 v2, v28;
	_ =	sdelay $0x1  }
.Ltmp44:
0x32d: {  	(pc) =	sbr.rel @p0 .LBB2_90-.Ltmp44, $3  }
0x32e: {  	_ =	sdelay $0x1  }
0x32f: {  	s9 =	sadd.s32 $0x10, s9;
	[tilespmem:v28+s4+$0x0] =	vst.idx.msk vm0, v13  }
0x330: {  	s8 =	sadd.s32 $0x10, s8;
	v28 =	vld [tilespmem:s9+$0x0]  }
0x331: {  	_ =	sdelay $0x3  }
0x332: {  	v29 =	vshll.u32 v28, $0x9  }
0x333: {  	v28 =	vadd.s32 $0xFFFFFC68, v28;
	v29 =	vadd.s32 s7, v29  }
0x334: {  	vm0 =	vlt.u32 v28, $0x28;
	v28 =	vadd.s32 v26, v29  }
0x335: {  	v28 =	vor.u32 v2, v28;
	_ =	sdelay $0x4  }
0x336: {  	[tilespmem:v28+s4+$0x0] =	vst.idx.msk vm0, v13  }
0x337: {  	[hbm4b:s25+s1] =	stream.strided.scatter [tilespmem:s4], [sflag:$0x1], $0x5000, s0, s1, $0x38;
	[tilespmem:$0x14200] =	vst v63  }
0x338: {  	_ =	swait.ge [sflag:s5], $0x5000  }
0x339: {  	[sflag:s5] =	ssyncset.done $0x0  }
0x33a: {  	s7 =	simm.s32 $0x0;
	[sflag:s5] =	ssyncadd.s32 $0xFFFFB000  }
0x33b: {  	s9 =	simm.s32 $0x10;
	s8 =	simm.s32 $0x0;
	s10 =	simm.s32 $0x0;
	v28 =	vld [tilespmem:s7+$0x0]  }
.LBB2_92:
0x33c: {  	p0 =	sne.s32 s9, $0x1F0;
	_ =	sdelay $0x3  }
0x33d: {  	v29 =	vshll.u32 v28, $0x9  }
0x33e: {  	v28 =	vadd.s32 $0xFFFFFCE0, v28;
	v29 =	vadd.s32 s8, v29;
	s8 =	smov.u32 s9  }
0x33f: {  	vm0 =	vlt.u32 v28, $0x28;
	v28 =	vadd.s32 v23, v29  }
0x340: {  	v28 =	vor.u32 v2, v28;
	_ =	sdelay $0x1  }
.Ltmp45:
0x341: {  	(pc) =	sbr.rel @p0 .LBB2_92-.Ltmp45, $3  }
0x342: {  	_ =	sdelay $0x1  }
0x343: {  	s10 =	sadd.s32 $0x10, s10;
	[tilespmem:v28+s1+$0x0] =	vst.idx.msk vm0, v1  }
0x344: {  	s9 =	sadd.s32 $0x10, s9;
	v28 =	vld [tilespmem:s10+$0x0]  }
0x345: {  	_ =	sdelay $0x3  }
0x346: {  	v29 =	vshll.u32 v28, $0x9  }
0x347: {  	v28 =	vadd.s32 $0xFFFFFCE0, v28;
	v29 =	vadd.s32 s8, v29  }
0x348: {  	vm0 =	vlt.u32 v28, $0x28;
	v28 =	vadd.s32 v23, v29  }
0x349: {  	v28 =	vor.u32 v2, v28;
	_ =	sdelay $0x4  }
0x34a: {  	[tilespmem:v28+s1+$0x0] =	vst.idx.msk vm0, v1  }
0x34b: {  	s9 =	simm.s32 $0x0;
	s8 =	simm.s32 $0x10;
	v28 =	vld [tilespmem:s7+$0x0]  }
.LBB2_94:
0x34c: {  	p0 =	sne.s32 s8, $0x1F0;
	_ =	sdelay $0x3  }
0x34d: {  	v29 =	vshll.u32 v28, $0x9  }
0x34e: {  	v28 =	vadd.s32 $0xFFFFFC40, v28;
	v29 =	vadd.s32 s7, v29;
	s7 =	smov.u32 s8  }
0x34f: {  	vm0 =	vlt.u32 v28, $0x28;
	v28 =	vadd.s32 v27, v29  }
0x350: {  	v28 =	vor.u32 v2, v28;
	_ =	sdelay $0x1  }
.Ltmp46:
0x351: {  	(pc) =	sbr.rel @p0 .LBB2_94-.Ltmp46, $3  }
0x352: {  	_ =	sdelay $0x1  }
0x353: {  	s9 =	sadd.s32 $0x10, s9;
	[tilespmem:v28+s1+$0x0] =	vst.idx.msk vm0, v13  }
0x354: {  	s8 =	sadd.s32 $0x10, s8;
	v28 =	vld [tilespmem:s9+$0x0]  }
0x355: {  	_ =	sdelay $0x3  }
0x356: {  	v29 =	vshll.u32 v28, $0x9  }
0x357: {  	v28 =	vadd.s32 $0xFFFFFC40, v28;
	v29 =	vadd.s32 s7, v29  }
0x358: {  	vm0 =	vlt.u32 v28, $0x28;
	v28 =	vadd.s32 v27, v29  }
0x359: {  	v28 =	vor.u32 v2, v28;
	_ =	sdelay $0x4  }
0x35a: {  	[tilespmem:v28+s1+$0x0] =	vst.idx.msk vm0, v13  }
0x35b: {  	[hbm4b:s29+s1] =	stream.strided.scatter [tilespmem:s1], [sflag:$0x1], $0x5000, s0, s1, $0x38;
	[tilespmem:$0x14200] =	vst v63  }
0x35c: {  	_ =	swait.ge [sflag:s5], $0x5000  }
0x35d: {  	[sflag:s5] =	ssyncset.done $0x0  }
0x35e: {  	[sflag:s5] =	ssyncadd.s32 $0xFFFFB000  }
0x35f: {  	_ =	swait.ge [sflag:s5], $0x5000  }
0x360: {  	[sflag:s5] =	ssyncset.done $0x0  }
0x361: {  	s6 =	sadd.s32 $0x1, s6;
	[sflag:s5] =	ssyncadd.s32 $0xFFFFB000  }
0x362: {  	p0 =	sne.s32 s6, s30;
	_ =	swait.ge [sflag:s5], $0x5000  }
.Ltmp47:
0x363: {  	[sflag:s5] =	ssyncset.done $0x0;
	(pc) =	sbr.rel @p0 .LBB2_1-.Ltmp47, $4  }
0x364: {  	[sflag:s5] =	ssyncadd.s32 $0xFFFFB000  }
0x365: {  	_ =	swait.ge [sflag:s5], $0x5000  }
0x366: {  	[sflag:s5] =	ssyncset.done $0x0  }
0x367: {  	[sflag:s5] =	ssyncadd.s32 $0xFFFFB000  }
0x368: {  	_ =	sfence.sel $0x180000  }
0x369: {  	[bflag:$0x0] =	sbarrier.arrive $0xFFFF  }
0x36a: {  	_ =	strace $0x90000047  }
0x36b: {  	s0 =	stileid.u32;
	[bflag:$0x2] =	sbarrier.arrive $0xFFFF  }
0x36c: {  	p0 =	sne.s32 s0, $0x0;
	s0 =	rddreg [dreg:$0x2]  }
0x36d: {  	s0 =	sadd.s32 @!p0 $0x100000, s0  }
0x36e: {  	[sflag:s0] =	ssyncadd.tile.s32 @!p0 $0x1;
	_ =	shalt  }
.Lfunc_end2:
_tile_overlayer_lowered:
.L_overlay_start_2:
0x36f: {  	(tag) =	ssettag $0x2  }
0x370: {  	s0 =	rddreg [dreg:$0x0];
	s2 =	stileid.u32  }
0x371: {  	s1 =	rddreg [dreg:$0x1];
	p0 =	sne.s32 s2, $0x0  }
0x372: {  	s3 =	rddreg [dreg:$0x2];
	[bflag:$0x3] =	sbarrier.arrive $0xFFFF;
	s2 =	simm.s32 @!p0 $0x1C02  }
0x373: {  	[timem:s3], [sflag:s2] =	dma.local @!p0 [hbm:s0], s1  }
0x374: {  	s0 =	simm.s32 @!p0 $0x2  }
0x375: {  	_ =	swait.ge @!p0 [sflag:s0], s1  }
0x376: {  	s1 =	ssub.s32 @!p0 $0x0, s1;
	[sflag:s0] =	ssyncset.done @!p0 $0x0  }
0x377: {  	[sflag:s0] =	ssyncadd.s32 @!p0 s1  }
0x378: {  	[bflag:$0x3] =	sbarrier.arrive $0xFFFF  }
0x379: {  	_ =	shalt  }

</sc_bundles>
